<compile_context>
chip_gen: v7x
topology: tpu7x:2x2x1
jax: 0.10.2.dev20260603
libtpu: 0.0.44.dev20260713+nightly
codegen_flags: <defaults>
</compile_context>

<pallas_src>
import functools

import jax
import jax.numpy as jnp
from jax import lax
from jax.experimental import pallas as pl
from jax.experimental.pallas import tpu as pltpu
from jax.experimental.pallas import tpu_sc as plsc

NC = 2
NS = 16
NW = NC * NS
B_EDGE = 80
NBUF = 5
ZTILES = 10
DEG_COLS = 16

_mesh = plsc.VectorSubcoreMesh(core_axis_name="c", subcore_axis_name="s")
_sc_params = pltpu.CompilerParams(use_tc_tiling_on_sc=False,
                                  needs_layout_passes=False)


def _make_deg_kernel(n, k_steps):
    zrows = n // ZTILES
    zrows_pad = -(-zrows // 16) * 16

    @functools.partial(
        pl.kernel,
        out_type=(jax.ShapeDtypeStruct((NC, n, DEG_COLS), jnp.float32),
                  jax.ShapeDtypeStruct((NC, n), jnp.float32)),
        mesh=_mesh,
        scratch_types=[
            pltpu.VMEM((k_steps, B_EDGE), jnp.int32),
            pltpu.VMEM((B_EDGE, DEG_COLS), jnp.float32),
            pltpu.VMEM((zrows_pad, DEG_COLS), jnp.float32),
            pltpu.VMEM((zrows_pad,), jnp.float32),
            pltpu.VMEM_SHARED((n, DEG_COLS), jnp.float32),
            pltpu.SemaphoreType.DMA,
        ],
        compiler_params=_sc_params,
    )
    def deg_kernel(ei_hbm, ones_hbm, zeros_hbm, slab_hbm, col_hbm,
                   dst_v, ones_v, stage_v, colbuf_v, acc_sh, sem):
        cid = lax.axis_index("c")
        sid = lax.axis_index("s")
        wid = sid * NC + cid
        pltpu.sync_copy(ei_hbm.at[1, wid], dst_v)
        pltpu.sync_copy(ones_hbm, ones_v)

        @pl.when(sid < ZTILES)
        def _():
            pltpu.sync_copy(zeros_hbm, acc_sh.at[pl.ds(sid * zrows, zrows)])

        plsc.subcore_barrier()

        def body(j, carry):
            pltpu.async_copy(ones_v, acc_sh.at[dst_v.at[j]], sem, add=True)
            return carry

        lax.fori_loop(0, k_steps, body, 0)

        def drain(j, carry):
            pltpu.make_async_copy(ones_v, acc_sh.at[dst_v.at[0]], sem).wait()
            return carry

        lax.fori_loop(0, k_steps, drain, 0)
        plsc.subcore_barrier()

        @pl.when(sid < ZTILES)
        def _():
            pltpu.sync_copy(acc_sh.at[pl.ds(sid * zrows, zrows)],
                            slab_hbm.at[cid, pl.ds(sid * zrows, zrows)])
            pltpu.sync_copy(acc_sh.at[pl.ds(sid * zrows, zrows)],
                            stage_v.at[pl.ds(0, zrows)])
            zero16 = jnp.zeros((16,), jnp.int32)
            base16 = lax.iota(jnp.int32, 16)

            def col(r, carry):
                idx = base16 + r * 16
                colbuf_v[pl.ds(r * 16, 16)] = plsc.load_gather(
                    stage_v, [idx, zero16])
                return carry

            lax.fori_loop(0, zrows_pad // 16, col, 0)
            pltpu.sync_copy(colbuf_v.at[pl.ds(0, zrows)],
                            col_hbm.at[cid, pl.ds(sid * zrows, zrows)])

    return deg_kernel


def _make_edge_scatter_kernel(n, d, k_steps):
    zrows = n // ZTILES

    @functools.partial(
        pl.kernel,
        out_type=jax.ShapeDtypeStruct((NC, n, d), jnp.float32),
        mesh=_mesh,
        scratch_types=(
            [pltpu.VMEM((k_steps, B_EDGE), jnp.int32),
             pltpu.VMEM((k_steps, B_EDGE), jnp.int32)]
            + [pltpu.VMEM((B_EDGE, d), jnp.float32) for _ in range(NBUF)]
            + [pltpu.VMEM_SHARED((n, d), jnp.float32)]
            + [pltpu.SemaphoreType.DMA for _ in range(2 * NBUF)]
        ),
        compiler_params=_sc_params,
    )
    def edge_kernel(hs_hbm, ei_hbm, zeros_hbm, out_hbm, src_v, dst_v, *rest):
        bufs = rest[:NBUF]
        acc_sh = rest[NBUF]
        gsem = rest[NBUF + 1:NBUF + 1 + NBUF]
        ssem = rest[NBUF + 1 + NBUF:]
        cid = lax.axis_index("c")
        sid = lax.axis_index("s")
        wid = sid * NC + cid
        pltpu.sync_copy(ei_hbm.at[0, wid], src_v)
        pltpu.sync_copy(ei_hbm.at[1, wid], dst_v)

        @pl.when(sid < ZTILES)
        def _():
            pltpu.sync_copy(zeros_hbm, acc_sh.at[pl.ds(sid * zrows, zrows)])

        plsc.subcore_barrier()

        for b in range(NBUF):
            pltpu.async_copy(hs_hbm.at[src_v.at[b]], bufs[b], gsem[b])

        def body(i, carry):
            j0 = i * NBUF
            for b in range(NBUF):
                pltpu.make_async_copy(hs_hbm.at[src_v.at[0]], bufs[b], gsem[b]).wait()
                pltpu.async_copy(bufs[b], acc_sh.at[dst_v.at[j0 + b]], ssem[b], add=True)
            for b in range(NBUF):
                pltpu.make_async_copy(bufs[b], acc_sh.at[dst_v.at[0]], ssem[b]).wait()
                pltpu.async_copy(hs_hbm.at[src_v.at[j0 + NBUF + b]], bufs[b], gsem[b])
            return carry

        lax.fori_loop(0, k_steps // NBUF - 1, body, 0)

        j0 = k_steps - NBUF
        descs = []
        for b in range(NBUF):
            pltpu.make_async_copy(hs_hbm.at[src_v.at[0]], bufs[b], gsem[b]).wait()
            descs.append(
                pltpu.async_copy(bufs[b], acc_sh.at[dst_v.at[j0 + b]], ssem[b], add=True))
        for dsc in descs:
            dsc.wait()
        plsc.subcore_barrier()

        @pl.when(sid < ZTILES)
        def _():
            pltpu.sync_copy(acc_sh.at[pl.ds(sid * zrows, zrows)],
                            out_hbm.at[cid, pl.ds(sid * zrows, zrows)])

    return edge_kernel


def _tc1_body(degc_ref, x_ref, w1_ref, hs_ref):
    dp = degc_ref[...]
    deg = dp[0] + dp[1] + 1.0
    dis = lax.rsqrt(deg)
    h = jnp.dot(x_ref[...], w1_ref[...], preferred_element_type=jnp.float32)
    hs_ref[...] = h * dis.reshape(-1, 1)


def _expand_dis(dis, groups, width):
    parts = [jnp.broadcast_to(dis[:, 16 * j:16 * j + 1],
                              (dis.shape[0], width))
             for j in range(groups)]
    return jnp.concatenate(parts, axis=1)


def _tc2_body(degp_ref, accp_ref, hs1p_ref, w2p_ref, b1p_ref, hs2p_ref):
    dq = degp_ref[...]
    disp = lax.rsqrt(dq[0] + dq[1] + 1.0)
    dpz = _expand_dis(disp, 2, 64)
    dph = _expand_dis(disp, 2, 32)
    a = accp_ref[...]
    z = jnp.maximum((a[0] + a[1] + hs1p_ref[...]) * dpz + b1p_ref[...], 0.0)
    h2 = jnp.dot(z, w2p_ref[...], preferred_element_type=jnp.float32)
    hs2p_ref[...] = h2 * dph


def _tc3_body(degq_ref, accq_ref, hs2q_ref, b2q_ref, out_ref):
    dq = degq_ref[...]
    disq = lax.rsqrt(dq[0] + dq[1] + 1.0)
    dpo = _expand_dis(disq, 4, 32)
    a = accq_ref[...]
    out_ref[...] = (a[0] + a[1] + hs2q_ref[...]) * dpo + b2q_ref[...]


def kernel(x, edge_index, W1, b1, W2, b2):
    n, d_in = x.shape
    d_hid = W1.shape[1]
    d_out = W2.shape[1]
    e = edge_index.shape[1]
    assert n % ZTILES == 0 and n % 4 == 0
    assert e % (NW * B_EDGE * NBUF) == 0
    assert 2 * d_hid == 128 and 4 * d_out == 128
    k_steps = e // (NW * B_EDGE)
    zrows = n // ZTILES
    np2 = n // 2
    nq4 = n // 4

    ei = edge_index.reshape(2, NW, k_steps, B_EDGE)
    ones16 = jnp.ones((B_EDGE, DEG_COLS), jnp.float32)
    zeros16 = jnp.zeros((zrows, DEG_COLS), jnp.float32)
    zeros_h = jnp.zeros((zrows, d_hid), jnp.float32)
    zeros_o = jnp.zeros((zrows, d_out), jnp.float32)

    eye2 = jnp.eye(2, dtype=jnp.float32)
    eye4 = jnp.eye(4, dtype=jnp.float32)
    w2p = jnp.kron(eye2, W2)
    b1p = jnp.tile(b1, 2).reshape(1, 2 * d_hid)
    b2q = jnp.tile(b2, 4).reshape(1, 4 * d_out)

    degslab, degcol = _make_deg_kernel(n, k_steps)(ei, ones16, zeros16)

    hs1 = pl.pallas_call(
        _tc1_body,
        out_shape=jax.ShapeDtypeStruct((n, d_hid), jnp.float32),
    )(degcol, x, W1)
    hs1 = hs1.reshape(n * d_hid).reshape(n, d_hid)

    acc1 = _make_edge_scatter_kernel(n, d_hid, k_steps)(hs1, ei, zeros_h)

    hs2p = pl.pallas_call(
        _tc2_body,
        out_shape=jax.ShapeDtypeStruct((np2, 2 * d_out), jnp.float32),
    )(degslab.reshape(NC, np2, 2 * DEG_COLS),
      acc1.reshape(NC, np2, 2 * d_hid),
      hs1.reshape(np2, 2 * d_hid),
      w2p, b1p)
    hs2 = hs2p.reshape(n, d_out)

    acc2 = _make_edge_scatter_kernel(n, d_out, k_steps)(hs2, ei, zeros_o)

    outq = pl.pallas_call(
        _tc3_body,
        out_shape=jax.ShapeDtypeStruct((nq4, 4 * d_out), jnp.float32),
    )(degslab.reshape(NC, nq4, 4 * DEG_COLS),
      acc2.reshape(NC, nq4, 4 * d_out),
      hs2.reshape(nq4, 4 * d_out),
      b2q)

    return outq.reshape(n, d_out)

# --- scband reference (transcript-rebuilt; emitter-appended) ---
"""Pipeline reference for scband-temporal-gnn-47931835023433 (READ-ONLY COPY).

The authoritative reference and input builder live on the scoring server;
editing this copy changes nothing except your own understanding.
"""

import jax, jax.numpy as jnp
import numpy as np

N = 10000
E = 320000
D_IN, D_HID, D_OUT = 128, 64, 32


def gcn_conv(x, edge_index, W, b):
    n = x.shape[0]
    # add self loops (PyG GCNConv default add_self_loops=True)
    loop = jnp.arange(n, dtype=edge_index.dtype)
    src = jnp.concatenate([edge_index[0], loop])
    dst = jnp.concatenate([edge_index[1], loop])
    # linear transform first
    h = x @ W
    # symmetric normalization D^{-1/2} A_hat D^{-1/2}
    deg = jnp.zeros((n,), dtype=x.dtype).at[dst].add(1.0)
    deg_inv_sqrt = jnp.where(deg > 0, 1.0 / jnp.sqrt(deg), 0.0)
    norm = deg_inv_sqrt[src] * deg_inv_sqrt[dst]
    msg = h[src] * norm[:, None]
    out = jnp.zeros((n, W.shape[1]), dtype=x.dtype).at[dst].add(msg)
    return out + b


def setup_inputs(seed: int = 0):
    key = jax.random.key(seed)
    k1, k2, k3, k4, k5, k6 = jax.random.split(key, 6)
    x = jax.random.normal(k1, (N, D_IN), dtype=jnp.float32)
    edge_index = jax.random.randint(k2, (2, E), 0, N, dtype=jnp.int32)
    W1 = jax.random.normal(k3, (D_IN, D_HID), dtype=jnp.float32) * (1.0 / np.sqrt(D_IN))
    b1 = jnp.zeros((D_HID,), dtype=jnp.float32)
    W2 = jax.random.normal(k4, (D_HID, D_OUT), dtype=jnp.float32) * (1.0 / np.sqrt(D_HID))
    b2 = jnp.zeros((D_OUT,), dtype=jnp.float32)
    return {"x": x, "edge_index": edge_index, "W1": W1, "b1": b1, "W2": W2, "b2": b2}


def reference(x, edge_index, W1, b1, W2, b2):
    h = gcn_conv(x, edge_index, W1, b1)
    h = jax.nn.relu(h)
    out = gcn_conv(h, edge_index, W2, b2)
    return out

if __name__ == "__main__":
    import jax
    _d = setup_inputs()
    print(jax.jit(kernel)(*tuple(_d.values())))

</pallas_src>

<mosaic_0001>
#map = affine_map<(d0, d1) -> (0, 0, 0, 0)>
#map1 = affine_map<(d0, d1) -> (0, 0)>
#map2 = affine_map<(d0, d1) -> (0, 0, 0)>
module attributes {stable_mosaic.version = 14 : i64} {
  func.func @deg_kernel(%arg0: i32, %arg1: i32, %arg2: memref<2x32x125x80xi32, #tpu.memory_space<hbm>>, %arg3: memref<80x16xf32, #tpu.memory_space<hbm>>, %arg4: memref<1000x16xf32, #tpu.memory_space<hbm>>, %arg5: memref<2x10000x16xf32, #tpu.memory_space<hbm>>, %arg6: memref<2x10000xf32, #tpu.memory_space<hbm>>, %arg7: memref<125x80xi32, #tpu.memory_space<vmem>>, %arg8: memref<80x16xf32, #tpu.memory_space<vmem>>, %arg9: memref<1008x16xf32, #tpu.memory_space<vmem>>, %arg10: memref<1008xf32, #tpu.memory_space<vmem>>, %arg11: memref<10000x16xf32, #tpu.memory_space<vmem_shared>>, %arg12: memref<!tpu.dma_semaphore, #tpu.memory_space<semaphore_mem>>) attributes {dimension_semantics = [#tpu.dimension_semantics<core_parallel>, #tpu.dimension_semantics<subcore_parallel>], iteration_bounds = array<i64: 2, 16>, scalar_prefetch = 0 : i64, scratch_operands = 6 : i64, tpu.core_type = #tpu.core_type<sc_vector_subcore>, window_params = [{transform_indices = #map}, {transform_indices = #map1}, {transform_indices = #map1}, {transform_indices = #map2}, {transform_indices = #map1}]} {
    %mul3A = arith.constant 2 : i32
    %mul3A_0 = arith.muli %arg1, %mul3A : i32
    %add3A = arith.addi %mul3A_0, %arg0 : i32
    %run_scoped3A = arith.constant 1 : i32
    "tpu.region"() ({
      %run_scoped3A_20 = tpu.sem_alloc : memref<!tpu.dma_semaphore, #tpu.memory_space<semaphore_mem>>
      %dma_start3A = arith.constant 0 : i32
      %dma_start3A_21 = arith.constant 0 : i32
      %dma_start3A_22 = tpu.memref_slice %arg2[%run_scoped3A, %add3A, %dma_start3A, %dma_start3A_21] : memref<2x32x125x80xi32, #tpu.memory_space<hbm>> -> memref<1x1x125x80xi32, #tpu.memory_space<hbm>>
      %dma_start3A_23 = tpu.memref_squeeze %dma_start3A_22 : memref<1x1x125x80xi32, #tpu.memory_space<hbm>> -> memref<125x80xi32, #tpu.memory_space<hbm>>
      %dma_start3A_24 = arith.constant 0 : i32
      %dma_start3A_25 = arith.constant 0 : i32
      %dma_start3A_26 = tpu.memref_slice %arg2[%run_scoped3A, %add3A, %dma_start3A_24, %dma_start3A_25] : memref<2x32x125x80xi32, #tpu.memory_space<hbm>> -> memref<1x1x125x80xi32, #tpu.memory_space<hbm>>
      %dma_start3A_27 = tpu.memref_squeeze %dma_start3A_26 : memref<1x1x125x80xi32, #tpu.memory_space<hbm>> -> memref<125x80xi32, #tpu.memory_space<hbm>>
      tpu.enqueue_dma source(%dma_start3A_27 : memref<125x80xi32, #tpu.memory_space<hbm>>) target(%arg7 : memref<125x80xi32, #tpu.memory_space<vmem>>) target_semaphore(%run_scoped3A_20 : memref<!tpu.dma_semaphore, #tpu.memory_space<semaphore_mem>>)
      %dma_wait3A = arith.constant 0 : i32
      %dma_wait3A_28 = arith.constant 0 : i32
      %dma_wait3A_29 = tpu.memref_slice %arg2[%run_scoped3A, %add3A, %dma_wait3A, %dma_wait3A_28] : memref<2x32x125x80xi32, #tpu.memory_space<hbm>> -> memref<1x1x125x80xi32, #tpu.memory_space<hbm>>
      %dma_wait3A_30 = tpu.memref_squeeze %dma_wait3A_29 : memref<1x1x125x80xi32, #tpu.memory_space<hbm>> -> memref<125x80xi32, #tpu.memory_space<hbm>>
      %dma_wait3A_31 = arith.constant 0 : i32
      %dma_wait3A_32 = arith.constant 0 : i32
      %dma_wait3A_33 = tpu.memref_slice %arg2[%run_scoped3A, %add3A, %dma_wait3A_31, %dma_wait3A_32] : memref<2x32x125x80xi32, #tpu.memory_space<hbm>> -> memref<1x1x125x80xi32, #tpu.memory_space<hbm>>
      %dma_wait3A_34 = tpu.memref_squeeze %dma_wait3A_33 : memref<1x1x125x80xi32, #tpu.memory_space<hbm>> -> memref<125x80xi32, #tpu.memory_space<hbm>>
      tpu.wait_dma2 semaphore(%run_scoped3A_20 : memref<!tpu.dma_semaphore, #tpu.memory_space<semaphore_mem>>) src(%dma_wait3A_34 : memref<125x80xi32, #tpu.memory_space<hbm>>) dst(%arg7 : memref<125x80xi32, #tpu.memory_space<vmem>>)
      tpu.yield
    }) : () -> ()
    "tpu.region"() ({
      %run_scoped3A_20 = tpu.sem_alloc : memref<!tpu.dma_semaphore, #tpu.memory_space<semaphore_mem>>
      tpu.enqueue_dma source(%arg3 : memref<80x16xf32, #tpu.memory_space<hbm>>) target(%arg8 : memref<80x16xf32, #tpu.memory_space<vmem>>) target_semaphore(%run_scoped3A_20 : memref<!tpu.dma_semaphore, #tpu.memory_space<semaphore_mem>>)
      tpu.wait_dma2 semaphore(%run_scoped3A_20 : memref<!tpu.dma_semaphore, #tpu.memory_space<semaphore_mem>>) src(%arg3 : memref<80x16xf32, #tpu.memory_space<hbm>>) dst(%arg8 : memref<80x16xf32, #tpu.memory_space<vmem>>)
      tpu.yield
    }) : () -> ()
    %lt3A = arith.constant 10 : i32
    %lt3A_1 = arith.cmpi slt, %arg1, %lt3A : i32
    %convert_element_type3A = arith.extui %lt3A_1 : i1 to i32
    %cond3A = arith.constant 0 : i32
    %cond3A_2 = arith.cmpi ne, %convert_element_type3A, %cond3A : i32
    scf.if %cond3A_2 {
      %mul3A_20 = arith.constant 1000 : i32
      %mul3A_21 = arith.muli %arg1, %mul3A_20 : i32
      "tpu.region"() ({
        %run_scoped3A_22 = tpu.sem_alloc : memref<!tpu.dma_semaphore, #tpu.memory_space<semaphore_mem>>
        %dma_start3A = arith.constant 0 : i32
        %dma_start3A_23 = tpu.memref_slice %arg11[%mul3A_21, %dma_start3A] : memref<10000x16xf32, #tpu.memory_space<vmem_shared>> -> memref<1000x16xf32, #tpu.memory_space<vmem_shared>>
        tpu.enqueue_dma source(%arg4 : memref<1000x16xf32, #tpu.memory_space<hbm>>) target(%dma_start3A_23 : memref<1000x16xf32, #tpu.memory_space<vmem_shared>>) target_semaphore(%run_scoped3A_22 : memref<!tpu.dma_semaphore, #tpu.memory_space<semaphore_mem>>)
        %dma_wait3A = arith.constant 0 : i32
        %dma_wait3A_24 = tpu.memref_slice %arg11[%mul3A_21, %dma_wait3A] : memref<10000x16xf32, #tpu.memory_space<vmem_shared>> -> memref<1000x16xf32, #tpu.memory_space<vmem_shared>>
        tpu.wait_dma2 semaphore(%run_scoped3A_22 : memref<!tpu.dma_semaphore, #tpu.memory_space<semaphore_mem>>) src(%arg4 : memref<1000x16xf32, #tpu.memory_space<hbm>>) dst(%dma_wait3A_24 : memref<1000x16xf32, #tpu.memory_space<vmem_shared>>)
        tpu.yield
      }) : () -> ()
    } else {
    }
    %barrier3A = arith.constant 0 : index
    tpu.barrier barrier_id(%barrier3A)
    %scan3A = arith.constant 0 : i32
    %scan3A_3 = arith.constant 0 : i32
    %scan3A_4 = arith.constant 125 : i32
    %scan3A_5 = arith.addi %scan3A_3, %scan3A_4 : i32
    %scan3A_6 = arith.constant 1 : i32
    scf.for %scan3A_20 = %scan3A_3 to %scan3A_5 step %scan3A_6  : i32 {
      %dma_start3A = arith.constant 0 : i32
      %dma_start3A_21 = tpu.memref_slice %arg7[%scan3A_20, %dma_start3A] : memref<125x80xi32, #tpu.memory_space<vmem>> -> memref<1x80xi32, #tpu.memory_space<vmem>>
      %dma_start3A_22 = tpu.memref_squeeze %dma_start3A_21 : memref<1x80xi32, #tpu.memory_space<vmem>> -> memref<80xi32, #tpu.memory_space<vmem>>
      %dma_start3A_23 = arith.constant 0 : i32
      %dma_start3A_24 = arith.constant 0 : i32
      %dma_start3A_25 = tpu.memref_slice %arg11[%dma_start3A_23, %dma_start3A_24] : memref<10000x16xf32, #tpu.memory_space<vmem_shared>> -> memref<10000x16xf32, #tpu.memory_space<vmem_shared>>
      tpu.enqueue_indirect_dma source(%arg8 : memref<80x16xf32, #tpu.memory_space<vmem>>) target(%dma_start3A_25 : memref<10000x16xf32, #tpu.memory_space<vmem_shared>>) offsets(%dma_start3A_22 : memref<80xi32, #tpu.memory_space<vmem>>) semaphore(%arg12 : memref<!tpu.dma_semaphore, #tpu.memory_space<semaphore_mem>>) {add = true}
    }
    %scan3A_7 = arith.constant 125 : i32
    %scan3A_8 = arith.constant 0 : i32
    %scan3A_9 = arith.constant 0 : i32
    %scan3A_10 = arith.constant 125 : i32
    %scan3A_11 = arith.addi %scan3A_9, %scan3A_10 : i32
    %scan3A_12 = arith.constant 1 : i32
    scf.for %scan3A_20 = %scan3A_9 to %scan3A_11 step %scan3A_12  : i32 {
      %dma_wait3A = arith.constant 0 : i32
      %dma_wait3A_21 = arith.constant 0 : i32
      %dma_wait3A_22 = tpu.memref_slice %arg7[%dma_wait3A, %dma_wait3A_21] : memref<125x80xi32, #tpu.memory_space<vmem>> -> memref<1x80xi32, #tpu.memory_space<vmem>>
      %dma_wait3A_23 = tpu.memref_squeeze %dma_wait3A_22 : memref<1x80xi32, #tpu.memory_space<vmem>> -> memref<80xi32, #tpu.memory_space<vmem>>
      %dma_wait3A_24 = arith.constant 0 : i32
      %dma_wait3A_25 = arith.constant 0 : i32
      %dma_wait3A_26 = tpu.memref_slice %arg11[%dma_wait3A_24, %dma_wait3A_25] : memref<10000x16xf32, #tpu.memory_space<vmem_shared>> -> memref<10000x16xf32, #tpu.memory_space<vmem_shared>>
      tpu.wait_indirect_dma semaphore(%arg12 : memref<!tpu.dma_semaphore, #tpu.memory_space<semaphore_mem>>) src(%arg8 : memref<80x16xf32, #tpu.memory_space<vmem>>) dst(%dma_wait3A_26 : memref<10000x16xf32, #tpu.memory_space<vmem_shared>>)
    }
    %scan3A_13 = arith.constant 125 : i32
    %barrier3A_14 = arith.constant 0 : index
    tpu.barrier barrier_id(%barrier3A_14)
    %lt3A_15 = arith.constant 10 : i32
    %lt3A_16 = arith.cmpi slt, %arg1, %lt3A_15 : i32
    %convert_element_type3A_17 = arith.extui %lt3A_16 : i1 to i32
    %cond3A_18 = arith.constant 0 : i32
    %cond3A_19 = arith.cmpi ne, %convert_element_type3A_17, %cond3A_18 : i32
    scf.if %cond3A_19 {
      %mul3A_20 = arith.constant 1000 : i32
      %mul3A_21 = arith.muli %arg1, %mul3A_20 : i32
      %mul3A_22 = arith.constant 1000 : i32
      %mul3A_23 = arith.muli %arg1, %mul3A_22 : i32
      "tpu.region"() ({
        %run_scoped3A_35 = tpu.sem_alloc : memref<!tpu.dma_semaphore, #tpu.memory_space<semaphore_mem>>
        %dma_start3A = arith.constant 0 : i32
        %dma_start3A_36 = tpu.memref_slice %arg5[%arg0, %mul3A_23, %dma_start3A] : memref<2x10000x16xf32, #tpu.memory_space<hbm>> -> memref<1x1000x16xf32, #tpu.memory_space<hbm>>
        %dma_start3A_37 = tpu.memref_squeeze %dma_start3A_36 : memref<1x1000x16xf32, #tpu.memory_space<hbm>> -> memref<1000x16xf32, #tpu.memory_space<hbm>>
        %dma_start3A_38 = arith.constant 0 : i32
        %dma_start3A_39 = tpu.memref_slice %arg11[%mul3A_21, %dma_start3A_38] : memref<10000x16xf32, #tpu.memory_space<vmem_shared>> -> memref<1000x16xf32, #tpu.memory_space<vmem_shared>>
        tpu.enqueue_dma source(%dma_start3A_39 : memref<1000x16xf32, #tpu.memory_space<vmem_shared>>) target(%dma_start3A_37 : memref<1000x16xf32, #tpu.memory_space<hbm>>) target_semaphore(%run_scoped3A_35 : memref<!tpu.dma_semaphore, #tpu.memory_space<semaphore_mem>>)
        %dma_wait3A = arith.constant 0 : i32
        %dma_wait3A_40 = tpu.memref_slice %arg5[%arg0, %mul3A_23, %dma_wait3A] : memref<2x10000x16xf32, #tpu.memory_space<hbm>> -> memref<1x1000x16xf32, #tpu.memory_space<hbm>>
        %dma_wait3A_41 = tpu.memref_squeeze %dma_wait3A_40 : memref<1x1000x16xf32, #tpu.memory_space<hbm>> -> memref<1000x16xf32, #tpu.memory_space<hbm>>
        %dma_wait3A_42 = arith.constant 0 : i32
        %dma_wait3A_43 = tpu.memref_slice %arg11[%mul3A_21, %dma_wait3A_42] : memref<10000x16xf32, #tpu.memory_space<vmem_shared>> -> memref<1000x16xf32, #tpu.memory_space<vmem_shared>>
        tpu.wait_dma2 semaphore(%run_scoped3A_35 : memref<!tpu.dma_semaphore, #tpu.memory_space<semaphore_mem>>) src(%dma_wait3A_43 : memref<1000x16xf32, #tpu.memory_space<vmem_shared>>) dst(%dma_wait3A_41 : memref<1000x16xf32, #tpu.memory_space<hbm>>)
        tpu.yield
      }) : () -> ()
      %mul3A_24 = arith.constant 1000 : i32
      %mul3A_25 = arith.muli %arg1, %mul3A_24 : i32
      "tpu.region"() ({
        %run_scoped3A_35 = tpu.sem_alloc : memref<!tpu.dma_semaphore, #tpu.memory_space<semaphore_mem>>
        %dma_start3A = arith.constant 0 : i32
        %dma_start3A_36 = arith.constant 0 : i32
        %dma_start3A_37 = tpu.memref_slice %arg9[%dma_start3A, %dma_start3A_36] : memref<1008x16xf32, #tpu.memory_space<vmem>> -> memref<1000x16xf32, #tpu.memory_space<vmem>>
        %dma_start3A_38 = arith.constant 0 : i32
        %dma_start3A_39 = tpu.memref_slice %arg11[%mul3A_25, %dma_start3A_38] : memref<10000x16xf32, #tpu.memory_space<vmem_shared>> -> memref<1000x16xf32, #tpu.memory_space<vmem_shared>>
        %dma_start3A_40 = arith.constant 0 : i32
        %dma_start3A_41 = arith.constant 0 : i32
        %dma_start3A_42 = tpu.memref_slice %arg9[%dma_start3A_40, %dma_start3A_41] : memref<1008x16xf32, #tpu.memory_space<vmem>> -> memref<1000x16xf32, #tpu.memory_space<vmem>>
        %dma_start3A_43 = arith.constant 0 : i32
        %dma_start3A_44 = tpu.memref_slice %arg11[%mul3A_25, %dma_start3A_43] : memref<10000x16xf32, #tpu.memory_space<vmem_shared>> -> memref<1000x16xf32, #tpu.memory_space<vmem_shared>>
        tpu.enqueue_dma source(%dma_start3A_44 : memref<1000x16xf32, #tpu.memory_space<vmem_shared>>) target(%dma_start3A_42 : memref<1000x16xf32, #tpu.memory_space<vmem>>) target_semaphore(%run_scoped3A_35 : memref<!tpu.dma_semaphore, #tpu.memory_space<semaphore_mem>>)
        %dma_wait3A = arith.constant 0 : i32
        %dma_wait3A_45 = arith.constant 0 : i32
        %dma_wait3A_46 = tpu.memref_slice %arg9[%dma_wait3A, %dma_wait3A_45] : memref<1008x16xf32, #tpu.memory_space<vmem>> -> memref<1000x16xf32, #tpu.memory_space<vmem>>
        %dma_wait3A_47 = arith.constant 0 : i32
        %dma_wait3A_48 = tpu.memref_slice %arg11[%mul3A_25, %dma_wait3A_47] : memref<10000x16xf32, #tpu.memory_space<vmem_shared>> -> memref<1000x16xf32, #tpu.memory_space<vmem_shared>>
        %dma_wait3A_49 = arith.constant 0 : i32
        %dma_wait3A_50 = arith.constant 0 : i32
        %dma_wait3A_51 = tpu.memref_slice %arg9[%dma_wait3A_49, %dma_wait3A_50] : memref<1008x16xf32, #tpu.memory_space<vmem>> -> memref<1000x16xf32, #tpu.memory_space<vmem>>
        %dma_wait3A_52 = arith.constant 0 : i32
        %dma_wait3A_53 = tpu.memref_slice %arg11[%mul3A_25, %dma_wait3A_52] : memref<10000x16xf32, #tpu.memory_space<vmem_shared>> -> memref<1000x16xf32, #tpu.memory_space<vmem_shared>>
        tpu.wait_dma2 semaphore(%run_scoped3A_35 : memref<!tpu.dma_semaphore, #tpu.memory_space<semaphore_mem>>) src(%dma_wait3A_53 : memref<1000x16xf32, #tpu.memory_space<vmem_shared>>) dst(%dma_wait3A_51 : memref<1000x16xf32, #tpu.memory_space<vmem>>)
        tpu.yield
      }) : () -> ()
      %broadcast_in_dim3A = arith.constant 0 : i32
      %broadcast_in_dim3A_26 = vector.broadcast %broadcast_in_dim3A : i32 to vector<16xi32>
      %iota3A = tpu.iota {dimensions = array<i32: 0>} : vector<16xi32>
      %scan3A_27 = arith.constant 0 : i32
      %scan3A_28 = arith.constant 0 : i32
      %scan3A_29 = arith.constant 63 : i32
      %scan3A_30 = arith.addi %scan3A_28, %scan3A_29 : i32
      %scan3A_31 = arith.constant 1 : i32
      scf.for %scan3A_35 = %scan3A_28 to %scan3A_30 step %scan3A_31  : i32 {
        %mul3A_36 = arith.constant 16 : i32
        %mul3A_37 = arith.muli %scan3A_35, %mul3A_36 : i32
        %add3A_38 = vector.broadcast %mul3A_37 : i32 to vector<16xi32>
        %add3A_39 = arith.addi %iota3A, %add3A_38 : vector<16xi32>
        %gather3A = tpu.vector_load_idx %arg9[%add3A_39, %broadcast_in_dim3A_26] : memref<1008x16xf32, #tpu.memory_space<vmem>>[vector<16xi32>, vector<16xi32>], vector<16xf32>,
        %mul3A_40 = arith.constant 16 : i32
        %mul3A_41 = arith.muli %scan3A_35, %mul3A_40 : i32
        %swap3A = arith.index_cast %mul3A_41 : i32 to index
        %swap3A_42 = tpu.vector_load %arg10[%swap3A] {strides = array<i32>} : memref<1008xf32, #tpu.memory_space<vmem>>, vector<16xf32>,
        tpu.vector_store %arg10[%swap3A], %gather3A {strides = array<i32>} : memref<1008xf32, #tpu.memory_space<vmem>>, vector<16xf32>,
      }
      %scan3A_32 = arith.constant 63 : i32
      %mul3A_33 = arith.constant 1000 : i32
      %mul3A_34 = arith.muli %arg1, %mul3A_33 : i32
      "tpu.region"() ({
        %run_scoped3A_35 = tpu.sem_alloc : memref<!tpu.dma_semaphore, #tpu.memory_space<semaphore_mem>>
        %dma_start3A = arith.constant 0 : i32
        %dma_start3A_36 = tpu.memref_slice %arg10[%dma_start3A] : memref<1008xf32, #tpu.memory_space<vmem>> -> memref<1000xf32, #tpu.memory_space<vmem>>
        %dma_start3A_37 = tpu.memref_slice %arg6[%arg0, %mul3A_34] : memref<2x10000xf32, #tpu.memory_space<hbm>> -> memref<1x1000xf32, #tpu.memory_space<hbm>>
        %dma_start3A_38 = tpu.memref_squeeze %dma_start3A_37 : memref<1x1000xf32, #tpu.memory_space<hbm>> -> memref<1000xf32, #tpu.memory_space<hbm>>
        %dma_start3A_39 = tpu.memref_slice %arg6[%arg0, %mul3A_34] : memref<2x10000xf32, #tpu.memory_space<hbm>> -> memref<1x1000xf32, #tpu.memory_space<hbm>>
        %dma_start3A_40 = tpu.memref_squeeze %dma_start3A_39 : memref<1x1000xf32, #tpu.memory_space<hbm>> -> memref<1000xf32, #tpu.memory_space<hbm>>
        %dma_start3A_41 = arith.constant 0 : i32
        %dma_start3A_42 = tpu.memref_slice %arg10[%dma_start3A_41] : memref<1008xf32, #tpu.memory_space<vmem>> -> memref<1000xf32, #tpu.memory_space<vmem>>
        tpu.enqueue_dma source(%dma_start3A_42 : memref<1000xf32, #tpu.memory_space<vmem>>) target(%dma_start3A_40 : memref<1000xf32, #tpu.memory_space<hbm>>) target_semaphore(%run_scoped3A_35 : memref<!tpu.dma_semaphore, #tpu.memory_space<semaphore_mem>>)
        %dma_wait3A = arith.constant 0 : i32
        %dma_wait3A_43 = tpu.memref_slice %arg10[%dma_wait3A] : memref<1008xf32, #tpu.memory_space<vmem>> -> memref<1000xf32, #tpu.memory_space<vmem>>
        %dma_wait3A_44 = tpu.memref_slice %arg6[%arg0, %mul3A_34] : memref<2x10000xf32, #tpu.memory_space<hbm>> -> memref<1x1000xf32, #tpu.memory_space<hbm>>
        %dma_wait3A_45 = tpu.memref_squeeze %dma_wait3A_44 : memref<1x1000xf32, #tpu.memory_space<hbm>> -> memref<1000xf32, #tpu.memory_space<hbm>>
        %dma_wait3A_46 = tpu.memref_slice %arg6[%arg0, %mul3A_34] : memref<2x10000xf32, #tpu.memory_space<hbm>> -> memref<1x1000xf32, #tpu.memory_space<hbm>>
        %dma_wait3A_47 = tpu.memref_squeeze %dma_wait3A_46 : memref<1x1000xf32, #tpu.memory_space<hbm>> -> memref<1000xf32, #tpu.memory_space<hbm>>
        %dma_wait3A_48 = arith.constant 0 : i32
        %dma_wait3A_49 = tpu.memref_slice %arg10[%dma_wait3A_48] : memref<1008xf32, #tpu.memory_space<vmem>> -> memref<1000xf32, #tpu.memory_space<vmem>>
        tpu.wait_dma2 semaphore(%run_scoped3A_35 : memref<!tpu.dma_semaphore, #tpu.memory_space<semaphore_mem>>) src(%dma_wait3A_49 : memref<1000xf32, #tpu.memory_space<vmem>>) dst(%dma_wait3A_47 : memref<1000xf32, #tpu.memory_space<hbm>>)
        tpu.yield
      }) : () -> ()
    } else {
    }
    return
  }
}

#map = affine_map<(d0, d1) -> (0, 0)>
#map1 = affine_map<(d0, d1) -> (0, 0, 0, 0)>
#map2 = affine_map<(d0, d1) -> (0, 0, 0)>
module attributes {stable_mosaic.version = 14 : i64} {
  func.func @edge_kernel(%arg0: i32, %arg1: i32, %arg2: memref<10000x32xf32, #tpu.memory_space<hbm>>, %arg3: memref<2x32x125x80xi32, #tpu.memory_space<hbm>>, %arg4: memref<1000x32xf32, #tpu.memory_space<hbm>>, %arg5: memref<2x10000x32xf32, #tpu.memory_space<hbm>>, %arg6: memref<125x80xi32, #tpu.memory_space<vmem>>, %arg7: memref<125x80xi32, #tpu.memory_space<vmem>>, %arg8: memref<80x32xf32, #tpu.memory_space<vmem>>, %arg9: memref<80x32xf32, #tpu.memory_space<vmem>>, %arg10: memref<80x32xf32, #tpu.memory_space<vmem>>, %arg11: memref<80x32xf32, #tpu.memory_space<vmem>>, %arg12: memref<80x32xf32, #tpu.memory_space<vmem>>, %arg13: memref<10000x32xf32, #tpu.memory_space<vmem_shared>>, %arg14: memref<!tpu.dma_semaphore, #tpu.memory_space<semaphore_mem>>, %arg15: memref<!tpu.dma_semaphore, #tpu.memory_space<semaphore_mem>>, %arg16: memref<!tpu.dma_semaphore, #tpu.memory_space<semaphore_mem>>, %arg17: memref<!tpu.dma_semaphore, #tpu.memory_space<semaphore_mem>>, %arg18: memref<!tpu.dma_semaphore, #tpu.memory_space<semaphore_mem>>, %arg19: memref<!tpu.dma_semaphore, #tpu.memory_space<semaphore_mem>>, %arg20: memref<!tpu.dma_semaphore, #tpu.memory_space<semaphore_mem>>, %arg21: memref<!tpu.dma_semaphore, #tpu.memory_space<semaphore_mem>>, %arg22: memref<!tpu.dma_semaphore, #tpu.memory_space<semaphore_mem>>, %arg23: memref<!tpu.dma_semaphore, #tpu.memory_space<semaphore_mem>>) attributes {dimension_semantics = [#tpu.dimension_semantics<core_parallel>, #tpu.dimension_semantics<subcore_parallel>], iteration_bounds = array<i64: 2, 16>, scalar_prefetch = 0 : i64, scratch_operands = 18 : i64, tpu.core_type = #tpu.core_type<sc_vector_subcore>, window_params = [{transform_indices = #map}, {transform_indices = #map1}, {transform_indices = #map}, {transform_indices = #map2}]} {
    %mul3A = arith.constant 2 : i32
    %mul3A_0 = arith.muli %arg1, %mul3A : i32
    %add3A = arith.addi %mul3A_0, %arg0 : i32
    %run_scoped3A = arith.constant 0 : i32
    "tpu.region"() ({
      %run_scoped3A_153 = tpu.sem_alloc : memref<!tpu.dma_semaphore, #tpu.memory_space<semaphore_mem>>
      %dma_start3A_154 = arith.constant 0 : i32
      %dma_start3A_155 = arith.constant 0 : i32
      %dma_start3A_156 = tpu.memref_slice %arg3[%run_scoped3A, %add3A, %dma_start3A_154, %dma_start3A_155] : memref<2x32x125x80xi32, #tpu.memory_space<hbm>> -> memref<1x1x125x80xi32, #tpu.memory_space<hbm>>
      %dma_start3A_157 = tpu.memref_squeeze %dma_start3A_156 : memref<1x1x125x80xi32, #tpu.memory_space<hbm>> -> memref<125x80xi32, #tpu.memory_space<hbm>>
      %dma_start3A_158 = arith.constant 0 : i32
      %dma_start3A_159 = arith.constant 0 : i32
      %dma_start3A_160 = tpu.memref_slice %arg3[%run_scoped3A, %add3A, %dma_start3A_158, %dma_start3A_159] : memref<2x32x125x80xi32, #tpu.memory_space<hbm>> -> memref<1x1x125x80xi32, #tpu.memory_space<hbm>>
      %dma_start3A_161 = tpu.memref_squeeze %dma_start3A_160 : memref<1x1x125x80xi32, #tpu.memory_space<hbm>> -> memref<125x80xi32, #tpu.memory_space<hbm>>
      tpu.enqueue_dma source(%dma_start3A_161 : memref<125x80xi32, #tpu.memory_space<hbm>>) target(%arg6 : memref<125x80xi32, #tpu.memory_space<vmem>>) target_semaphore(%run_scoped3A_153 : memref<!tpu.dma_semaphore, #tpu.memory_space<semaphore_mem>>)
      %dma_wait3A_162 = arith.constant 0 : i32
      %dma_wait3A_163 = arith.constant 0 : i32
      %dma_wait3A_164 = tpu.memref_slice %arg3[%run_scoped3A, %add3A, %dma_wait3A_162, %dma_wait3A_163] : memref<2x32x125x80xi32, #tpu.memory_space<hbm>> -> memref<1x1x125x80xi32, #tpu.memory_space<hbm>>
      %dma_wait3A_165 = tpu.memref_squeeze %dma_wait3A_164 : memref<1x1x125x80xi32, #tpu.memory_space<hbm>> -> memref<125x80xi32, #tpu.memory_space<hbm>>
      %dma_wait3A_166 = arith.constant 0 : i32
      %dma_wait3A_167 = arith.constant 0 : i32
      %dma_wait3A_168 = tpu.memref_slice %arg3[%run_scoped3A, %add3A, %dma_wait3A_166, %dma_wait3A_167] : memref<2x32x125x80xi32, #tpu.memory_space<hbm>> -> memref<1x1x125x80xi32, #tpu.memory_space<hbm>>
      %dma_wait3A_169 = tpu.memref_squeeze %dma_wait3A_168 : memref<1x1x125x80xi32, #tpu.memory_space<hbm>> -> memref<125x80xi32, #tpu.memory_space<hbm>>
      tpu.wait_dma2 semaphore(%run_scoped3A_153 : memref<!tpu.dma_semaphore, #tpu.memory_space<semaphore_mem>>) src(%dma_wait3A_169 : memref<125x80xi32, #tpu.memory_space<hbm>>) dst(%arg6 : memref<125x80xi32, #tpu.memory_space<vmem>>)
      tpu.yield
    }) : () -> ()
    %run_scoped3A_1 = arith.constant 1 : i32
    "tpu.region"() ({
      %run_scoped3A_153 = tpu.sem_alloc : memref<!tpu.dma_semaphore, #tpu.memory_space<semaphore_mem>>
      %dma_start3A_154 = arith.constant 0 : i32
      %dma_start3A_155 = arith.constant 0 : i32
      %dma_start3A_156 = tpu.memref_slice %arg3[%run_scoped3A_1, %add3A, %dma_start3A_154, %dma_start3A_155] : memref<2x32x125x80xi32, #tpu.memory_space<hbm>> -> memref<1x1x125x80xi32, #tpu.memory_space<hbm>>
      %dma_start3A_157 = tpu.memref_squeeze %dma_start3A_156 : memref<1x1x125x80xi32, #tpu.memory_space<hbm>> -> memref<125x80xi32, #tpu.memory_space<hbm>>
      %dma_start3A_158 = arith.constant 0 : i32
      %dma_start3A_159 = arith.constant 0 : i32
      %dma_start3A_160 = tpu.memref_slice %arg3[%run_scoped3A_1, %add3A, %dma_start3A_158, %dma_start3A_159] : memref<2x32x125x80xi32, #tpu.memory_space<hbm>> -> memref<1x1x125x80xi32, #tpu.memory_space<hbm>>
      %dma_start3A_161 = tpu.memref_squeeze %dma_start3A_160 : memref<1x1x125x80xi32, #tpu.memory_space<hbm>> -> memref<125x80xi32, #tpu.memory_space<hbm>>
      tpu.enqueue_dma source(%dma_start3A_161 : memref<125x80xi32, #tpu.memory_space<hbm>>) target(%arg7 : memref<125x80xi32, #tpu.memory_space<vmem>>) target_semaphore(%run_scoped3A_153 : memref<!tpu.dma_semaphore, #tpu.memory_space<semaphore_mem>>)
      %dma_wait3A_162 = arith.constant 0 : i32
      %dma_wait3A_163 = arith.constant 0 : i32
      %dma_wait3A_164 = tpu.memref_slice %arg3[%run_scoped3A_1, %add3A, %dma_wait3A_162, %dma_wait3A_163] : memref<2x32x125x80xi32, #tpu.memory_space<hbm>> -> memref<1x1x125x80xi32, #tpu.memory_space<hbm>>
      %dma_wait3A_165 = tpu.memref_squeeze %dma_wait3A_164 : memref<1x1x125x80xi32, #tpu.memory_space<hbm>> -> memref<125x80xi32, #tpu.memory_space<hbm>>
      %dma_wait3A_166 = arith.constant 0 : i32
      %dma_wait3A_167 = arith.constant 0 : i32
      %dma_wait3A_168 = tpu.memref_slice %arg3[%run_scoped3A_1, %add3A, %dma_wait3A_166, %dma_wait3A_167] : memref<2x32x125x80xi32, #tpu.memory_space<hbm>> -> memref<1x1x125x80xi32, #tpu.memory_space<hbm>>
      %dma_wait3A_169 = tpu.memref_squeeze %dma_wait3A_168 : memref<1x1x125x80xi32, #tpu.memory_space<hbm>> -> memref<125x80xi32, #tpu.memory_space<hbm>>
      tpu.wait_dma2 semaphore(%run_scoped3A_153 : memref<!tpu.dma_semaphore, #tpu.memory_space<semaphore_mem>>) src(%dma_wait3A_169 : memref<125x80xi32, #tpu.memory_space<hbm>>) dst(%arg7 : memref<125x80xi32, #tpu.memory_space<vmem>>)
      tpu.yield
    }) : () -> ()
    %lt3A = arith.constant 10 : i32
    %lt3A_2 = arith.cmpi slt, %arg1, %lt3A : i32
    %convert_element_type3A = arith.extui %lt3A_2 : i1 to i32
    %cond3A = arith.constant 0 : i32
    %cond3A_3 = arith.cmpi ne, %convert_element_type3A, %cond3A : i32
    scf.if %cond3A_3 {
      %mul3A_153 = arith.constant 1000 : i32
      %mul3A_154 = arith.muli %arg1, %mul3A_153 : i32
      "tpu.region"() ({
        %run_scoped3A_155 = tpu.sem_alloc : memref<!tpu.dma_semaphore, #tpu.memory_space<semaphore_mem>>
        %dma_start3A_156 = arith.constant 0 : i32
        %dma_start3A_157 = tpu.memref_slice %arg13[%mul3A_154, %dma_start3A_156] : memref<10000x32xf32, #tpu.memory_space<vmem_shared>> -> memref<1000x32xf32, #tpu.memory_space<vmem_shared>>
        tpu.enqueue_dma source(%arg4 : memref<1000x32xf32, #tpu.memory_space<hbm>>) target(%dma_start3A_157 : memref<1000x32xf32, #tpu.memory_space<vmem_shared>>) target_semaphore(%run_scoped3A_155 : memref<!tpu.dma_semaphore, #tpu.memory_space<semaphore_mem>>)
        %dma_wait3A_158 = arith.constant 0 : i32
        %dma_wait3A_159 = tpu.memref_slice %arg13[%mul3A_154, %dma_wait3A_158] : memref<10000x32xf32, #tpu.memory_space<vmem_shared>> -> memref<1000x32xf32, #tpu.memory_space<vmem_shared>>
        tpu.wait_dma2 semaphore(%run_scoped3A_155 : memref<!tpu.dma_semaphore, #tpu.memory_space<semaphore_mem>>) src(%arg4 : memref<1000x32xf32, #tpu.memory_space<hbm>>) dst(%dma_wait3A_159 : memref<1000x32xf32, #tpu.memory_space<vmem_shared>>)
        tpu.yield
      }) : () -> ()
    } else {
    }
    %barrier3A = arith.constant 0 : index
    tpu.barrier barrier_id(%barrier3A)
    %dma_start3A = arith.constant 0 : i32
    %dma_start3A_4 = arith.constant 0 : i32
    %dma_start3A_5 = tpu.memref_slice %arg6[%dma_start3A, %dma_start3A_4] : memref<125x80xi32, #tpu.memory_space<vmem>> -> memref<1x80xi32, #tpu.memory_space<vmem>>
    %dma_start3A_6 = tpu.memref_squeeze %dma_start3A_5 : memref<1x80xi32, #tpu.memory_space<vmem>> -> memref<80xi32, #tpu.memory_space<vmem>>
    %dma_start3A_7 = arith.constant 0 : i32
    %dma_start3A_8 = arith.constant 0 : i32
    %dma_start3A_9 = tpu.memref_slice %arg2[%dma_start3A_7, %dma_start3A_8] : memref<10000x32xf32, #tpu.memory_space<hbm>> -> memref<10000x32xf32, #tpu.memory_space<hbm>>
    tpu.enqueue_indirect_dma source(%dma_start3A_9 : memref<10000x32xf32, #tpu.memory_space<hbm>>) target(%arg8 : memref<80x32xf32, #tpu.memory_space<vmem>>) offsets(%dma_start3A_6 : memref<80xi32, #tpu.memory_space<vmem>>) semaphore(%arg14 : memref<!tpu.dma_semaphore, #tpu.memory_space<semaphore_mem>>)
    %dma_start3A_10 = arith.constant 1 : i32
    %dma_start3A_11 = arith.constant 0 : i32
    %dma_start3A_12 = tpu.memref_slice %arg6[%dma_start3A_10, %dma_start3A_11] : memref<125x80xi32, #tpu.memory_space<vmem>> -> memref<1x80xi32, #tpu.memory_space<vmem>>
    %dma_start3A_13 = tpu.memref_squeeze %dma_start3A_12 : memref<1x80xi32, #tpu.memory_space<vmem>> -> memref<80xi32, #tpu.memory_space<vmem>>
    %dma_start3A_14 = arith.constant 0 : i32
    %dma_start3A_15 = arith.constant 0 : i32
    %dma_start3A_16 = tpu.memref_slice %arg2[%dma_start3A_14, %dma_start3A_15] : memref<10000x32xf32, #tpu.memory_space<hbm>> -> memref<10000x32xf32, #tpu.memory_space<hbm>>
    tpu.enqueue_indirect_dma source(%dma_start3A_16 : memref<10000x32xf32, #tpu.memory_space<hbm>>) target(%arg9 : memref<80x32xf32, #tpu.memory_space<vmem>>) offsets(%dma_start3A_13 : memref<80xi32, #tpu.memory_space<vmem>>) semaphore(%arg15 : memref<!tpu.dma_semaphore, #tpu.memory_space<semaphore_mem>>)
    %dma_start3A_17 = arith.constant 2 : i32
    %dma_start3A_18 = arith.constant 0 : i32
    %dma_start3A_19 = tpu.memref_slice %arg6[%dma_start3A_17, %dma_start3A_18] : memref<125x80xi32, #tpu.memory_space<vmem>> -> memref<1x80xi32, #tpu.memory_space<vmem>>
    %dma_start3A_20 = tpu.memref_squeeze %dma_start3A_19 : memref<1x80xi32, #tpu.memory_space<vmem>> -> memref<80xi32, #tpu.memory_space<vmem>>
    %dma_start3A_21 = arith.constant 0 : i32
    %dma_start3A_22 = arith.constant 0 : i32
    %dma_start3A_23 = tpu.memref_slice %arg2[%dma_start3A_21, %dma_start3A_22] : memref<10000x32xf32, #tpu.memory_space<hbm>> -> memref<10000x32xf32, #tpu.memory_space<hbm>>
    tpu.enqueue_indirect_dma source(%dma_start3A_23 : memref<10000x32xf32, #tpu.memory_space<hbm>>) target(%arg10 : memref<80x32xf32, #tpu.memory_space<vmem>>) offsets(%dma_start3A_20 : memref<80xi32, #tpu.memory_space<vmem>>) semaphore(%arg16 : memref<!tpu.dma_semaphore, #tpu.memory_space<semaphore_mem>>)
    %dma_start3A_24 = arith.constant 3 : i32
    %dma_start3A_25 = arith.constant 0 : i32
    %dma_start3A_26 = tpu.memref_slice %arg6[%dma_start3A_24, %dma_start3A_25] : memref<125x80xi32, #tpu.memory_space<vmem>> -> memref<1x80xi32, #tpu.memory_space<vmem>>
    %dma_start3A_27 = tpu.memref_squeeze %dma_start3A_26 : memref<1x80xi32, #tpu.memory_space<vmem>> -> memref<80xi32, #tpu.memory_space<vmem>>
    %dma_start3A_28 = arith.constant 0 : i32
    %dma_start3A_29 = arith.constant 0 : i32
    %dma_start3A_30 = tpu.memref_slice %arg2[%dma_start3A_28, %dma_start3A_29] : memref<10000x32xf32, #tpu.memory_space<hbm>> -> memref<10000x32xf32, #tpu.memory_space<hbm>>
    tpu.enqueue_indirect_dma source(%dma_start3A_30 : memref<10000x32xf32, #tpu.memory_space<hbm>>) target(%arg11 : memref<80x32xf32, #tpu.memory_space<vmem>>) offsets(%dma_start3A_27 : memref<80xi32, #tpu.memory_space<vmem>>) semaphore(%arg17 : memref<!tpu.dma_semaphore, #tpu.memory_space<semaphore_mem>>)
    %dma_start3A_31 = arith.constant 4 : i32
    %dma_start3A_32 = arith.constant 0 : i32
    %dma_start3A_33 = tpu.memref_slice %arg6[%dma_start3A_31, %dma_start3A_32] : memref<125x80xi32, #tpu.memory_space<vmem>> -> memref<1x80xi32, #tpu.memory_space<vmem>>
    %dma_start3A_34 = tpu.memref_squeeze %dma_start3A_33 : memref<1x80xi32, #tpu.memory_space<vmem>> -> memref<80xi32, #tpu.memory_space<vmem>>
    %dma_start3A_35 = arith.constant 0 : i32
    %dma_start3A_36 = arith.constant 0 : i32
    %dma_start3A_37 = tpu.memref_slice %arg2[%dma_start3A_35, %dma_start3A_36] : memref<10000x32xf32, #tpu.memory_space<hbm>> -> memref<10000x32xf32, #tpu.memory_space<hbm>>
    tpu.enqueue_indirect_dma source(%dma_start3A_37 : memref<10000x32xf32, #tpu.memory_space<hbm>>) target(%arg12 : memref<80x32xf32, #tpu.memory_space<vmem>>) offsets(%dma_start3A_34 : memref<80xi32, #tpu.memory_space<vmem>>) semaphore(%arg18 : memref<!tpu.dma_semaphore, #tpu.memory_space<semaphore_mem>>)
    %scan3A = arith.constant 0 : i32
    %scan3A_38 = arith.constant 0 : i32
    %scan3A_39 = arith.constant 24 : i32
    %scan3A_40 = arith.addi %scan3A_38, %scan3A_39 : i32
    %scan3A_41 = arith.constant 1 : i32
    scf.for %scan3A_153 = %scan3A_38 to %scan3A_40 step %scan3A_41  : i32 {
      %mul3A_154 = arith.constant 5 : i32
      %mul3A_155 = arith.muli %scan3A_153, %mul3A_154 : i32
      %dma_wait3A_156 = arith.constant 0 : i32
      %dma_wait3A_157 = arith.constant 0 : i32
      %dma_wait3A_158 = tpu.memref_slice %arg6[%dma_wait3A_156, %dma_wait3A_157] : memref<125x80xi32, #tpu.memory_space<vmem>> -> memref<1x80xi32, #tpu.memory_space<vmem>>
      %dma_wait3A_159 = tpu.memref_squeeze %dma_wait3A_158 : memref<1x80xi32, #tpu.memory_space<vmem>> -> memref<80xi32, #tpu.memory_space<vmem>>
      %dma_wait3A_160 = arith.constant 0 : i32
      %dma_wait3A_161 = arith.constant 0 : i32
      %dma_wait3A_162 = tpu.memref_slice %arg2[%dma_wait3A_160, %dma_wait3A_161] : memref<10000x32xf32, #tpu.memory_space<hbm>> -> memref<10000x32xf32, #tpu.memory_space<hbm>>
      tpu.wait_indirect_dma semaphore(%arg14 : memref<!tpu.dma_semaphore, #tpu.memory_space<semaphore_mem>>) src(%dma_wait3A_162 : memref<10000x32xf32, #tpu.memory_space<hbm>>) dst(%arg8 : memref<80x32xf32, #tpu.memory_space<vmem>>)
      %add3A_163 = arith.constant 0 : i32
      %add3A_164 = arith.addi %mul3A_155, %add3A_163 : i32
      %dma_start3A_165 = arith.constant 0 : i32
      %dma_start3A_166 = tpu.memref_slice %arg7[%add3A_164, %dma_start3A_165] : memref<125x80xi32, #tpu.memory_space<vmem>> -> memref<1x80xi32, #tpu.memory_space<vmem>>
      %dma_start3A_167 = tpu.memref_squeeze %dma_start3A_166 : memref<1x80xi32, #tpu.memory_space<vmem>> -> memref<80xi32, #tpu.memory_space<vmem>>
      %dma_start3A_168 = arith.constant 0 : i32
      %dma_start3A_169 = arith.constant 0 : i32
      %dma_start3A_170 = tpu.memref_slice %arg13[%dma_start3A_168, %dma_start3A_169] : memref<10000x32xf32, #tpu.memory_space<vmem_shared>> -> memref<10000x32xf32, #tpu.memory_space<vmem_shared>>
      tpu.enqueue_indirect_dma source(%arg8 : memref<80x32xf32, #tpu.memory_space<vmem>>) target(%dma_start3A_170 : memref<10000x32xf32, #tpu.memory_space<vmem_shared>>) offsets(%dma_start3A_167 : memref<80xi32, #tpu.memory_space<vmem>>) semaphore(%arg19 : memref<!tpu.dma_semaphore, #tpu.memory_space<semaphore_mem>>) {add = true}
      %dma_wait3A_171 = arith.constant 0 : i32
      %dma_wait3A_172 = arith.constant 0 : i32
      %dma_wait3A_173 = tpu.memref_slice %arg6[%dma_wait3A_171, %dma_wait3A_172] : memref<125x80xi32, #tpu.memory_space<vmem>> -> memref<1x80xi32, #tpu.memory_space<vmem>>
      %dma_wait3A_174 = tpu.memref_squeeze %dma_wait3A_173 : memref<1x80xi32, #tpu.memory_space<vmem>> -> memref<80xi32, #tpu.memory_space<vmem>>
      %dma_wait3A_175 = arith.constant 0 : i32
      %dma_wait3A_176 = arith.constant 0 : i32
      %dma_wait3A_177 = tpu.memref_slice %arg2[%dma_wait3A_175, %dma_wait3A_176] : memref<10000x32xf32, #tpu.memory_space<hbm>> -> memref<10000x32xf32, #tpu.memory_space<hbm>>
      tpu.wait_indirect_dma semaphore(%arg15 : memref<!tpu.dma_semaphore, #tpu.memory_space<semaphore_mem>>) src(%dma_wait3A_177 : memref<10000x32xf32, #tpu.memory_space<hbm>>) dst(%arg9 : memref<80x32xf32, #tpu.memory_space<vmem>>)
      %add3A_178 = arith.constant 1 : i32
      %add3A_179 = arith.addi %mul3A_155, %add3A_178 : i32
      %dma_start3A_180 = arith.constant 0 : i32
      %dma_start3A_181 = tpu.memref_slice %arg7[%add3A_179, %dma_start3A_180] : memref<125x80xi32, #tpu.memory_space<vmem>> -> memref<1x80xi32, #tpu.memory_space<vmem>>
      %dma_start3A_182 = tpu.memref_squeeze %dma_start3A_181 : memref<1x80xi32, #tpu.memory_space<vmem>> -> memref<80xi32, #tpu.memory_space<vmem>>
      %dma_start3A_183 = arith.constant 0 : i32
      %dma_start3A_184 = arith.constant 0 : i32
      %dma_start3A_185 = tpu.memref_slice %arg13[%dma_start3A_183, %dma_start3A_184] : memref<10000x32xf32, #tpu.memory_space<vmem_shared>> -> memref<10000x32xf32, #tpu.memory_space<vmem_shared>>
      tpu.enqueue_indirect_dma source(%arg9 : memref<80x32xf32, #tpu.memory_space<vmem>>) target(%dma_start3A_185 : memref<10000x32xf32, #tpu.memory_space<vmem_shared>>) offsets(%dma_start3A_182 : memref<80xi32, #tpu.memory_space<vmem>>) semaphore(%arg20 : memref<!tpu.dma_semaphore, #tpu.memory_space<semaphore_mem>>) {add = true}
      %dma_wait3A_186 = arith.constant 0 : i32
      %dma_wait3A_187 = arith.constant 0 : i32
      %dma_wait3A_188 = tpu.memref_slice %arg6[%dma_wait3A_186, %dma_wait3A_187] : memref<125x80xi32, #tpu.memory_space<vmem>> -> memref<1x80xi32, #tpu.memory_space<vmem>>
      %dma_wait3A_189 = tpu.memref_squeeze %dma_wait3A_188 : memref<1x80xi32, #tpu.memory_space<vmem>> -> memref<80xi32, #tpu.memory_space<vmem>>
      %dma_wait3A_190 = arith.constant 0 : i32
      %dma_wait3A_191 = arith.constant 0 : i32
      %dma_wait3A_192 = tpu.memref_slice %arg2[%dma_wait3A_190, %dma_wait3A_191] : memref<10000x32xf32, #tpu.memory_space<hbm>> -> memref<10000x32xf32, #tpu.memory_space<hbm>>
      tpu.wait_indirect_dma semaphore(%arg16 : memref<!tpu.dma_semaphore, #tpu.memory_space<semaphore_mem>>) src(%dma_wait3A_192 : memref<10000x32xf32, #tpu.memory_space<hbm>>) dst(%arg10 : memref<80x32xf32, #tpu.memory_space<vmem>>)
      %add3A_193 = arith.constant 2 : i32
      %add3A_194 = arith.addi %mul3A_155, %add3A_193 : i32
      %dma_start3A_195 = arith.constant 0 : i32
      %dma_start3A_196 = tpu.memref_slice %arg7[%add3A_194, %dma_start3A_195] : memref<125x80xi32, #tpu.memory_space<vmem>> -> memref<1x80xi32, #tpu.memory_space<vmem>>
      %dma_start3A_197 = tpu.memref_squeeze %dma_start3A_196 : memref<1x80xi32, #tpu.memory_space<vmem>> -> memref<80xi32, #tpu.memory_space<vmem>>
      %dma_start3A_198 = arith.constant 0 : i32
      %dma_start3A_199 = arith.constant 0 : i32
      %dma_start3A_200 = tpu.memref_slice %arg13[%dma_start3A_198, %dma_start3A_199] : memref<10000x32xf32, #tpu.memory_space<vmem_shared>> -> memref<10000x32xf32, #tpu.memory_space<vmem_shared>>
      tpu.enqueue_indirect_dma source(%arg10 : memref<80x32xf32, #tpu.memory_space<vmem>>) target(%dma_start3A_200 : memref<10000x32xf32, #tpu.memory_space<vmem_shared>>) offsets(%dma_start3A_197 : memref<80xi32, #tpu.memory_space<vmem>>) semaphore(%arg21 : memref<!tpu.dma_semaphore, #tpu.memory_space<semaphore_mem>>) {add = true}
      %dma_wait3A_201 = arith.constant 0 : i32
      %dma_wait3A_202 = arith.constant 0 : i32
      %dma_wait3A_203 = tpu.memref_slice %arg6[%dma_wait3A_201, %dma_wait3A_202] : memref<125x80xi32, #tpu.memory_space<vmem>> -> memref<1x80xi32, #tpu.memory_space<vmem>>
      %dma_wait3A_204 = tpu.memref_squeeze %dma_wait3A_203 : memref<1x80xi32, #tpu.memory_space<vmem>> -> memref<80xi32, #tpu.memory_space<vmem>>
      %dma_wait3A_205 = arith.constant 0 : i32
      %dma_wait3A_206 = arith.constant 0 : i32
      %dma_wait3A_207 = tpu.memref_slice %arg2[%dma_wait3A_205, %dma_wait3A_206] : memref<10000x32xf32, #tpu.memory_space<hbm>> -> memref<10000x32xf32, #tpu.memory_space<hbm>>
      tpu.wait_indirect_dma semaphore(%arg17 : memref<!tpu.dma_semaphore, #tpu.memory_space<semaphore_mem>>) src(%dma_wait3A_207 : memref<10000x32xf32, #tpu.memory_space<hbm>>) dst(%arg11 : memref<80x32xf32, #tpu.memory_space<vmem>>)
      %add3A_208 = arith.constant 3 : i32
      %add3A_209 = arith.addi %mul3A_155, %add3A_208 : i32
      %dma_start3A_210 = arith.constant 0 : i32
      %dma_start3A_211 = tpu.memref_slice %arg7[%add3A_209, %dma_start3A_210] : memref<125x80xi32, #tpu.memory_space<vmem>> -> memref<1x80xi32, #tpu.memory_space<vmem>>
      %dma_start3A_212 = tpu.memref_squeeze %dma_start3A_211 : memref<1x80xi32, #tpu.memory_space<vmem>> -> memref<80xi32, #tpu.memory_space<vmem>>
      %dma_start3A_213 = arith.constant 0 : i32
      %dma_start3A_214 = arith.constant 0 : i32
      %dma_start3A_215 = tpu.memref_slice %arg13[%dma_start3A_213, %dma_start3A_214] : memref<10000x32xf32, #tpu.memory_space<vmem_shared>> -> memref<10000x32xf32, #tpu.memory_space<vmem_shared>>
      tpu.enqueue_indirect_dma source(%arg11 : memref<80x32xf32, #tpu.memory_space<vmem>>) target(%dma_start3A_215 : memref<10000x32xf32, #tpu.memory_space<vmem_shared>>) offsets(%dma_start3A_212 : memref<80xi32, #tpu.memory_space<vmem>>) semaphore(%arg22 : memref<!tpu.dma_semaphore, #tpu.memory_space<semaphore_mem>>) {add = true}
      %dma_wait3A_216 = arith.constant 0 : i32
      %dma_wait3A_217 = arith.constant 0 : i32
      %dma_wait3A_218 = tpu.memref_slice %arg6[%dma_wait3A_216, %dma_wait3A_217] : memref<125x80xi32, #tpu.memory_space<vmem>> -> memref<1x80xi32, #tpu.memory_space<vmem>>
      %dma_wait3A_219 = tpu.memref_squeeze %dma_wait3A_218 : memref<1x80xi32, #tpu.memory_space<vmem>> -> memref<80xi32, #tpu.memory_space<vmem>>
      %dma_wait3A_220 = arith.constant 0 : i32
      %dma_wait3A_221 = arith.constant 0 : i32
      %dma_wait3A_222 = tpu.memref_slice %arg2[%dma_wait3A_220, %dma_wait3A_221] : memref<10000x32xf32, #tpu.memory_space<hbm>> -> memref<10000x32xf32, #tpu.memory_space<hbm>>
      tpu.wait_indirect_dma semaphore(%arg18 : memref<!tpu.dma_semaphore, #tpu.memory_space<semaphore_mem>>) src(%dma_wait3A_222 : memref<10000x32xf32, #tpu.memory_space<hbm>>) dst(%arg12 : memref<80x32xf32, #tpu.memory_space<vmem>>)
      %add3A_223 = arith.constant 4 : i32
      %add3A_224 = arith.addi %mul3A_155, %add3A_223 : i32
      %dma_start3A_225 = arith.constant 0 : i32
      %dma_start3A_226 = tpu.memref_slice %arg7[%add3A_224, %dma_start3A_225] : memref<125x80xi32, #tpu.memory_space<vmem>> -> memref<1x80xi32, #tpu.memory_space<vmem>>
      %dma_start3A_227 = tpu.memref_squeeze %dma_start3A_226 : memref<1x80xi32, #tpu.memory_space<vmem>> -> memref<80xi32, #tpu.memory_space<vmem>>
      %dma_start3A_228 = arith.constant 0 : i32
      %dma_start3A_229 = arith.constant 0 : i32
      %dma_start3A_230 = tpu.memref_slice %arg13[%dma_start3A_228, %dma_start3A_229] : memref<10000x32xf32, #tpu.memory_space<vmem_shared>> -> memref<10000x32xf32, #tpu.memory_space<vmem_shared>>
      tpu.enqueue_indirect_dma source(%arg12 : memref<80x32xf32, #tpu.memory_space<vmem>>) target(%dma_start3A_230 : memref<10000x32xf32, #tpu.memory_space<vmem_shared>>) offsets(%dma_start3A_227 : memref<80xi32, #tpu.memory_space<vmem>>) semaphore(%arg23 : memref<!tpu.dma_semaphore, #tpu.memory_space<semaphore_mem>>) {add = true}
      %dma_wait3A_231 = arith.constant 0 : i32
      %dma_wait3A_232 = arith.constant 0 : i32
      %dma_wait3A_233 = tpu.memref_slice %arg7[%dma_wait3A_231, %dma_wait3A_232] : memref<125x80xi32, #tpu.memory_space<vmem>> -> memref<1x80xi32, #tpu.memory_space<vmem>>
      %dma_wait3A_234 = tpu.memref_squeeze %dma_wait3A_233 : memref<1x80xi32, #tpu.memory_space<vmem>> -> memref<80xi32, #tpu.memory_space<vmem>>
      %dma_wait3A_235 = arith.constant 0 : i32
      %dma_wait3A_236 = arith.constant 0 : i32
      %dma_wait3A_237 = tpu.memref_slice %arg13[%dma_wait3A_235, %dma_wait3A_236] : memref<10000x32xf32, #tpu.memory_space<vmem_shared>> -> memref<10000x32xf32, #tpu.memory_space<vmem_shared>>
      tpu.wait_indirect_dma semaphore(%arg19 : memref<!tpu.dma_semaphore, #tpu.memory_space<semaphore_mem>>) src(%arg8 : memref<80x32xf32, #tpu.memory_space<vmem>>) dst(%dma_wait3A_237 : memref<10000x32xf32, #tpu.memory_space<vmem_shared>>)
      %add3A_238 = arith.constant 5 : i32
      %add3A_239 = arith.addi %mul3A_155, %add3A_238 : i32
      %add3A_240 = arith.constant 0 : i32
      %add3A_241 = arith.addi %add3A_239, %add3A_240 : i32
      %dma_start3A_242 = arith.constant 0 : i32
      %dma_start3A_243 = tpu.memref_slice %arg6[%add3A_241, %dma_start3A_242] : memref<125x80xi32, #tpu.memory_space<vmem>> -> memref<1x80xi32, #tpu.memory_space<vmem>>
      %dma_start3A_244 = tpu.memref_squeeze %dma_start3A_243 : memref<1x80xi32, #tpu.memory_space<vmem>> -> memref<80xi32, #tpu.memory_space<vmem>>
      %dma_start3A_245 = arith.constant 0 : i32
      %dma_start3A_246 = arith.constant 0 : i32
      %dma_start3A_247 = tpu.memref_slice %arg2[%dma_start3A_245, %dma_start3A_246] : memref<10000x32xf32, #tpu.memory_space<hbm>> -> memref<10000x32xf32, #tpu.memory_space<hbm>>
      tpu.enqueue_indirect_dma source(%dma_start3A_247 : memref<10000x32xf32, #tpu.memory_space<hbm>>) target(%arg8 : memref<80x32xf32, #tpu.memory_space<vmem>>) offsets(%dma_start3A_244 : memref<80xi32, #tpu.memory_space<vmem>>) semaphore(%arg14 : memref<!tpu.dma_semaphore, #tpu.memory_space<semaphore_mem>>)
      %dma_wait3A_248 = arith.constant 0 : i32
      %dma_wait3A_249 = arith.constant 0 : i32
      %dma_wait3A_250 = tpu.memref_slice %arg7[%dma_wait3A_248, %dma_wait3A_249] : memref<125x80xi32, #tpu.memory_space<vmem>> -> memref<1x80xi32, #tpu.memory_space<vmem>>
      %dma_wait3A_251 = tpu.memref_squeeze %dma_wait3A_250 : memref<1x80xi32, #tpu.memory_space<vmem>> -> memref<80xi32, #tpu.memory_space<vmem>>
      %dma_wait3A_252 = arith.constant 0 : i32
      %dma_wait3A_253 = arith.constant 0 : i32
      %dma_wait3A_254 = tpu.memref_slice %arg13[%dma_wait3A_252, %dma_wait3A_253] : memref<10000x32xf32, #tpu.memory_space<vmem_shared>> -> memref<10000x32xf32, #tpu.memory_space<vmem_shared>>
      tpu.wait_indirect_dma semaphore(%arg20 : memref<!tpu.dma_semaphore, #tpu.memory_space<semaphore_mem>>) src(%arg9 : memref<80x32xf32, #tpu.memory_space<vmem>>) dst(%dma_wait3A_254 : memref<10000x32xf32, #tpu.memory_space<vmem_shared>>)
      %add3A_255 = arith.constant 5 : i32
      %add3A_256 = arith.addi %mul3A_155, %add3A_255 : i32
      %add3A_257 = arith.constant 1 : i32
      %add3A_258 = arith.addi %add3A_256, %add3A_257 : i32
      %dma_start3A_259 = arith.constant 0 : i32
      %dma_start3A_260 = tpu.memref_slice %arg6[%add3A_258, %dma_start3A_259] : memref<125x80xi32, #tpu.memory_space<vmem>> -> memref<1x80xi32, #tpu.memory_space<vmem>>
      %dma_start3A_261 = tpu.memref_squeeze %dma_start3A_260 : memref<1x80xi32, #tpu.memory_space<vmem>> -> memref<80xi32, #tpu.memory_space<vmem>>
      %dma_start3A_262 = arith.constant 0 : i32
      %dma_start3A_263 = arith.constant 0 : i32
      %dma_start3A_264 = tpu.memref_slice %arg2[%dma_start3A_262, %dma_start3A_263] : memref<10000x32xf32, #tpu.memory_space<hbm>> -> memref<10000x32xf32, #tpu.memory_space<hbm>>
      tpu.enqueue_indirect_dma source(%dma_start3A_264 : memref<10000x32xf32, #tpu.memory_space<hbm>>) target(%arg9 : memref<80x32xf32, #tpu.memory_space<vmem>>) offsets(%dma_start3A_261 : memref<80xi32, #tpu.memory_space<vmem>>) semaphore(%arg15 : memref<!tpu.dma_semaphore, #tpu.memory_space<semaphore_mem>>)
      %dma_wait3A_265 = arith.constant 0 : i32
      %dma_wait3A_266 = arith.constant 0 : i32
      %dma_wait3A_267 = tpu.memref_slice %arg7[%dma_wait3A_265, %dma_wait3A_266] : memref<125x80xi32, #tpu.memory_space<vmem>> -> memref<1x80xi32, #tpu.memory_space<vmem>>
      %dma_wait3A_268 = tpu.memref_squeeze %dma_wait3A_267 : memref<1x80xi32, #tpu.memory_space<vmem>> -> memref<80xi32, #tpu.memory_space<vmem>>
      %dma_wait3A_269 = arith.constant 0 : i32
      %dma_wait3A_270 = arith.constant 0 : i32
      %dma_wait3A_271 = tpu.memref_slice %arg13[%dma_wait3A_269, %dma_wait3A_270] : memref<10000x32xf32, #tpu.memory_space<vmem_shared>> -> memref<10000x32xf32, #tpu.memory_space<vmem_shared>>
      tpu.wait_indirect_dma semaphore(%arg21 : memref<!tpu.dma_semaphore, #tpu.memory_space<semaphore_mem>>) src(%arg10 : memref<80x32xf32, #tpu.memory_space<vmem>>) dst(%dma_wait3A_271 : memref<10000x32xf32, #tpu.memory_space<vmem_shared>>)
      %add3A_272 = arith.constant 5 : i32
      %add3A_273 = arith.addi %mul3A_155, %add3A_272 : i32
      %add3A_274 = arith.constant 2 : i32
      %add3A_275 = arith.addi %add3A_273, %add3A_274 : i32
      %dma_start3A_276 = arith.constant 0 : i32
      %dma_start3A_277 = tpu.memref_slice %arg6[%add3A_275, %dma_start3A_276] : memref<125x80xi32, #tpu.memory_space<vmem>> -> memref<1x80xi32, #tpu.memory_space<vmem>>
      %dma_start3A_278 = tpu.memref_squeeze %dma_start3A_277 : memref<1x80xi32, #tpu.memory_space<vmem>> -> memref<80xi32, #tpu.memory_space<vmem>>
      %dma_start3A_279 = arith.constant 0 : i32
      %dma_start3A_280 = arith.constant 0 : i32
      %dma_start3A_281 = tpu.memref_slice %arg2[%dma_start3A_279, %dma_start3A_280] : memref<10000x32xf32, #tpu.memory_space<hbm>> -> memref<10000x32xf32, #tpu.memory_space<hbm>>
      tpu.enqueue_indirect_dma source(%dma_start3A_281 : memref<10000x32xf32, #tpu.memory_space<hbm>>) target(%arg10 : memref<80x32xf32, #tpu.memory_space<vmem>>) offsets(%dma_start3A_278 : memref<80xi32, #tpu.memory_space<vmem>>) semaphore(%arg16 : memref<!tpu.dma_semaphore, #tpu.memory_space<semaphore_mem>>)
      %dma_wait3A_282 = arith.constant 0 : i32
      %dma_wait3A_283 = arith.constant 0 : i32
      %dma_wait3A_284 = tpu.memref_slice %arg7[%dma_wait3A_282, %dma_wait3A_283] : memref<125x80xi32, #tpu.memory_space<vmem>> -> memref<1x80xi32, #tpu.memory_space<vmem>>
      %dma_wait3A_285 = tpu.memref_squeeze %dma_wait3A_284 : memref<1x80xi32, #tpu.memory_space<vmem>> -> memref<80xi32, #tpu.memory_space<vmem>>
      %dma_wait3A_286 = arith.constant 0 : i32
      %dma_wait3A_287 = arith.constant 0 : i32
      %dma_wait3A_288 = tpu.memref_slice %arg13[%dma_wait3A_286, %dma_wait3A_287] : memref<10000x32xf32, #tpu.memory_space<vmem_shared>> -> memref<10000x32xf32, #tpu.memory_space<vmem_shared>>
      tpu.wait_indirect_dma semaphore(%arg22 : memref<!tpu.dma_semaphore, #tpu.memory_space<semaphore_mem>>) src(%arg11 : memref<80x32xf32, #tpu.memory_space<vmem>>) dst(%dma_wait3A_288 : memref<10000x32xf32, #tpu.memory_space<vmem_shared>>)
      %add3A_289 = arith.constant 5 : i32
      %add3A_290 = arith.addi %mul3A_155, %add3A_289 : i32
      %add3A_291 = arith.constant 3 : i32
      %add3A_292 = arith.addi %add3A_290, %add3A_291 : i32
      %dma_start3A_293 = arith.constant 0 : i32
      %dma_start3A_294 = tpu.memref_slice %arg6[%add3A_292, %dma_start3A_293] : memref<125x80xi32, #tpu.memory_space<vmem>> -> memref<1x80xi32, #tpu.memory_space<vmem>>
      %dma_start3A_295 = tpu.memref_squeeze %dma_start3A_294 : memref<1x80xi32, #tpu.memory_space<vmem>> -> memref<80xi32, #tpu.memory_space<vmem>>
      %dma_start3A_296 = arith.constant 0 : i32
      %dma_start3A_297 = arith.constant 0 : i32
      %dma_start3A_298 = tpu.memref_slice %arg2[%dma_start3A_296, %dma_start3A_297] : memref<10000x32xf32, #tpu.memory_space<hbm>> -> memref<10000x32xf32, #tpu.memory_space<hbm>>
      tpu.enqueue_indirect_dma source(%dma_start3A_298 : memref<10000x32xf32, #tpu.memory_space<hbm>>) target(%arg11 : memref<80x32xf32, #tpu.memory_space<vmem>>) offsets(%dma_start3A_295 : memref<80xi32, #tpu.memory_space<vmem>>) semaphore(%arg17 : memref<!tpu.dma_semaphore, #tpu.memory_space<semaphore_mem>>)
      %dma_wait3A_299 = arith.constant 0 : i32
      %dma_wait3A_300 = arith.constant 0 : i32
      %dma_wait3A_301 = tpu.memref_slice %arg7[%dma_wait3A_299, %dma_wait3A_300] : memref<125x80xi32, #tpu.memory_space<vmem>> -> memref<1x80xi32, #tpu.memory_space<vmem>>
      %dma_wait3A_302 = tpu.memref_squeeze %dma_wait3A_301 : memref<1x80xi32, #tpu.memory_space<vmem>> -> memref<80xi32, #tpu.memory_space<vmem>>
      %dma_wait3A_303 = arith.constant 0 : i32
      %dma_wait3A_304 = arith.constant 0 : i32
      %dma_wait3A_305 = tpu.memref_slice %arg13[%dma_wait3A_303, %dma_wait3A_304] : memref<10000x32xf32, #tpu.memory_space<vmem_shared>> -> memref<10000x32xf32, #tpu.memory_space<vmem_shared>>
      tpu.wait_indirect_dma semaphore(%arg23 : memref<!tpu.dma_semaphore, #tpu.memory_space<semaphore_mem>>) src(%arg12 : memref<80x32xf32, #tpu.memory_space<vmem>>) dst(%dma_wait3A_305 : memref<10000x32xf32, #tpu.memory_space<vmem_shared>>)
      %add3A_306 = arith.constant 5 : i32
      %add3A_307 = arith.addi %mul3A_155, %add3A_306 : i32
      %add3A_308 = arith.constant 4 : i32
      %add3A_309 = arith.addi %add3A_307, %add3A_308 : i32
      %dma_start3A_310 = arith.constant 0 : i32
      %dma_start3A_311 = tpu.memref_slice %arg6[%add3A_309, %dma_start3A_310] : memref<125x80xi32, #tpu.memory_space<vmem>> -> memref<1x80xi32, #tpu.memory_space<vmem>>
      %dma_start3A_312 = tpu.memref_squeeze %dma_start3A_311 : memref<1x80xi32, #tpu.memory_space<vmem>> -> memref<80xi32, #tpu.memory_space<vmem>>
      %dma_start3A_313 = arith.constant 0 : i32
      %dma_start3A_314 = arith.constant 0 : i32
      %dma_start3A_315 = tpu.memref_slice %arg2[%dma_start3A_313, %dma_start3A_314] : memref<10000x32xf32, #tpu.memory_space<hbm>> -> memref<10000x32xf32, #tpu.memory_space<hbm>>
      tpu.enqueue_indirect_dma source(%dma_start3A_315 : memref<10000x32xf32, #tpu.memory_space<hbm>>) target(%arg12 : memref<80x32xf32, #tpu.memory_space<vmem>>) offsets(%dma_start3A_312 : memref<80xi32, #tpu.memory_space<vmem>>) semaphore(%arg18 : memref<!tpu.dma_semaphore, #tpu.memory_space<semaphore_mem>>)
    }
    %scan3A_42 = arith.constant 24 : i32
    %dma_wait3A = arith.constant 0 : i32
    %dma_wait3A_43 = arith.constant 0 : i32
    %dma_wait3A_44 = tpu.memref_slice %arg6[%dma_wait3A, %dma_wait3A_43] : memref<125x80xi32, #tpu.memory_space<vmem>> -> memref<1x80xi32, #tpu.memory_space<vmem>>
    %dma_wait3A_45 = tpu.memref_squeeze %dma_wait3A_44 : memref<1x80xi32, #tpu.memory_space<vmem>> -> memref<80xi32, #tpu.memory_space<vmem>>
    %dma_wait3A_46 = arith.constant 0 : i32
    %dma_wait3A_47 = arith.constant 0 : i32
    %dma_wait3A_48 = tpu.memref_slice %arg2[%dma_wait3A_46, %dma_wait3A_47] : memref<10000x32xf32, #tpu.memory_space<hbm>> -> memref<10000x32xf32, #tpu.memory_space<hbm>>
    tpu.wait_indirect_dma semaphore(%arg14 : memref<!tpu.dma_semaphore, #tpu.memory_space<semaphore_mem>>) src(%dma_wait3A_48 : memref<10000x32xf32, #tpu.memory_space<hbm>>) dst(%arg8 : memref<80x32xf32, #tpu.memory_space<vmem>>)
    %dma_start3A_49 = arith.constant 120 : i32
    %dma_start3A_50 = arith.constant 0 : i32
    %dma_start3A_51 = tpu.memref_slice %arg7[%dma_start3A_49, %dma_start3A_50] : memref<125x80xi32, #tpu.memory_space<vmem>> -> memref<1x80xi32, #tpu.memory_space<vmem>>
    %dma_start3A_52 = tpu.memref_squeeze %dma_start3A_51 : memref<1x80xi32, #tpu.memory_space<vmem>> -> memref<80xi32, #tpu.memory_space<vmem>>
    %dma_start3A_53 = arith.constant 0 : i32
    %dma_start3A_54 = arith.constant 0 : i32
    %dma_start3A_55 = tpu.memref_slice %arg13[%dma_start3A_53, %dma_start3A_54] : memref<10000x32xf32, #tpu.memory_space<vmem_shared>> -> memref<10000x32xf32, #tpu.memory_space<vmem_shared>>
    tpu.enqueue_indirect_dma source(%arg8 : memref<80x32xf32, #tpu.memory_space<vmem>>) target(%dma_start3A_55 : memref<10000x32xf32, #tpu.memory_space<vmem_shared>>) offsets(%dma_start3A_52 : memref<80xi32, #tpu.memory_space<vmem>>) semaphore(%arg19 : memref<!tpu.dma_semaphore, #tpu.memory_space<semaphore_mem>>) {add = true}
    %dma_wait3A_56 = arith.constant 0 : i32
    %dma_wait3A_57 = arith.constant 0 : i32
    %dma_wait3A_58 = tpu.memref_slice %arg6[%dma_wait3A_56, %dma_wait3A_57] : memref<125x80xi32, #tpu.memory_space<vmem>> -> memref<1x80xi32, #tpu.memory_space<vmem>>
    %dma_wait3A_59 = tpu.memref_squeeze %dma_wait3A_58 : memref<1x80xi32, #tpu.memory_space<vmem>> -> memref<80xi32, #tpu.memory_space<vmem>>
    %dma_wait3A_60 = arith.constant 0 : i32
    %dma_wait3A_61 = arith.constant 0 : i32
    %dma_wait3A_62 = tpu.memref_slice %arg2[%dma_wait3A_60, %dma_wait3A_61] : memref<10000x32xf32, #tpu.memory_space<hbm>> -> memref<10000x32xf32, #tpu.memory_space<hbm>>
    tpu.wait_indirect_dma semaphore(%arg15 : memref<!tpu.dma_semaphore, #tpu.memory_space<semaphore_mem>>) src(%dma_wait3A_62 : memref<10000x32xf32, #tpu.memory_space<hbm>>) dst(%arg9 : memref<80x32xf32, #tpu.memory_space<vmem>>)
    %dma_start3A_63 = arith.constant 121 : i32
    %dma_start3A_64 = arith.constant 0 : i32
    %dma_start3A_65 = tpu.memref_slice %arg7[%dma_start3A_63, %dma_start3A_64] : memref<125x80xi32, #tpu.memory_space<vmem>> -> memref<1x80xi32, #tpu.memory_space<vmem>>
    %dma_start3A_66 = tpu.memref_squeeze %dma_start3A_65 : memref<1x80xi32, #tpu.memory_space<vmem>> -> memref<80xi32, #tpu.memory_space<vmem>>
    %dma_start3A_67 = arith.constant 0 : i32
    %dma_start3A_68 = arith.constant 0 : i32
    %dma_start3A_69 = tpu.memref_slice %arg13[%dma_start3A_67, %dma_start3A_68] : memref<10000x32xf32, #tpu.memory_space<vmem_shared>> -> memref<10000x32xf32, #tpu.memory_space<vmem_shared>>
    tpu.enqueue_indirect_dma source(%arg9 : memref<80x32xf32, #tpu.memory_space<vmem>>) target(%dma_start3A_69 : memref<10000x32xf32, #tpu.memory_space<vmem_shared>>) offsets(%dma_start3A_66 : memref<80xi32, #tpu.memory_space<vmem>>) semaphore(%arg20 : memref<!tpu.dma_semaphore, #tpu.memory_space<semaphore_mem>>) {add = true}
    %dma_wait3A_70 = arith.constant 0 : i32
    %dma_wait3A_71 = arith.constant 0 : i32
    %dma_wait3A_72 = tpu.memref_slice %arg6[%dma_wait3A_70, %dma_wait3A_71] : memref<125x80xi32, #tpu.memory_space<vmem>> -> memref<1x80xi32, #tpu.memory_space<vmem>>
    %dma_wait3A_73 = tpu.memref_squeeze %dma_wait3A_72 : memref<1x80xi32, #tpu.memory_space<vmem>> -> memref<80xi32, #tpu.memory_space<vmem>>
    %dma_wait3A_74 = arith.constant 0 : i32
    %dma_wait3A_75 = arith.constant 0 : i32
    %dma_wait3A_76 = tpu.memref_slice %arg2[%dma_wait3A_74, %dma_wait3A_75] : memref<10000x32xf32, #tpu.memory_space<hbm>> -> memref<10000x32xf32, #tpu.memory_space<hbm>>
    tpu.wait_indirect_dma semaphore(%arg16 : memref<!tpu.dma_semaphore, #tpu.memory_space<semaphore_mem>>) src(%dma_wait3A_76 : memref<10000x32xf32, #tpu.memory_space<hbm>>) dst(%arg10 : memref<80x32xf32, #tpu.memory_space<vmem>>)
    %dma_start3A_77 = arith.constant 122 : i32
    %dma_start3A_78 = arith.constant 0 : i32
    %dma_start3A_79 = tpu.memref_slice %arg7[%dma_start3A_77, %dma_start3A_78] : memref<125x80xi32, #tpu.memory_space<vmem>> -> memref<1x80xi32, #tpu.memory_space<vmem>>
    %dma_start3A_80 = tpu.memref_squeeze %dma_start3A_79 : memref<1x80xi32, #tpu.memory_space<vmem>> -> memref<80xi32, #tpu.memory_space<vmem>>
    %dma_start3A_81 = arith.constant 0 : i32
    %dma_start3A_82 = arith.constant 0 : i32
    %dma_start3A_83 = tpu.memref_slice %arg13[%dma_start3A_81, %dma_start3A_82] : memref<10000x32xf32, #tpu.memory_space<vmem_shared>> -> memref<10000x32xf32, #tpu.memory_space<vmem_shared>>
    tpu.enqueue_indirect_dma source(%arg10 : memref<80x32xf32, #tpu.memory_space<vmem>>) target(%dma_start3A_83 : memref<10000x32xf32, #tpu.memory_space<vmem_shared>>) offsets(%dma_start3A_80 : memref<80xi32, #tpu.memory_space<vmem>>) semaphore(%arg21 : memref<!tpu.dma_semaphore, #tpu.memory_space<semaphore_mem>>) {add = true}
    %dma_wait3A_84 = arith.constant 0 : i32
    %dma_wait3A_85 = arith.constant 0 : i32
    %dma_wait3A_86 = tpu.memref_slice %arg6[%dma_wait3A_84, %dma_wait3A_85] : memref<125x80xi32, #tpu.memory_space<vmem>> -> memref<1x80xi32, #tpu.memory_space<vmem>>
    %dma_wait3A_87 = tpu.memref_squeeze %dma_wait3A_86 : memref<1x80xi32, #tpu.memory_space<vmem>> -> memref<80xi32, #tpu.memory_space<vmem>>
    %dma_wait3A_88 = arith.constant 0 : i32
    %dma_wait3A_89 = arith.constant 0 : i32
    %dma_wait3A_90 = tpu.memref_slice %arg2[%dma_wait3A_88, %dma_wait3A_89] : memref<10000x32xf32, #tpu.memory_space<hbm>> -> memref<10000x32xf32, #tpu.memory_space<hbm>>
    tpu.wait_indirect_dma semaphore(%arg17 : memref<!tpu.dma_semaphore, #tpu.memory_space<semaphore_mem>>) src(%dma_wait3A_90 : memref<10000x32xf32, #tpu.memory_space<hbm>>) dst(%arg11 : memref<80x32xf32, #tpu.memory_space<vmem>>)
    %dma_start3A_91 = arith.constant 123 : i32
    %dma_start3A_92 = arith.constant 0 : i32
    %dma_start3A_93 = tpu.memref_slice %arg7[%dma_start3A_91, %dma_start3A_92] : memref<125x80xi32, #tpu.memory_space<vmem>> -> memref<1x80xi32, #tpu.memory_space<vmem>>
    %dma_start3A_94 = tpu.memref_squeeze %dma_start3A_93 : memref<1x80xi32, #tpu.memory_space<vmem>> -> memref<80xi32, #tpu.memory_space<vmem>>
    %dma_start3A_95 = arith.constant 0 : i32
    %dma_start3A_96 = arith.constant 0 : i32
    %dma_start3A_97 = tpu.memref_slice %arg13[%dma_start3A_95, %dma_start3A_96] : memref<10000x32xf32, #tpu.memory_space<vmem_shared>> -> memref<10000x32xf32, #tpu.memory_space<vmem_shared>>
    tpu.enqueue_indirect_dma source(%arg11 : memref<80x32xf32, #tpu.memory_space<vmem>>) target(%dma_start3A_97 : memref<10000x32xf32, #tpu.memory_space<vmem_shared>>) offsets(%dma_start3A_94 : memref<80xi32, #tpu.memory_space<vmem>>) semaphore(%arg22 : memref<!tpu.dma_semaphore, #tpu.memory_space<semaphore_mem>>) {add = true}
    %dma_wait3A_98 = arith.constant 0 : i32
    %dma_wait3A_99 = arith.constant 0 : i32
    %dma_wait3A_100 = tpu.memref_slice %arg6[%dma_wait3A_98, %dma_wait3A_99] : memref<125x80xi32, #tpu.memory_space<vmem>> -> memref<1x80xi32, #tpu.memory_space<vmem>>
    %dma_wait3A_101 = tpu.memref_squeeze %dma_wait3A_100 : memref<1x80xi32, #tpu.memory_space<vmem>> -> memref<80xi32, #tpu.memory_space<vmem>>
    %dma_wait3A_102 = arith.constant 0 : i32
    %dma_wait3A_103 = arith.constant 0 : i32
    %dma_wait3A_104 = tpu.memref_slice %arg2[%dma_wait3A_102, %dma_wait3A_103] : memref<10000x32xf32, #tpu.memory_space<hbm>> -> memref<10000x32xf32, #tpu.memory_space<hbm>>
    tpu.wait_indirect_dma semaphore(%arg18 : memref<!tpu.dma_semaphore, #tpu.memory_space<semaphore_mem>>) src(%dma_wait3A_104 : memref<10000x32xf32, #tpu.memory_space<hbm>>) dst(%arg12 : memref<80x32xf32, #tpu.memory_space<vmem>>)
    %dma_start3A_105 = arith.constant 124 : i32
    %dma_start3A_106 = arith.constant 0 : i32
    %dma_start3A_107 = tpu.memref_slice %arg7[%dma_start3A_105, %dma_start3A_106] : memref<125x80xi32, #tpu.memory_space<vmem>> -> memref<1x80xi32, #tpu.memory_space<vmem>>
    %dma_start3A_108 = tpu.memref_squeeze %dma_start3A_107 : memref<1x80xi32, #tpu.memory_space<vmem>> -> memref<80xi32, #tpu.memory_space<vmem>>
    %dma_start3A_109 = arith.constant 0 : i32
    %dma_start3A_110 = arith.constant 0 : i32
    %dma_start3A_111 = tpu.memref_slice %arg13[%dma_start3A_109, %dma_start3A_110] : memref<10000x32xf32, #tpu.memory_space<vmem_shared>> -> memref<10000x32xf32, #tpu.memory_space<vmem_shared>>
    tpu.enqueue_indirect_dma source(%arg12 : memref<80x32xf32, #tpu.memory_space<vmem>>) target(%dma_start3A_111 : memref<10000x32xf32, #tpu.memory_space<vmem_shared>>) offsets(%dma_start3A_108 : memref<80xi32, #tpu.memory_space<vmem>>) semaphore(%arg23 : memref<!tpu.dma_semaphore, #tpu.memory_space<semaphore_mem>>) {add = true}
    %dma_wait3A_112 = arith.constant 120 : i32
    %dma_wait3A_113 = arith.constant 0 : i32
    %dma_wait3A_114 = tpu.memref_slice %arg7[%dma_wait3A_112, %dma_wait3A_113] : memref<125x80xi32, #tpu.memory_space<vmem>> -> memref<1x80xi32, #tpu.memory_space<vmem>>
    %dma_wait3A_115 = tpu.memref_squeeze %dma_wait3A_114 : memref<1x80xi32, #tpu.memory_space<vmem>> -> memref<80xi32, #tpu.memory_space<vmem>>
    %dma_wait3A_116 = arith.constant 0 : i32
    %dma_wait3A_117 = arith.constant 0 : i32
    %dma_wait3A_118 = tpu.memref_slice %arg13[%dma_wait3A_116, %dma_wait3A_117] : memref<10000x32xf32, #tpu.memory_space<vmem_shared>> -> memref<10000x32xf32, #tpu.memory_space<vmem_shared>>
    tpu.wait_indirect_dma semaphore(%arg19 : memref<!tpu.dma_semaphore, #tpu.memory_space<semaphore_mem>>) src(%arg8 : memref<80x32xf32, #tpu.memory_space<vmem>>) dst(%dma_wait3A_118 : memref<10000x32xf32, #tpu.memory_space<vmem_shared>>)
    %dma_wait3A_119 = arith.constant 121 : i32
    %dma_wait3A_120 = arith.constant 0 : i32
    %dma_wait3A_121 = tpu.memref_slice %arg7[%dma_wait3A_119, %dma_wait3A_120] : memref<125x80xi32, #tpu.memory_space<vmem>> -> memref<1x80xi32, #tpu.memory_space<vmem>>
    %dma_wait3A_122 = tpu.memref_squeeze %dma_wait3A_121 : memref<1x80xi32, #tpu.memory_space<vmem>> -> memref<80xi32, #tpu.memory_space<vmem>>
    %dma_wait3A_123 = arith.constant 0 : i32
    %dma_wait3A_124 = arith.constant 0 : i32
    %dma_wait3A_125 = tpu.memref_slice %arg13[%dma_wait3A_123, %dma_wait3A_124] : memref<10000x32xf32, #tpu.memory_space<vmem_shared>> -> memref<10000x32xf32, #tpu.memory_space<vmem_shared>>
    tpu.wait_indirect_dma semaphore(%arg20 : memref<!tpu.dma_semaphore, #tpu.memory_space<semaphore_mem>>) src(%arg9 : memref<80x32xf32, #tpu.memory_space<vmem>>) dst(%dma_wait3A_125 : memref<10000x32xf32, #tpu.memory_space<vmem_shared>>)
    %dma_wait3A_126 = arith.constant 122 : i32
    %dma_wait3A_127 = arith.constant 0 : i32
    %dma_wait3A_128 = tpu.memref_slice %arg7[%dma_wait3A_126, %dma_wait3A_127] : memref<125x80xi32, #tpu.memory_space<vmem>> -> memref<1x80xi32, #tpu.memory_space<vmem>>
    %dma_wait3A_129 = tpu.memref_squeeze %dma_wait3A_128 : memref<1x80xi32, #tpu.memory_space<vmem>> -> memref<80xi32, #tpu.memory_space<vmem>>
    %dma_wait3A_130 = arith.constant 0 : i32
    %dma_wait3A_131 = arith.constant 0 : i32
    %dma_wait3A_132 = tpu.memref_slice %arg13[%dma_wait3A_130, %dma_wait3A_131] : memref<10000x32xf32, #tpu.memory_space<vmem_shared>> -> memref<10000x32xf32, #tpu.memory_space<vmem_shared>>
    tpu.wait_indirect_dma semaphore(%arg21 : memref<!tpu.dma_semaphore, #tpu.memory_space<semaphore_mem>>) src(%arg10 : memref<80x32xf32, #tpu.memory_space<vmem>>) dst(%dma_wait3A_132 : memref<10000x32xf32, #tpu.memory_space<vmem_shared>>)
    %dma_wait3A_133 = arith.constant 123 : i32
    %dma_wait3A_134 = arith.constant 0 : i32
    %dma_wait3A_135 = tpu.memref_slice %arg7[%dma_wait3A_133, %dma_wait3A_134] : memref<125x80xi32, #tpu.memory_space<vmem>> -> memref<1x80xi32, #tpu.memory_space<vmem>>
    %dma_wait3A_136 = tpu.memref_squeeze %dma_wait3A_135 : memref<1x80xi32, #tpu.memory_space<vmem>> -> memref<80xi32, #tpu.memory_space<vmem>>
    %dma_wait3A_137 = arith.constant 0 : i32
    %dma_wait3A_138 = arith.constant 0 : i32
    %dma_wait3A_139 = tpu.memref_slice %arg13[%dma_wait3A_137, %dma_wait3A_138] : memref<10000x32xf32, #tpu.memory_space<vmem_shared>> -> memref<10000x32xf32, #tpu.memory_space<vmem_shared>>
    tpu.wait_indirect_dma semaphore(%arg22 : memref<!tpu.dma_semaphore, #tpu.memory_space<semaphore_mem>>) src(%arg11 : memref<80x32xf32, #tpu.memory_space<vmem>>) dst(%dma_wait3A_139 : memref<10000x32xf32, #tpu.memory_space<vmem_shared>>)
    %dma_wait3A_140 = arith.constant 124 : i32
    %dma_wait3A_141 = arith.constant 0 : i32
    %dma_wait3A_142 = tpu.memref_slice %arg7[%dma_wait3A_140, %dma_wait3A_141] : memref<125x80xi32, #tpu.memory_space<vmem>> -> memref<1x80xi32, #tpu.memory_space<vmem>>
    %dma_wait3A_143 = tpu.memref_squeeze %dma_wait3A_142 : memref<1x80xi32, #tpu.memory_space<vmem>> -> memref<80xi32, #tpu.memory_space<vmem>>
    %dma_wait3A_144 = arith.constant 0 : i32
    %dma_wait3A_145 = arith.constant 0 : i32
    %dma_wait3A_146 = tpu.memref_slice %arg13[%dma_wait3A_144, %dma_wait3A_145] : memref<10000x32xf32, #tpu.memory_space<vmem_shared>> -> memref<10000x32xf32, #tpu.memory_space<vmem_shared>>
    tpu.wait_indirect_dma semaphore(%arg23 : memref<!tpu.dma_semaphore, #tpu.memory_space<semaphore_mem>>) src(%arg12 : memref<80x32xf32, #tpu.memory_space<vmem>>) dst(%dma_wait3A_146 : memref<10000x32xf32, #tpu.memory_space<vmem_shared>>)
    %barrier3A_147 = arith.constant 0 : index
    tpu.barrier barrier_id(%barrier3A_147)
    %lt3A_148 = arith.constant 10 : i32
    %lt3A_149 = arith.cmpi slt, %arg1, %lt3A_148 : i32
    %convert_element_type3A_150 = arith.extui %lt3A_149 : i1 to i32
    %cond3A_151 = arith.constant 0 : i32
    %cond3A_152 = arith.cmpi ne, %convert_element_type3A_150, %cond3A_151 : i32
    scf.if %cond3A_152 {
      %mul3A_153 = arith.constant 1000 : i32
      %mul3A_154 = arith.muli %arg1, %mul3A_153 : i32
      %mul3A_155 = arith.constant 1000 : i32
      %mul3A_156 = arith.muli %arg1, %mul3A_155 : i32
      "tpu.region"() ({
        %run_scoped3A_157 = tpu.sem_alloc : memref<!tpu.dma_semaphore, #tpu.memory_space<semaphore_mem>>
        %dma_start3A_158 = arith.constant 0 : i32
        %dma_start3A_159 = tpu.memref_slice %arg5[%arg0, %mul3A_156, %dma_start3A_158] : memref<2x10000x32xf32, #tpu.memory_space<hbm>> -> memref<1x1000x32xf32, #tpu.memory_space<hbm>>
        %dma_start3A_160 = tpu.memref_squeeze %dma_start3A_159 : memref<1x1000x32xf32, #tpu.memory_space<hbm>> -> memref<1000x32xf32, #tpu.memory_space<hbm>>
        %dma_start3A_161 = arith.constant 0 : i32
        %dma_start3A_162 = tpu.memref_slice %arg13[%mul3A_154, %dma_start3A_161] : memref<10000x32xf32, #tpu.memory_space<vmem_shared>> -> memref<1000x32xf32, #tpu.memory_space<vmem_shared>>
        tpu.enqueue_dma source(%dma_start3A_162 : memref<1000x32xf32, #tpu.memory_space<vmem_shared>>) target(%dma_start3A_160 : memref<1000x32xf32, #tpu.memory_space<hbm>>) target_semaphore(%run_scoped3A_157 : memref<!tpu.dma_semaphore, #tpu.memory_space<semaphore_mem>>)
        %dma_wait3A_163 = arith.constant 0 : i32
        %dma_wait3A_164 = tpu.memref_slice %arg5[%arg0, %mul3A_156, %dma_wait3A_163] : memref<2x10000x32xf32, #tpu.memory_space<hbm>> -> memref<1x1000x32xf32, #tpu.memory_space<hbm>>
        %dma_wait3A_165 = tpu.memref_squeeze %dma_wait3A_164 : memref<1x1000x32xf32, #tpu.memory_space<hbm>> -> memref<1000x32xf32, #tpu.memory_space<hbm>>
        %dma_wait3A_166 = arith.constant 0 : i32
        %dma_wait3A_167 = tpu.memref_slice %arg13[%mul3A_154, %dma_wait3A_166] : memref<10000x32xf32, #tpu.memory_space<vmem_shared>> -> memref<1000x32xf32, #tpu.memory_space<vmem_shared>>
        tpu.wait_dma2 semaphore(%run_scoped3A_157 : memref<!tpu.dma_semaphore, #tpu.memory_space<semaphore_mem>>) src(%dma_wait3A_167 : memref<1000x32xf32, #tpu.memory_space<vmem_shared>>) dst(%dma_wait3A_165 : memref<1000x32xf32, #tpu.memory_space<hbm>>)
        tpu.yield
      }) : () -> ()
    } else {
    }
    return
  }
}

#map = affine_map<(d0, d1) -> (0, 0)>
#map1 = affine_map<(d0, d1) -> (0, 0, 0, 0)>
#map2 = affine_map<(d0, d1) -> (0, 0, 0)>
module attributes {stable_mosaic.version = 14 : i64} {
  func.func @edge_kernel(%arg0: i32, %arg1: i32, %arg2: memref<10000x64xf32, #tpu.memory_space<hbm>>, %arg3: memref<2x32x125x80xi32, #tpu.memory_space<hbm>>, %arg4: memref<1000x64xf32, #tpu.memory_space<hbm>>, %arg5: memref<2x10000x64xf32, #tpu.memory_space<hbm>>, %arg6: memref<125x80xi32, #tpu.memory_space<vmem>>, %arg7: memref<125x80xi32, #tpu.memory_space<vmem>>, %arg8: memref<80x64xf32, #tpu.memory_space<vmem>>, %arg9: memref<80x64xf32, #tpu.memory_space<vmem>>, %arg10: memref<80x64xf32, #tpu.memory_space<vmem>>, %arg11: memref<80x64xf32, #tpu.memory_space<vmem>>, %arg12: memref<80x64xf32, #tpu.memory_space<vmem>>, %arg13: memref<10000x64xf32, #tpu.memory_space<vmem_shared>>, %arg14: memref<!tpu.dma_semaphore, #tpu.memory_space<semaphore_mem>>, %arg15: memref<!tpu.dma_semaphore, #tpu.memory_space<semaphore_mem>>, %arg16: memref<!tpu.dma_semaphore, #tpu.memory_space<semaphore_mem>>, %arg17: memref<!tpu.dma_semaphore, #tpu.memory_space<semaphore_mem>>, %arg18: memref<!tpu.dma_semaphore, #tpu.memory_space<semaphore_mem>>, %arg19: memref<!tpu.dma_semaphore, #tpu.memory_space<semaphore_mem>>, %arg20: memref<!tpu.dma_semaphore, #tpu.memory_space<semaphore_mem>>, %arg21: memref<!tpu.dma_semaphore, #tpu.memory_space<semaphore_mem>>, %arg22: memref<!tpu.dma_semaphore, #tpu.memory_space<semaphore_mem>>, %arg23: memref<!tpu.dma_semaphore, #tpu.memory_space<semaphore_mem>>) attributes {dimension_semantics = [#tpu.dimension_semantics<core_parallel>, #tpu.dimension_semantics<subcore_parallel>], iteration_bounds = array<i64: 2, 16>, scalar_prefetch = 0 : i64, scratch_operands = 18 : i64, tpu.core_type = #tpu.core_type<sc_vector_subcore>, window_params = [{transform_indices = #map}, {transform_indices = #map1}, {transform_indices = #map}, {transform_indices = #map2}]} {
    %mul3A = arith.constant 2 : i32
    %mul3A_0 = arith.muli %arg1, %mul3A : i32
    %add3A = arith.addi %mul3A_0, %arg0 : i32
    %run_scoped3A = arith.constant 0 : i32
    "tpu.region"() ({
      %run_scoped3A_153 = tpu.sem_alloc : memref<!tpu.dma_semaphore, #tpu.memory_space<semaphore_mem>>
      %dma_start3A_154 = arith.constant 0 : i32
      %dma_start3A_155 = arith.constant 0 : i32
      %dma_start3A_156 = tpu.memref_slice %arg3[%run_scoped3A, %add3A, %dma_start3A_154, %dma_start3A_155] : memref<2x32x125x80xi32, #tpu.memory_space<hbm>> -> memref<1x1x125x80xi32, #tpu.memory_space<hbm>>
      %dma_start3A_157 = tpu.memref_squeeze %dma_start3A_156 : memref<1x1x125x80xi32, #tpu.memory_space<hbm>> -> memref<125x80xi32, #tpu.memory_space<hbm>>
      %dma_start3A_158 = arith.constant 0 : i32
      %dma_start3A_159 = arith.constant 0 : i32
      %dma_start3A_160 = tpu.memref_slice %arg3[%run_scoped3A, %add3A, %dma_start3A_158, %dma_start3A_159] : memref<2x32x125x80xi32, #tpu.memory_space<hbm>> -> memref<1x1x125x80xi32, #tpu.memory_space<hbm>>
      %dma_start3A_161 = tpu.memref_squeeze %dma_start3A_160 : memref<1x1x125x80xi32, #tpu.memory_space<hbm>> -> memref<125x80xi32, #tpu.memory_space<hbm>>
      tpu.enqueue_dma source(%dma_start3A_161 : memref<125x80xi32, #tpu.memory_space<hbm>>) target(%arg6 : memref<125x80xi32, #tpu.memory_space<vmem>>) target_semaphore(%run_scoped3A_153 : memref<!tpu.dma_semaphore, #tpu.memory_space<semaphore_mem>>)
      %dma_wait3A_162 = arith.constant 0 : i32
      %dma_wait3A_163 = arith.constant 0 : i32
      %dma_wait3A_164 = tpu.memref_slice %arg3[%run_scoped3A, %add3A, %dma_wait3A_162, %dma_wait3A_163] : memref<2x32x125x80xi32, #tpu.memory_space<hbm>> -> memref<1x1x125x80xi32, #tpu.memory_space<hbm>>
      %dma_wait3A_165 = tpu.memref_squeeze %dma_wait3A_164 : memref<1x1x125x80xi32, #tpu.memory_space<hbm>> -> memref<125x80xi32, #tpu.memory_space<hbm>>
      %dma_wait3A_166 = arith.constant 0 : i32
      %dma_wait3A_167 = arith.constant 0 : i32
      %dma_wait3A_168 = tpu.memref_slice %arg3[%run_scoped3A, %add3A, %dma_wait3A_166, %dma_wait3A_167] : memref<2x32x125x80xi32, #tpu.memory_space<hbm>> -> memref<1x1x125x80xi32, #tpu.memory_space<hbm>>
      %dma_wait3A_169 = tpu.memref_squeeze %dma_wait3A_168 : memref<1x1x125x80xi32, #tpu.memory_space<hbm>> -> memref<125x80xi32, #tpu.memory_space<hbm>>
      tpu.wait_dma2 semaphore(%run_scoped3A_153 : memref<!tpu.dma_semaphore, #tpu.memory_space<semaphore_mem>>) src(%dma_wait3A_169 : memref<125x80xi32, #tpu.memory_space<hbm>>) dst(%arg6 : memref<125x80xi32, #tpu.memory_space<vmem>>)
      tpu.yield
    }) : () -> ()
    %run_scoped3A_1 = arith.constant 1 : i32
    "tpu.region"() ({
      %run_scoped3A_153 = tpu.sem_alloc : memref<!tpu.dma_semaphore, #tpu.memory_space<semaphore_mem>>
      %dma_start3A_154 = arith.constant 0 : i32
      %dma_start3A_155 = arith.constant 0 : i32
      %dma_start3A_156 = tpu.memref_slice %arg3[%run_scoped3A_1, %add3A, %dma_start3A_154, %dma_start3A_155] : memref<2x32x125x80xi32, #tpu.memory_space<hbm>> -> memref<1x1x125x80xi32, #tpu.memory_space<hbm>>
      %dma_start3A_157 = tpu.memref_squeeze %dma_start3A_156 : memref<1x1x125x80xi32, #tpu.memory_space<hbm>> -> memref<125x80xi32, #tpu.memory_space<hbm>>
      %dma_start3A_158 = arith.constant 0 : i32
      %dma_start3A_159 = arith.constant 0 : i32
      %dma_start3A_160 = tpu.memref_slice %arg3[%run_scoped3A_1, %add3A, %dma_start3A_158, %dma_start3A_159] : memref<2x32x125x80xi32, #tpu.memory_space<hbm>> -> memref<1x1x125x80xi32, #tpu.memory_space<hbm>>
      %dma_start3A_161 = tpu.memref_squeeze %dma_start3A_160 : memref<1x1x125x80xi32, #tpu.memory_space<hbm>> -> memref<125x80xi32, #tpu.memory_space<hbm>>
      tpu.enqueue_dma source(%dma_start3A_161 : memref<125x80xi32, #tpu.memory_space<hbm>>) target(%arg7 : memref<125x80xi32, #tpu.memory_space<vmem>>) target_semaphore(%run_scoped3A_153 : memref<!tpu.dma_semaphore, #tpu.memory_space<semaphore_mem>>)
      %dma_wait3A_162 = arith.constant 0 : i32
      %dma_wait3A_163 = arith.constant 0 : i32
      %dma_wait3A_164 = tpu.memref_slice %arg3[%run_scoped3A_1, %add3A, %dma_wait3A_162, %dma_wait3A_163] : memref<2x32x125x80xi32, #tpu.memory_space<hbm>> -> memref<1x1x125x80xi32, #tpu.memory_space<hbm>>
      %dma_wait3A_165 = tpu.memref_squeeze %dma_wait3A_164 : memref<1x1x125x80xi32, #tpu.memory_space<hbm>> -> memref<125x80xi32, #tpu.memory_space<hbm>>
      %dma_wait3A_166 = arith.constant 0 : i32
      %dma_wait3A_167 = arith.constant 0 : i32
      %dma_wait3A_168 = tpu.memref_slice %arg3[%run_scoped3A_1, %add3A, %dma_wait3A_166, %dma_wait3A_167] : memref<2x32x125x80xi32, #tpu.memory_space<hbm>> -> memref<1x1x125x80xi32, #tpu.memory_space<hbm>>
      %dma_wait3A_169 = tpu.memref_squeeze %dma_wait3A_168 : memref<1x1x125x80xi32, #tpu.memory_space<hbm>> -> memref<125x80xi32, #tpu.memory_space<hbm>>
      tpu.wait_dma2 semaphore(%run_scoped3A_153 : memref<!tpu.dma_semaphore, #tpu.memory_space<semaphore_mem>>) src(%dma_wait3A_169 : memref<125x80xi32, #tpu.memory_space<hbm>>) dst(%arg7 : memref<125x80xi32, #tpu.memory_space<vmem>>)
      tpu.yield
    }) : () -> ()
    %lt3A = arith.constant 10 : i32
    %lt3A_2 = arith.cmpi slt, %arg1, %lt3A : i32
    %convert_element_type3A = arith.extui %lt3A_2 : i1 to i32
    %cond3A = arith.constant 0 : i32
    %cond3A_3 = arith.cmpi ne, %convert_element_type3A, %cond3A : i32
    scf.if %cond3A_3 {
      %mul3A_153 = arith.constant 1000 : i32
      %mul3A_154 = arith.muli %arg1, %mul3A_153 : i32
      "tpu.region"() ({
        %run_scoped3A_155 = tpu.sem_alloc : memref<!tpu.dma_semaphore, #tpu.memory_space<semaphore_mem>>
        %dma_start3A_156 = arith.constant 0 : i32
        %dma_start3A_157 = tpu.memref_slice %arg13[%mul3A_154, %dma_start3A_156] : memref<10000x64xf32, #tpu.memory_space<vmem_shared>> -> memref<1000x64xf32, #tpu.memory_space<vmem_shared>>
        tpu.enqueue_dma source(%arg4 : memref<1000x64xf32, #tpu.memory_space<hbm>>) target(%dma_start3A_157 : memref<1000x64xf32, #tpu.memory_space<vmem_shared>>) target_semaphore(%run_scoped3A_155 : memref<!tpu.dma_semaphore, #tpu.memory_space<semaphore_mem>>)
        %dma_wait3A_158 = arith.constant 0 : i32
        %dma_wait3A_159 = tpu.memref_slice %arg13[%mul3A_154, %dma_wait3A_158] : memref<10000x64xf32, #tpu.memory_space<vmem_shared>> -> memref<1000x64xf32, #tpu.memory_space<vmem_shared>>
        tpu.wait_dma2 semaphore(%run_scoped3A_155 : memref<!tpu.dma_semaphore, #tpu.memory_space<semaphore_mem>>) src(%arg4 : memref<1000x64xf32, #tpu.memory_space<hbm>>) dst(%dma_wait3A_159 : memref<1000x64xf32, #tpu.memory_space<vmem_shared>>)
        tpu.yield
      }) : () -> ()
    } else {
    }
    %barrier3A = arith.constant 0 : index
    tpu.barrier barrier_id(%barrier3A)
    %dma_start3A = arith.constant 0 : i32
    %dma_start3A_4 = arith.constant 0 : i32
    %dma_start3A_5 = tpu.memref_slice %arg6[%dma_start3A, %dma_start3A_4] : memref<125x80xi32, #tpu.memory_space<vmem>> -> memref<1x80xi32, #tpu.memory_space<vmem>>
    %dma_start3A_6 = tpu.memref_squeeze %dma_start3A_5 : memref<1x80xi32, #tpu.memory_space<vmem>> -> memref<80xi32, #tpu.memory_space<vmem>>
    %dma_start3A_7 = arith.constant 0 : i32
    %dma_start3A_8 = arith.constant 0 : i32
    %dma_start3A_9 = tpu.memref_slice %arg2[%dma_start3A_7, %dma_start3A_8] : memref<10000x64xf32, #tpu.memory_space<hbm>> -> memref<10000x64xf32, #tpu.memory_space<hbm>>
    tpu.enqueue_indirect_dma source(%dma_start3A_9 : memref<10000x64xf32, #tpu.memory_space<hbm>>) target(%arg8 : memref<80x64xf32, #tpu.memory_space<vmem>>) offsets(%dma_start3A_6 : memref<80xi32, #tpu.memory_space<vmem>>) semaphore(%arg14 : memref<!tpu.dma_semaphore, #tpu.memory_space<semaphore_mem>>)
    %dma_start3A_10 = arith.constant 1 : i32
    %dma_start3A_11 = arith.constant 0 : i32
    %dma_start3A_12 = tpu.memref_slice %arg6[%dma_start3A_10, %dma_start3A_11] : memref<125x80xi32, #tpu.memory_space<vmem>> -> memref<1x80xi32, #tpu.memory_space<vmem>>
    %dma_start3A_13 = tpu.memref_squeeze %dma_start3A_12 : memref<1x80xi32, #tpu.memory_space<vmem>> -> memref<80xi32, #tpu.memory_space<vmem>>
    %dma_start3A_14 = arith.constant 0 : i32
    %dma_start3A_15 = arith.constant 0 : i32
    %dma_start3A_16 = tpu.memref_slice %arg2[%dma_start3A_14, %dma_start3A_15] : memref<10000x64xf32, #tpu.memory_space<hbm>> -> memref<10000x64xf32, #tpu.memory_space<hbm>>
    tpu.enqueue_indirect_dma source(%dma_start3A_16 : memref<10000x64xf32, #tpu.memory_space<hbm>>) target(%arg9 : memref<80x64xf32, #tpu.memory_space<vmem>>) offsets(%dma_start3A_13 : memref<80xi32, #tpu.memory_space<vmem>>) semaphore(%arg15 : memref<!tpu.dma_semaphore, #tpu.memory_space<semaphore_mem>>)
    %dma_start3A_17 = arith.constant 2 : i32
    %dma_start3A_18 = arith.constant 0 : i32
    %dma_start3A_19 = tpu.memref_slice %arg6[%dma_start3A_17, %dma_start3A_18] : memref<125x80xi32, #tpu.memory_space<vmem>> -> memref<1x80xi32, #tpu.memory_space<vmem>>
    %dma_start3A_20 = tpu.memref_squeeze %dma_start3A_19 : memref<1x80xi32, #tpu.memory_space<vmem>> -> memref<80xi32, #tpu.memory_space<vmem>>
    %dma_start3A_21 = arith.constant 0 : i32
    %dma_start3A_22 = arith.constant 0 : i32
    %dma_start3A_23 = tpu.memref_slice %arg2[%dma_start3A_21, %dma_start3A_22] : memref<10000x64xf32, #tpu.memory_space<hbm>> -> memref<10000x64xf32, #tpu.memory_space<hbm>>
    tpu.enqueue_indirect_dma source(%dma_start3A_23 : memref<10000x64xf32, #tpu.memory_space<hbm>>) target(%arg10 : memref<80x64xf32, #tpu.memory_space<vmem>>) offsets(%dma_start3A_20 : memref<80xi32, #tpu.memory_space<vmem>>) semaphore(%arg16 : memref<!tpu.dma_semaphore, #tpu.memory_space<semaphore_mem>>)
    %dma_start3A_24 = arith.constant 3 : i32
    %dma_start3A_25 = arith.constant 0 : i32
    %dma_start3A_26 = tpu.memref_slice %arg6[%dma_start3A_24, %dma_start3A_25] : memref<125x80xi32, #tpu.memory_space<vmem>> -> memref<1x80xi32, #tpu.memory_space<vmem>>
    %dma_start3A_27 = tpu.memref_squeeze %dma_start3A_26 : memref<1x80xi32, #tpu.memory_space<vmem>> -> memref<80xi32, #tpu.memory_space<vmem>>
    %dma_start3A_28 = arith.constant 0 : i32
    %dma_start3A_29 = arith.constant 0 : i32
    %dma_start3A_30 = tpu.memref_slice %arg2[%dma_start3A_28, %dma_start3A_29] : memref<10000x64xf32, #tpu.memory_space<hbm>> -> memref<10000x64xf32, #tpu.memory_space<hbm>>
    tpu.enqueue_indirect_dma source(%dma_start3A_30 : memref<10000x64xf32, #tpu.memory_space<hbm>>) target(%arg11 : memref<80x64xf32, #tpu.memory_space<vmem>>) offsets(%dma_start3A_27 : memref<80xi32, #tpu.memory_space<vmem>>) semaphore(%arg17 : memref<!tpu.dma_semaphore, #tpu.memory_space<semaphore_mem>>)
    %dma_start3A_31 = arith.constant 4 : i32
    %dma_start3A_32 = arith.constant 0 : i32
    %dma_start3A_33 = tpu.memref_slice %arg6[%dma_start3A_31, %dma_start3A_32] : memref<125x80xi32, #tpu.memory_space<vmem>> -> memref<1x80xi32, #tpu.memory_space<vmem>>
    %dma_start3A_34 = tpu.memref_squeeze %dma_start3A_33 : memref<1x80xi32, #tpu.memory_space<vmem>> -> memref<80xi32, #tpu.memory_space<vmem>>
    %dma_start3A_35 = arith.constant 0 : i32
    %dma_start3A_36 = arith.constant 0 : i32
    %dma_start3A_37 = tpu.memref_slice %arg2[%dma_start3A_35, %dma_start3A_36] : memref<10000x64xf32, #tpu.memory_space<hbm>> -> memref<10000x64xf32, #tpu.memory_space<hbm>>
    tpu.enqueue_indirect_dma source(%dma_start3A_37 : memref<10000x64xf32, #tpu.memory_space<hbm>>) target(%arg12 : memref<80x64xf32, #tpu.memory_space<vmem>>) offsets(%dma_start3A_34 : memref<80xi32, #tpu.memory_space<vmem>>) semaphore(%arg18 : memref<!tpu.dma_semaphore, #tpu.memory_space<semaphore_mem>>)
    %scan3A = arith.constant 0 : i32
    %scan3A_38 = arith.constant 0 : i32
    %scan3A_39 = arith.constant 24 : i32
    %scan3A_40 = arith.addi %scan3A_38, %scan3A_39 : i32
    %scan3A_41 = arith.constant 1 : i32
    scf.for %scan3A_153 = %scan3A_38 to %scan3A_40 step %scan3A_41  : i32 {
      %mul3A_154 = arith.constant 5 : i32
      %mul3A_155 = arith.muli %scan3A_153, %mul3A_154 : i32
      %dma_wait3A_156 = arith.constant 0 : i32
      %dma_wait3A_157 = arith.constant 0 : i32
      %dma_wait3A_158 = tpu.memref_slice %arg6[%dma_wait3A_156, %dma_wait3A_157] : memref<125x80xi32, #tpu.memory_space<vmem>> -> memref<1x80xi32, #tpu.memory_space<vmem>>
      %dma_wait3A_159 = tpu.memref_squeeze %dma_wait3A_158 : memref<1x80xi32, #tpu.memory_space<vmem>> -> memref<80xi32, #tpu.memory_space<vmem>>
      %dma_wait3A_160 = arith.constant 0 : i32
      %dma_wait3A_161 = arith.constant 0 : i32
      %dma_wait3A_162 = tpu.memref_slice %arg2[%dma_wait3A_160, %dma_wait3A_161] : memref<10000x64xf32, #tpu.memory_space<hbm>> -> memref<10000x64xf32, #tpu.memory_space<hbm>>
      tpu.wait_indirect_dma semaphore(%arg14 : memref<!tpu.dma_semaphore, #tpu.memory_space<semaphore_mem>>) src(%dma_wait3A_162 : memref<10000x64xf32, #tpu.memory_space<hbm>>) dst(%arg8 : memref<80x64xf32, #tpu.memory_space<vmem>>)
      %add3A_163 = arith.constant 0 : i32
      %add3A_164 = arith.addi %mul3A_155, %add3A_163 : i32
      %dma_start3A_165 = arith.constant 0 : i32
      %dma_start3A_166 = tpu.memref_slice %arg7[%add3A_164, %dma_start3A_165] : memref<125x80xi32, #tpu.memory_space<vmem>> -> memref<1x80xi32, #tpu.memory_space<vmem>>
      %dma_start3A_167 = tpu.memref_squeeze %dma_start3A_166 : memref<1x80xi32, #tpu.memory_space<vmem>> -> memref<80xi32, #tpu.memory_space<vmem>>
      %dma_start3A_168 = arith.constant 0 : i32
      %dma_start3A_169 = arith.constant 0 : i32
      %dma_start3A_170 = tpu.memref_slice %arg13[%dma_start3A_168, %dma_start3A_169] : memref<10000x64xf32, #tpu.memory_space<vmem_shared>> -> memref<10000x64xf32, #tpu.memory_space<vmem_shared>>
      tpu.enqueue_indirect_dma source(%arg8 : memref<80x64xf32, #tpu.memory_space<vmem>>) target(%dma_start3A_170 : memref<10000x64xf32, #tpu.memory_space<vmem_shared>>) offsets(%dma_start3A_167 : memref<80xi32, #tpu.memory_space<vmem>>) semaphore(%arg19 : memref<!tpu.dma_semaphore, #tpu.memory_space<semaphore_mem>>) {add = true}
      %dma_wait3A_171 = arith.constant 0 : i32
      %dma_wait3A_172 = arith.constant 0 : i32
      %dma_wait3A_173 = tpu.memref_slice %arg6[%dma_wait3A_171, %dma_wait3A_172] : memref<125x80xi32, #tpu.memory_space<vmem>> -> memref<1x80xi32, #tpu.memory_space<vmem>>
      %dma_wait3A_174 = tpu.memref_squeeze %dma_wait3A_173 : memref<1x80xi32, #tpu.memory_space<vmem>> -> memref<80xi32, #tpu.memory_space<vmem>>
      %dma_wait3A_175 = arith.constant 0 : i32
      %dma_wait3A_176 = arith.constant 0 : i32
      %dma_wait3A_177 = tpu.memref_slice %arg2[%dma_wait3A_175, %dma_wait3A_176] : memref<10000x64xf32, #tpu.memory_space<hbm>> -> memref<10000x64xf32, #tpu.memory_space<hbm>>
      tpu.wait_indirect_dma semaphore(%arg15 : memref<!tpu.dma_semaphore, #tpu.memory_space<semaphore_mem>>) src(%dma_wait3A_177 : memref<10000x64xf32, #tpu.memory_space<hbm>>) dst(%arg9 : memref<80x64xf32, #tpu.memory_space<vmem>>)
      %add3A_178 = arith.constant 1 : i32
      %add3A_179 = arith.addi %mul3A_155, %add3A_178 : i32
      %dma_start3A_180 = arith.constant 0 : i32
      %dma_start3A_181 = tpu.memref_slice %arg7[%add3A_179, %dma_start3A_180] : memref<125x80xi32, #tpu.memory_space<vmem>> -> memref<1x80xi32, #tpu.memory_space<vmem>>
      %dma_start3A_182 = tpu.memref_squeeze %dma_start3A_181 : memref<1x80xi32, #tpu.memory_space<vmem>> -> memref<80xi32, #tpu.memory_space<vmem>>
      %dma_start3A_183 = arith.constant 0 : i32
      %dma_start3A_184 = arith.constant 0 : i32
      %dma_start3A_185 = tpu.memref_slice %arg13[%dma_start3A_183, %dma_start3A_184] : memref<10000x64xf32, #tpu.memory_space<vmem_shared>> -> memref<10000x64xf32, #tpu.memory_space<vmem_shared>>
      tpu.enqueue_indirect_dma source(%arg9 : memref<80x64xf32, #tpu.memory_space<vmem>>) target(%dma_start3A_185 : memref<10000x64xf32, #tpu.memory_space<vmem_shared>>) offsets(%dma_start3A_182 : memref<80xi32, #tpu.memory_space<vmem>>) semaphore(%arg20 : memref<!tpu.dma_semaphore, #tpu.memory_space<semaphore_mem>>) {add = true}
      %dma_wait3A_186 = arith.constant 0 : i32
      %dma_wait3A_187 = arith.constant 0 : i32
      %dma_wait3A_188 = tpu.memref_slice %arg6[%dma_wait3A_186, %dma_wait3A_187] : memref<125x80xi32, #tpu.memory_space<vmem>> -> memref<1x80xi32, #tpu.memory_space<vmem>>
      %dma_wait3A_189 = tpu.memref_squeeze %dma_wait3A_188 : memref<1x80xi32, #tpu.memory_space<vmem>> -> memref<80xi32, #tpu.memory_space<vmem>>
      %dma_wait3A_190 = arith.constant 0 : i32
      %dma_wait3A_191 = arith.constant 0 : i32
      %dma_wait3A_192 = tpu.memref_slice %arg2[%dma_wait3A_190, %dma_wait3A_191] : memref<10000x64xf32, #tpu.memory_space<hbm>> -> memref<10000x64xf32, #tpu.memory_space<hbm>>
      tpu.wait_indirect_dma semaphore(%arg16 : memref<!tpu.dma_semaphore, #tpu.memory_space<semaphore_mem>>) src(%dma_wait3A_192 : memref<10000x64xf32, #tpu.memory_space<hbm>>) dst(%arg10 : memref<80x64xf32, #tpu.memory_space<vmem>>)
      %add3A_193 = arith.constant 2 : i32
      %add3A_194 = arith.addi %mul3A_155, %add3A_193 : i32
      %dma_start3A_195 = arith.constant 0 : i32
      %dma_start3A_196 = tpu.memref_slice %arg7[%add3A_194, %dma_start3A_195] : memref<125x80xi32, #tpu.memory_space<vmem>> -> memref<1x80xi32, #tpu.memory_space<vmem>>
      %dma_start3A_197 = tpu.memref_squeeze %dma_start3A_196 : memref<1x80xi32, #tpu.memory_space<vmem>> -> memref<80xi32, #tpu.memory_space<vmem>>
      %dma_start3A_198 = arith.constant 0 : i32
      %dma_start3A_199 = arith.constant 0 : i32
      %dma_start3A_200 = tpu.memref_slice %arg13[%dma_start3A_198, %dma_start3A_199] : memref<10000x64xf32, #tpu.memory_space<vmem_shared>> -> memref<10000x64xf32, #tpu.memory_space<vmem_shared>>
      tpu.enqueue_indirect_dma source(%arg10 : memref<80x64xf32, #tpu.memory_space<vmem>>) target(%dma_start3A_200 : memref<10000x64xf32, #tpu.memory_space<vmem_shared>>) offsets(%dma_start3A_197 : memref<80xi32, #tpu.memory_space<vmem>>) semaphore(%arg21 : memref<!tpu.dma_semaphore, #tpu.memory_space<semaphore_mem>>) {add = true}
      %dma_wait3A_201 = arith.constant 0 : i32
      %dma_wait3A_202 = arith.constant 0 : i32
      %dma_wait3A_203 = tpu.memref_slice %arg6[%dma_wait3A_201, %dma_wait3A_202] : memref<125x80xi32, #tpu.memory_space<vmem>> -> memref<1x80xi32, #tpu.memory_space<vmem>>
      %dma_wait3A_204 = tpu.memref_squeeze %dma_wait3A_203 : memref<1x80xi32, #tpu.memory_space<vmem>> -> memref<80xi32, #tpu.memory_space<vmem>>
      %dma_wait3A_205 = arith.constant 0 : i32
      %dma_wait3A_206 = arith.constant 0 : i32
      %dma_wait3A_207 = tpu.memref_slice %arg2[%dma_wait3A_205, %dma_wait3A_206] : memref<10000x64xf32, #tpu.memory_space<hbm>> -> memref<10000x64xf32, #tpu.memory_space<hbm>>
      tpu.wait_indirect_dma semaphore(%arg17 : memref<!tpu.dma_semaphore, #tpu.memory_space<semaphore_mem>>) src(%dma_wait3A_207 : memref<10000x64xf32, #tpu.memory_space<hbm>>) dst(%arg11 : memref<80x64xf32, #tpu.memory_space<vmem>>)
      %add3A_208 = arith.constant 3 : i32
      %add3A_209 = arith.addi %mul3A_155, %add3A_208 : i32
      %dma_start3A_210 = arith.constant 0 : i32
      %dma_start3A_211 = tpu.memref_slice %arg7[%add3A_209, %dma_start3A_210] : memref<125x80xi32, #tpu.memory_space<vmem>> -> memref<1x80xi32, #tpu.memory_space<vmem>>
      %dma_start3A_212 = tpu.memref_squeeze %dma_start3A_211 : memref<1x80xi32, #tpu.memory_space<vmem>> -> memref<80xi32, #tpu.memory_space<vmem>>
      %dma_start3A_213 = arith.constant 0 : i32
      %dma_start3A_214 = arith.constant 0 : i32
      %dma_start3A_215 = tpu.memref_slice %arg13[%dma_start3A_213, %dma_start3A_214] : memref<10000x64xf32, #tpu.memory_space<vmem_shared>> -> memref<10000x64xf32, #tpu.memory_space<vmem_shared>>
      tpu.enqueue_indirect_dma source(%arg11 : memref<80x64xf32, #tpu.memory_space<vmem>>) target(%dma_start3A_215 : memref<10000x64xf32, #tpu.memory_space<vmem_shared>>) offsets(%dma_start3A_212 : memref<80xi32, #tpu.memory_space<vmem>>) semaphore(%arg22 : memref<!tpu.dma_semaphore, #tpu.memory_space<semaphore_mem>>) {add = true}
      %dma_wait3A_216 = arith.constant 0 : i32
      %dma_wait3A_217 = arith.constant 0 : i32
      %dma_wait3A_218 = tpu.memref_slice %arg6[%dma_wait3A_216, %dma_wait3A_217] : memref<125x80xi32, #tpu.memory_space<vmem>> -> memref<1x80xi32, #tpu.memory_space<vmem>>
      %dma_wait3A_219 = tpu.memref_squeeze %dma_wait3A_218 : memref<1x80xi32, #tpu.memory_space<vmem>> -> memref<80xi32, #tpu.memory_space<vmem>>
      %dma_wait3A_220 = arith.constant 0 : i32
      %dma_wait3A_221 = arith.constant 0 : i32
      %dma_wait3A_222 = tpu.memref_slice %arg2[%dma_wait3A_220, %dma_wait3A_221] : memref<10000x64xf32, #tpu.memory_space<hbm>> -> memref<10000x64xf32, #tpu.memory_space<hbm>>
      tpu.wait_indirect_dma semaphore(%arg18 : memref<!tpu.dma_semaphore, #tpu.memory_space<semaphore_mem>>) src(%dma_wait3A_222 : memref<10000x64xf32, #tpu.memory_space<hbm>>) dst(%arg12 : memref<80x64xf32, #tpu.memory_space<vmem>>)
      %add3A_223 = arith.constant 4 : i32
      %add3A_224 = arith.addi %mul3A_155, %add3A_223 : i32
      %dma_start3A_225 = arith.constant 0 : i32
      %dma_start3A_226 = tpu.memref_slice %arg7[%add3A_224, %dma_start3A_225] : memref<125x80xi32, #tpu.memory_space<vmem>> -> memref<1x80xi32, #tpu.memory_space<vmem>>
      %dma_start3A_227 = tpu.memref_squeeze %dma_start3A_226 : memref<1x80xi32, #tpu.memory_space<vmem>> -> memref<80xi32, #tpu.memory_space<vmem>>
      %dma_start3A_228 = arith.constant 0 : i32
      %dma_start3A_229 = arith.constant 0 : i32
      %dma_start3A_230 = tpu.memref_slice %arg13[%dma_start3A_228, %dma_start3A_229] : memref<10000x64xf32, #tpu.memory_space<vmem_shared>> -> memref<10000x64xf32, #tpu.memory_space<vmem_shared>>
      tpu.enqueue_indirect_dma source(%arg12 : memref<80x64xf32, #tpu.memory_space<vmem>>) target(%dma_start3A_230 : memref<10000x64xf32, #tpu.memory_space<vmem_shared>>) offsets(%dma_start3A_227 : memref<80xi32, #tpu.memory_space<vmem>>) semaphore(%arg23 : memref<!tpu.dma_semaphore, #tpu.memory_space<semaphore_mem>>) {add = true}
      %dma_wait3A_231 = arith.constant 0 : i32
      %dma_wait3A_232 = arith.constant 0 : i32
      %dma_wait3A_233 = tpu.memref_slice %arg7[%dma_wait3A_231, %dma_wait3A_232] : memref<125x80xi32, #tpu.memory_space<vmem>> -> memref<1x80xi32, #tpu.memory_space<vmem>>
      %dma_wait3A_234 = tpu.memref_squeeze %dma_wait3A_233 : memref<1x80xi32, #tpu.memory_space<vmem>> -> memref<80xi32, #tpu.memory_space<vmem>>
      %dma_wait3A_235 = arith.constant 0 : i32
      %dma_wait3A_236 = arith.constant 0 : i32
      %dma_wait3A_237 = tpu.memref_slice %arg13[%dma_wait3A_235, %dma_wait3A_236] : memref<10000x64xf32, #tpu.memory_space<vmem_shared>> -> memref<10000x64xf32, #tpu.memory_space<vmem_shared>>
      tpu.wait_indirect_dma semaphore(%arg19 : memref<!tpu.dma_semaphore, #tpu.memory_space<semaphore_mem>>) src(%arg8 : memref<80x64xf32, #tpu.memory_space<vmem>>) dst(%dma_wait3A_237 : memref<10000x64xf32, #tpu.memory_space<vmem_shared>>)
      %add3A_238 = arith.constant 5 : i32
      %add3A_239 = arith.addi %mul3A_155, %add3A_238 : i32
      %add3A_240 = arith.constant 0 : i32
      %add3A_241 = arith.addi %add3A_239, %add3A_240 : i32
      %dma_start3A_242 = arith.constant 0 : i32
      %dma_start3A_243 = tpu.memref_slice %arg6[%add3A_241, %dma_start3A_242] : memref<125x80xi32, #tpu.memory_space<vmem>> -> memref<1x80xi32, #tpu.memory_space<vmem>>
      %dma_start3A_244 = tpu.memref_squeeze %dma_start3A_243 : memref<1x80xi32, #tpu.memory_space<vmem>> -> memref<80xi32, #tpu.memory_space<vmem>>
      %dma_start3A_245 = arith.constant 0 : i32
      %dma_start3A_246 = arith.constant 0 : i32
      %dma_start3A_247 = tpu.memref_slice %arg2[%dma_start3A_245, %dma_start3A_246] : memref<10000x64xf32, #tpu.memory_space<hbm>> -> memref<10000x64xf32, #tpu.memory_space<hbm>>
      tpu.enqueue_indirect_dma source(%dma_start3A_247 : memref<10000x64xf32, #tpu.memory_space<hbm>>) target(%arg8 : memref<80x64xf32, #tpu.memory_space<vmem>>) offsets(%dma_start3A_244 : memref<80xi32, #tpu.memory_space<vmem>>) semaphore(%arg14 : memref<!tpu.dma_semaphore, #tpu.memory_space<semaphore_mem>>)
      %dma_wait3A_248 = arith.constant 0 : i32
      %dma_wait3A_249 = arith.constant 0 : i32
      %dma_wait3A_250 = tpu.memref_slice %arg7[%dma_wait3A_248, %dma_wait3A_249] : memref<125x80xi32, #tpu.memory_space<vmem>> -> memref<1x80xi32, #tpu.memory_space<vmem>>
      %dma_wait3A_251 = tpu.memref_squeeze %dma_wait3A_250 : memref<1x80xi32, #tpu.memory_space<vmem>> -> memref<80xi32, #tpu.memory_space<vmem>>
      %dma_wait3A_252 = arith.constant 0 : i32
      %dma_wait3A_253 = arith.constant 0 : i32
      %dma_wait3A_254 = tpu.memref_slice %arg13[%dma_wait3A_252, %dma_wait3A_253] : memref<10000x64xf32, #tpu.memory_space<vmem_shared>> -> memref<10000x64xf32, #tpu.memory_space<vmem_shared>>
      tpu.wait_indirect_dma semaphore(%arg20 : memref<!tpu.dma_semaphore, #tpu.memory_space<semaphore_mem>>) src(%arg9 : memref<80x64xf32, #tpu.memory_space<vmem>>) dst(%dma_wait3A_254 : memref<10000x64xf32, #tpu.memory_space<vmem_shared>>)
      %add3A_255 = arith.constant 5 : i32
      %add3A_256 = arith.addi %mul3A_155, %add3A_255 : i32
      %add3A_257 = arith.constant 1 : i32
      %add3A_258 = arith.addi %add3A_256, %add3A_257 : i32
      %dma_start3A_259 = arith.constant 0 : i32
      %dma_start3A_260 = tpu.memref_slice %arg6[%add3A_258, %dma_start3A_259] : memref<125x80xi32, #tpu.memory_space<vmem>> -> memref<1x80xi32, #tpu.memory_space<vmem>>
      %dma_start3A_261 = tpu.memref_squeeze %dma_start3A_260 : memref<1x80xi32, #tpu.memory_space<vmem>> -> memref<80xi32, #tpu.memory_space<vmem>>
      %dma_start3A_262 = arith.constant 0 : i32
      %dma_start3A_263 = arith.constant 0 : i32
      %dma_start3A_264 = tpu.memref_slice %arg2[%dma_start3A_262, %dma_start3A_263] : memref<10000x64xf32, #tpu.memory_space<hbm>> -> memref<10000x64xf32, #tpu.memory_space<hbm>>
      tpu.enqueue_indirect_dma source(%dma_start3A_264 : memref<10000x64xf32, #tpu.memory_space<hbm>>) target(%arg9 : memref<80x64xf32, #tpu.memory_space<vmem>>) offsets(%dma_start3A_261 : memref<80xi32, #tpu.memory_space<vmem>>) semaphore(%arg15 : memref<!tpu.dma_semaphore, #tpu.memory_space<semaphore_mem>>)
      %dma_wait3A_265 = arith.constant 0 : i32
      %dma_wait3A_266 = arith.constant 0 : i32
      %dma_wait3A_267 = tpu.memref_slice %arg7[%dma_wait3A_265, %dma_wait3A_266] : memref<125x80xi32, #tpu.memory_space<vmem>> -> memref<1x80xi32, #tpu.memory_space<vmem>>
      %dma_wait3A_268 = tpu.memref_squeeze %dma_wait3A_267 : memref<1x80xi32, #tpu.memory_space<vmem>> -> memref<80xi32, #tpu.memory_space<vmem>>
      %dma_wait3A_269 = arith.constant 0 : i32
      %dma_wait3A_270 = arith.constant 0 : i32
      %dma_wait3A_271 = tpu.memref_slice %arg13[%dma_wait3A_269, %dma_wait3A_270] : memref<10000x64xf32, #tpu.memory_space<vmem_shared>> -> memref<10000x64xf32, #tpu.memory_space<vmem_shared>>
      tpu.wait_indirect_dma semaphore(%arg21 : memref<!tpu.dma_semaphore, #tpu.memory_space<semaphore_mem>>) src(%arg10 : memref<80x64xf32, #tpu.memory_space<vmem>>) dst(%dma_wait3A_271 : memref<10000x64xf32, #tpu.memory_space<vmem_shared>>)
      %add3A_272 = arith.constant 5 : i32
      %add3A_273 = arith.addi %mul3A_155, %add3A_272 : i32
      %add3A_274 = arith.constant 2 : i32
      %add3A_275 = arith.addi %add3A_273, %add3A_274 : i32
      %dma_start3A_276 = arith.constant 0 : i32
      %dma_start3A_277 = tpu.memref_slice %arg6[%add3A_275, %dma_start3A_276] : memref<125x80xi32, #tpu.memory_space<vmem>> -> memref<1x80xi32, #tpu.memory_space<vmem>>
      %dma_start3A_278 = tpu.memref_squeeze %dma_start3A_277 : memref<1x80xi32, #tpu.memory_space<vmem>> -> memref<80xi32, #tpu.memory_space<vmem>>
      %dma_start3A_279 = arith.constant 0 : i32
      %dma_start3A_280 = arith.constant 0 : i32
      %dma_start3A_281 = tpu.memref_slice %arg2[%dma_start3A_279, %dma_start3A_280] : memref<10000x64xf32, #tpu.memory_space<hbm>> -> memref<10000x64xf32, #tpu.memory_space<hbm>>
      tpu.enqueue_indirect_dma source(%dma_start3A_281 : memref<10000x64xf32, #tpu.memory_space<hbm>>) target(%arg10 : memref<80x64xf32, #tpu.memory_space<vmem>>) offsets(%dma_start3A_278 : memref<80xi32, #tpu.memory_space<vmem>>) semaphore(%arg16 : memref<!tpu.dma_semaphore, #tpu.memory_space<semaphore_mem>>)
      %dma_wait3A_282 = arith.constant 0 : i32
      %dma_wait3A_283 = arith.constant 0 : i32
      %dma_wait3A_284 = tpu.memref_slice %arg7[%dma_wait3A_282, %dma_wait3A_283] : memref<125x80xi32, #tpu.memory_space<vmem>> -> memref<1x80xi32, #tpu.memory_space<vmem>>
      %dma_wait3A_285 = tpu.memref_squeeze %dma_wait3A_284 : memref<1x80xi32, #tpu.memory_space<vmem>> -> memref<80xi32, #tpu.memory_space<vmem>>
      %dma_wait3A_286 = arith.constant 0 : i32
      %dma_wait3A_287 = arith.constant 0 : i32
      %dma_wait3A_288 = tpu.memref_slice %arg13[%dma_wait3A_286, %dma_wait3A_287] : memref<10000x64xf32, #tpu.memory_space<vmem_shared>> -> memref<10000x64xf32, #tpu.memory_space<vmem_shared>>
      tpu.wait_indirect_dma semaphore(%arg22 : memref<!tpu.dma_semaphore, #tpu.memory_space<semaphore_mem>>) src(%arg11 : memref<80x64xf32, #tpu.memory_space<vmem>>) dst(%dma_wait3A_288 : memref<10000x64xf32, #tpu.memory_space<vmem_shared>>)
      %add3A_289 = arith.constant 5 : i32
      %add3A_290 = arith.addi %mul3A_155, %add3A_289 : i32
      %add3A_291 = arith.constant 3 : i32
      %add3A_292 = arith.addi %add3A_290, %add3A_291 : i32
      %dma_start3A_293 = arith.constant 0 : i32
      %dma_start3A_294 = tpu.memref_slice %arg6[%add3A_292, %dma_start3A_293] : memref<125x80xi32, #tpu.memory_space<vmem>> -> memref<1x80xi32, #tpu.memory_space<vmem>>
      %dma_start3A_295 = tpu.memref_squeeze %dma_start3A_294 : memref<1x80xi32, #tpu.memory_space<vmem>> -> memref<80xi32, #tpu.memory_space<vmem>>
      %dma_start3A_296 = arith.constant 0 : i32
      %dma_start3A_297 = arith.constant 0 : i32
      %dma_start3A_298 = tpu.memref_slice %arg2[%dma_start3A_296, %dma_start3A_297] : memref<10000x64xf32, #tpu.memory_space<hbm>> -> memref<10000x64xf32, #tpu.memory_space<hbm>>
      tpu.enqueue_indirect_dma source(%dma_start3A_298 : memref<10000x64xf32, #tpu.memory_space<hbm>>) target(%arg11 : memref<80x64xf32, #tpu.memory_space<vmem>>) offsets(%dma_start3A_295 : memref<80xi32, #tpu.memory_space<vmem>>) semaphore(%arg17 : memref<!tpu.dma_semaphore, #tpu.memory_space<semaphore_mem>>)
      %dma_wait3A_299 = arith.constant 0 : i32
      %dma_wait3A_300 = arith.constant 0 : i32
      %dma_wait3A_301 = tpu.memref_slice %arg7[%dma_wait3A_299, %dma_wait3A_300] : memref<125x80xi32, #tpu.memory_space<vmem>> -> memref<1x80xi32, #tpu.memory_space<vmem>>
      %dma_wait3A_302 = tpu.memref_squeeze %dma_wait3A_301 : memref<1x80xi32, #tpu.memory_space<vmem>> -> memref<80xi32, #tpu.memory_space<vmem>>
      %dma_wait3A_303 = arith.constant 0 : i32
      %dma_wait3A_304 = arith.constant 0 : i32
      %dma_wait3A_305 = tpu.memref_slice %arg13[%dma_wait3A_303, %dma_wait3A_304] : memref<10000x64xf32, #tpu.memory_space<vmem_shared>> -> memref<10000x64xf32, #tpu.memory_space<vmem_shared>>
      tpu.wait_indirect_dma semaphore(%arg23 : memref<!tpu.dma_semaphore, #tpu.memory_space<semaphore_mem>>) src(%arg12 : memref<80x64xf32, #tpu.memory_space<vmem>>) dst(%dma_wait3A_305 : memref<10000x64xf32, #tpu.memory_space<vmem_shared>>)
      %add3A_306 = arith.constant 5 : i32
      %add3A_307 = arith.addi %mul3A_155, %add3A_306 : i32
      %add3A_308 = arith.constant 4 : i32
      %add3A_309 = arith.addi %add3A_307, %add3A_308 : i32
      %dma_start3A_310 = arith.constant 0 : i32
      %dma_start3A_311 = tpu.memref_slice %arg6[%add3A_309, %dma_start3A_310] : memref<125x80xi32, #tpu.memory_space<vmem>> -> memref<1x80xi32, #tpu.memory_space<vmem>>
      %dma_start3A_312 = tpu.memref_squeeze %dma_start3A_311 : memref<1x80xi32, #tpu.memory_space<vmem>> -> memref<80xi32, #tpu.memory_space<vmem>>
      %dma_start3A_313 = arith.constant 0 : i32
      %dma_start3A_314 = arith.constant 0 : i32
      %dma_start3A_315 = tpu.memref_slice %arg2[%dma_start3A_313, %dma_start3A_314] : memref<10000x64xf32, #tpu.memory_space<hbm>> -> memref<10000x64xf32, #tpu.memory_space<hbm>>
      tpu.enqueue_indirect_dma source(%dma_start3A_315 : memref<10000x64xf32, #tpu.memory_space<hbm>>) target(%arg12 : memref<80x64xf32, #tpu.memory_space<vmem>>) offsets(%dma_start3A_312 : memref<80xi32, #tpu.memory_space<vmem>>) semaphore(%arg18 : memref<!tpu.dma_semaphore, #tpu.memory_space<semaphore_mem>>)
    }
    %scan3A_42 = arith.constant 24 : i32
    %dma_wait3A = arith.constant 0 : i32
    %dma_wait3A_43 = arith.constant 0 : i32
    %dma_wait3A_44 = tpu.memref_slice %arg6[%dma_wait3A, %dma_wait3A_43] : memref<125x80xi32, #tpu.memory_space<vmem>> -> memref<1x80xi32, #tpu.memory_space<vmem>>
    %dma_wait3A_45 = tpu.memref_squeeze %dma_wait3A_44 : memref<1x80xi32, #tpu.memory_space<vmem>> -> memref<80xi32, #tpu.memory_space<vmem>>
    %dma_wait3A_46 = arith.constant 0 : i32
    %dma_wait3A_47 = arith.constant 0 : i32
    %dma_wait3A_48 = tpu.memref_slice %arg2[%dma_wait3A_46, %dma_wait3A_47] : memref<10000x64xf32, #tpu.memory_space<hbm>> -> memref<10000x64xf32, #tpu.memory_space<hbm>>
    tpu.wait_indirect_dma semaphore(%arg14 : memref<!tpu.dma_semaphore, #tpu.memory_space<semaphore_mem>>) src(%dma_wait3A_48 : memref<10000x64xf32, #tpu.memory_space<hbm>>) dst(%arg8 : memref<80x64xf32, #tpu.memory_space<vmem>>)
    %dma_start3A_49 = arith.constant 120 : i32
    %dma_start3A_50 = arith.constant 0 : i32
    %dma_start3A_51 = tpu.memref_slice %arg7[%dma_start3A_49, %dma_start3A_50] : memref<125x80xi32, #tpu.memory_space<vmem>> -> memref<1x80xi32, #tpu.memory_space<vmem>>
    %dma_start3A_52 = tpu.memref_squeeze %dma_start3A_51 : memref<1x80xi32, #tpu.memory_space<vmem>> -> memref<80xi32, #tpu.memory_space<vmem>>
    %dma_start3A_53 = arith.constant 0 : i32
    %dma_start3A_54 = arith.constant 0 : i32
    %dma_start3A_55 = tpu.memref_slice %arg13[%dma_start3A_53, %dma_start3A_54] : memref<10000x64xf32, #tpu.memory_space<vmem_shared>> -> memref<10000x64xf32, #tpu.memory_space<vmem_shared>>
    tpu.enqueue_indirect_dma source(%arg8 : memref<80x64xf32, #tpu.memory_space<vmem>>) target(%dma_start3A_55 : memref<10000x64xf32, #tpu.memory_space<vmem_shared>>) offsets(%dma_start3A_52 : memref<80xi32, #tpu.memory_space<vmem>>) semaphore(%arg19 : memref<!tpu.dma_semaphore, #tpu.memory_space<semaphore_mem>>) {add = true}
    %dma_wait3A_56 = arith.constant 0 : i32
    %dma_wait3A_57 = arith.constant 0 : i32
    %dma_wait3A_58 = tpu.memref_slice %arg6[%dma_wait3A_56, %dma_wait3A_57] : memref<125x80xi32, #tpu.memory_space<vmem>> -> memref<1x80xi32, #tpu.memory_space<vmem>>
    %dma_wait3A_59 = tpu.memref_squeeze %dma_wait3A_58 : memref<1x80xi32, #tpu.memory_space<vmem>> -> memref<80xi32, #tpu.memory_space<vmem>>
    %dma_wait3A_60 = arith.constant 0 : i32
    %dma_wait3A_61 = arith.constant 0 : i32
    %dma_wait3A_62 = tpu.memref_slice %arg2[%dma_wait3A_60, %dma_wait3A_61] : memref<10000x64xf32, #tpu.memory_space<hbm>> -> memref<10000x64xf32, #tpu.memory_space<hbm>>
    tpu.wait_indirect_dma semaphore(%arg15 : memref<!tpu.dma_semaphore, #tpu.memory_space<semaphore_mem>>) src(%dma_wait3A_62 : memref<10000x64xf32, #tpu.memory_space<hbm>>) dst(%arg9 : memref<80x64xf32, #tpu.memory_space<vmem>>)
    %dma_start3A_63 = arith.constant 121 : i32
    %dma_start3A_64 = arith.constant 0 : i32
    %dma_start3A_65 = tpu.memref_slice %arg7[%dma_start3A_63, %dma_start3A_64] : memref<125x80xi32, #tpu.memory_space<vmem>> -> memref<1x80xi32, #tpu.memory_space<vmem>>
    %dma_start3A_66 = tpu.memref_squeeze %dma_start3A_65 : memref<1x80xi32, #tpu.memory_space<vmem>> -> memref<80xi32, #tpu.memory_space<vmem>>
    %dma_start3A_67 = arith.constant 0 : i32
    %dma_start3A_68 = arith.constant 0 : i32
    %dma_start3A_69 = tpu.memref_slice %arg13[%dma_start3A_67, %dma_start3A_68] : memref<10000x64xf32, #tpu.memory_space<vmem_shared>> -> memref<10000x64xf32, #tpu.memory_space<vmem_shared>>
    tpu.enqueue_indirect_dma source(%arg9 : memref<80x64xf32, #tpu.memory_space<vmem>>) target(%dma_start3A_69 : memref<10000x64xf32, #tpu.memory_space<vmem_shared>>) offsets(%dma_start3A_66 : memref<80xi32, #tpu.memory_space<vmem>>) semaphore(%arg20 : memref<!tpu.dma_semaphore, #tpu.memory_space<semaphore_mem>>) {add = true}
    %dma_wait3A_70 = arith.constant 0 : i32
    %dma_wait3A_71 = arith.constant 0 : i32
    %dma_wait3A_72 = tpu.memref_slice %arg6[%dma_wait3A_70, %dma_wait3A_71] : memref<125x80xi32, #tpu.memory_space<vmem>> -> memref<1x80xi32, #tpu.memory_space<vmem>>
    %dma_wait3A_73 = tpu.memref_squeeze %dma_wait3A_72 : memref<1x80xi32, #tpu.memory_space<vmem>> -> memref<80xi32, #tpu.memory_space<vmem>>
    %dma_wait3A_74 = arith.constant 0 : i32
    %dma_wait3A_75 = arith.constant 0 : i32
    %dma_wait3A_76 = tpu.memref_slice %arg2[%dma_wait3A_74, %dma_wait3A_75] : memref<10000x64xf32, #tpu.memory_space<hbm>> -> memref<10000x64xf32, #tpu.memory_space<hbm>>
    tpu.wait_indirect_dma semaphore(%arg16 : memref<!tpu.dma_semaphore, #tpu.memory_space<semaphore_mem>>) src(%dma_wait3A_76 : memref<10000x64xf32, #tpu.memory_space<hbm>>) dst(%arg10 : memref<80x64xf32, #tpu.memory_space<vmem>>)
    %dma_start3A_77 = arith.constant 122 : i32
    %dma_start3A_78 = arith.constant 0 : i32
    %dma_start3A_79 = tpu.memref_slice %arg7[%dma_start3A_77, %dma_start3A_78] : memref<125x80xi32, #tpu.memory_space<vmem>> -> memref<1x80xi32, #tpu.memory_space<vmem>>
    %dma_start3A_80 = tpu.memref_squeeze %dma_start3A_79 : memref<1x80xi32, #tpu.memory_space<vmem>> -> memref<80xi32, #tpu.memory_space<vmem>>
    %dma_start3A_81 = arith.constant 0 : i32
    %dma_start3A_82 = arith.constant 0 : i32
    %dma_start3A_83 = tpu.memref_slice %arg13[%dma_start3A_81, %dma_start3A_82] : memref<10000x64xf32, #tpu.memory_space<vmem_shared>> -> memref<10000x64xf32, #tpu.memory_space<vmem_shared>>
    tpu.enqueue_indirect_dma source(%arg10 : memref<80x64xf32, #tpu.memory_space<vmem>>) target(%dma_start3A_83 : memref<10000x64xf32, #tpu.memory_space<vmem_shared>>) offsets(%dma_start3A_80 : memref<80xi32, #tpu.memory_space<vmem>>) semaphore(%arg21 : memref<!tpu.dma_semaphore, #tpu.memory_space<semaphore_mem>>) {add = true}
    %dma_wait3A_84 = arith.constant 0 : i32
    %dma_wait3A_85 = arith.constant 0 : i32
    %dma_wait3A_86 = tpu.memref_slice %arg6[%dma_wait3A_84, %dma_wait3A_85] : memref<125x80xi32, #tpu.memory_space<vmem>> -> memref<1x80xi32, #tpu.memory_space<vmem>>
    %dma_wait3A_87 = tpu.memref_squeeze %dma_wait3A_86 : memref<1x80xi32, #tpu.memory_space<vmem>> -> memref<80xi32, #tpu.memory_space<vmem>>
    %dma_wait3A_88 = arith.constant 0 : i32
    %dma_wait3A_89 = arith.constant 0 : i32
    %dma_wait3A_90 = tpu.memref_slice %arg2[%dma_wait3A_88, %dma_wait3A_89] : memref<10000x64xf32, #tpu.memory_space<hbm>> -> memref<10000x64xf32, #tpu.memory_space<hbm>>
    tpu.wait_indirect_dma semaphore(%arg17 : memref<!tpu.dma_semaphore, #tpu.memory_space<semaphore_mem>>) src(%dma_wait3A_90 : memref<10000x64xf32, #tpu.memory_space<hbm>>) dst(%arg11 : memref<80x64xf32, #tpu.memory_space<vmem>>)
    %dma_start3A_91 = arith.constant 123 : i32
    %dma_start3A_92 = arith.constant 0 : i32
    %dma_start3A_93 = tpu.memref_slice %arg7[%dma_start3A_91, %dma_start3A_92] : memref<125x80xi32, #tpu.memory_space<vmem>> -> memref<1x80xi32, #tpu.memory_space<vmem>>
    %dma_start3A_94 = tpu.memref_squeeze %dma_start3A_93 : memref<1x80xi32, #tpu.memory_space<vmem>> -> memref<80xi32, #tpu.memory_space<vmem>>
    %dma_start3A_95 = arith.constant 0 : i32
    %dma_start3A_96 = arith.constant 0 : i32
    %dma_start3A_97 = tpu.memref_slice %arg13[%dma_start3A_95, %dma_start3A_96] : memref<10000x64xf32, #tpu.memory_space<vmem_shared>> -> memref<10000x64xf32, #tpu.memory_space<vmem_shared>>
    tpu.enqueue_indirect_dma source(%arg11 : memref<80x64xf32, #tpu.memory_space<vmem>>) target(%dma_start3A_97 : memref<10000x64xf32, #tpu.memory_space<vmem_shared>>) offsets(%dma_start3A_94 : memref<80xi32, #tpu.memory_space<vmem>>) semaphore(%arg22 : memref<!tpu.dma_semaphore, #tpu.memory_space<semaphore_mem>>) {add = true}
    %dma_wait3A_98 = arith.constant 0 : i32
    %dma_wait3A_99 = arith.constant 0 : i32
    %dma_wait3A_100 = tpu.memref_slice %arg6[%dma_wait3A_98, %dma_wait3A_99] : memref<125x80xi32, #tpu.memory_space<vmem>> -> memref<1x80xi32, #tpu.memory_space<vmem>>
    %dma_wait3A_101 = tpu.memref_squeeze %dma_wait3A_100 : memref<1x80xi32, #tpu.memory_space<vmem>> -> memref<80xi32, #tpu.memory_space<vmem>>
    %dma_wait3A_102 = arith.constant 0 : i32
    %dma_wait3A_103 = arith.constant 0 : i32
    %dma_wait3A_104 = tpu.memref_slice %arg2[%dma_wait3A_102, %dma_wait3A_103] : memref<10000x64xf32, #tpu.memory_space<hbm>> -> memref<10000x64xf32, #tpu.memory_space<hbm>>
    tpu.wait_indirect_dma semaphore(%arg18 : memref<!tpu.dma_semaphore, #tpu.memory_space<semaphore_mem>>) src(%dma_wait3A_104 : memref<10000x64xf32, #tpu.memory_space<hbm>>) dst(%arg12 : memref<80x64xf32, #tpu.memory_space<vmem>>)
    %dma_start3A_105 = arith.constant 124 : i32
    %dma_start3A_106 = arith.constant 0 : i32
    %dma_start3A_107 = tpu.memref_slice %arg7[%dma_start3A_105, %dma_start3A_106] : memref<125x80xi32, #tpu.memory_space<vmem>> -> memref<1x80xi32, #tpu.memory_space<vmem>>
    %dma_start3A_108 = tpu.memref_squeeze %dma_start3A_107 : memref<1x80xi32, #tpu.memory_space<vmem>> -> memref<80xi32, #tpu.memory_space<vmem>>
    %dma_start3A_109 = arith.constant 0 : i32
    %dma_start3A_110 = arith.constant 0 : i32
    %dma_start3A_111 = tpu.memref_slice %arg13[%dma_start3A_109, %dma_start3A_110] : memref<10000x64xf32, #tpu.memory_space<vmem_shared>> -> memref<10000x64xf32, #tpu.memory_space<vmem_shared>>
    tpu.enqueue_indirect_dma source(%arg12 : memref<80x64xf32, #tpu.memory_space<vmem>>) target(%dma_start3A_111 : memref<10000x64xf32, #tpu.memory_space<vmem_shared>>) offsets(%dma_start3A_108 : memref<80xi32, #tpu.memory_space<vmem>>) semaphore(%arg23 : memref<!tpu.dma_semaphore, #tpu.memory_space<semaphore_mem>>) {add = true}
    %dma_wait3A_112 = arith.constant 120 : i32
    %dma_wait3A_113 = arith.constant 0 : i32
    %dma_wait3A_114 = tpu.memref_slice %arg7[%dma_wait3A_112, %dma_wait3A_113] : memref<125x80xi32, #tpu.memory_space<vmem>> -> memref<1x80xi32, #tpu.memory_space<vmem>>
    %dma_wait3A_115 = tpu.memref_squeeze %dma_wait3A_114 : memref<1x80xi32, #tpu.memory_space<vmem>> -> memref<80xi32, #tpu.memory_space<vmem>>
    %dma_wait3A_116 = arith.constant 0 : i32
    %dma_wait3A_117 = arith.constant 0 : i32
    %dma_wait3A_118 = tpu.memref_slice %arg13[%dma_wait3A_116, %dma_wait3A_117] : memref<10000x64xf32, #tpu.memory_space<vmem_shared>> -> memref<10000x64xf32, #tpu.memory_space<vmem_shared>>
    tpu.wait_indirect_dma semaphore(%arg19 : memref<!tpu.dma_semaphore, #tpu.memory_space<semaphore_mem>>) src(%arg8 : memref<80x64xf32, #tpu.memory_space<vmem>>) dst(%dma_wait3A_118 : memref<10000x64xf32, #tpu.memory_space<vmem_shared>>)
    %dma_wait3A_119 = arith.constant 121 : i32
    %dma_wait3A_120 = arith.constant 0 : i32
    %dma_wait3A_121 = tpu.memref_slice %arg7[%dma_wait3A_119, %dma_wait3A_120] : memref<125x80xi32, #tpu.memory_space<vmem>> -> memref<1x80xi32, #tpu.memory_space<vmem>>
    %dma_wait3A_122 = tpu.memref_squeeze %dma_wait3A_121 : memref<1x80xi32, #tpu.memory_space<vmem>> -> memref<80xi32, #tpu.memory_space<vmem>>
    %dma_wait3A_123 = arith.constant 0 : i32
    %dma_wait3A_124 = arith.constant 0 : i32
    %dma_wait3A_125 = tpu.memref_slice %arg13[%dma_wait3A_123, %dma_wait3A_124] : memref<10000x64xf32, #tpu.memory_space<vmem_shared>> -> memref<10000x64xf32, #tpu.memory_space<vmem_shared>>
    tpu.wait_indirect_dma semaphore(%arg20 : memref<!tpu.dma_semaphore, #tpu.memory_space<semaphore_mem>>) src(%arg9 : memref<80x64xf32, #tpu.memory_space<vmem>>) dst(%dma_wait3A_125 : memref<10000x64xf32, #tpu.memory_space<vmem_shared>>)
    %dma_wait3A_126 = arith.constant 122 : i32
    %dma_wait3A_127 = arith.constant 0 : i32
    %dma_wait3A_128 = tpu.memref_slice %arg7[%dma_wait3A_126, %dma_wait3A_127] : memref<125x80xi32, #tpu.memory_space<vmem>> -> memref<1x80xi32, #tpu.memory_space<vmem>>
    %dma_wait3A_129 = tpu.memref_squeeze %dma_wait3A_128 : memref<1x80xi32, #tpu.memory_space<vmem>> -> memref<80xi32, #tpu.memory_space<vmem>>
    %dma_wait3A_130 = arith.constant 0 : i32
    %dma_wait3A_131 = arith.constant 0 : i32
    %dma_wait3A_132 = tpu.memref_slice %arg13[%dma_wait3A_130, %dma_wait3A_131] : memref<10000x64xf32, #tpu.memory_space<vmem_shared>> -> memref<10000x64xf32, #tpu.memory_space<vmem_shared>>
    tpu.wait_indirect_dma semaphore(%arg21 : memref<!tpu.dma_semaphore, #tpu.memory_space<semaphore_mem>>) src(%arg10 : memref<80x64xf32, #tpu.memory_space<vmem>>) dst(%dma_wait3A_132 : memref<10000x64xf32, #tpu.memory_space<vmem_shared>>)
    %dma_wait3A_133 = arith.constant 123 : i32
    %dma_wait3A_134 = arith.constant 0 : i32
    %dma_wait3A_135 = tpu.memref_slice %arg7[%dma_wait3A_133, %dma_wait3A_134] : memref<125x80xi32, #tpu.memory_space<vmem>> -> memref<1x80xi32, #tpu.memory_space<vmem>>
    %dma_wait3A_136 = tpu.memref_squeeze %dma_wait3A_135 : memref<1x80xi32, #tpu.memory_space<vmem>> -> memref<80xi32, #tpu.memory_space<vmem>>
    %dma_wait3A_137 = arith.constant 0 : i32
    %dma_wait3A_138 = arith.constant 0 : i32
    %dma_wait3A_139 = tpu.memref_slice %arg13[%dma_wait3A_137, %dma_wait3A_138] : memref<10000x64xf32, #tpu.memory_space<vmem_shared>> -> memref<10000x64xf32, #tpu.memory_space<vmem_shared>>
    tpu.wait_indirect_dma semaphore(%arg22 : memref<!tpu.dma_semaphore, #tpu.memory_space<semaphore_mem>>) src(%arg11 : memref<80x64xf32, #tpu.memory_space<vmem>>) dst(%dma_wait3A_139 : memref<10000x64xf32, #tpu.memory_space<vmem_shared>>)
    %dma_wait3A_140 = arith.constant 124 : i32
    %dma_wait3A_141 = arith.constant 0 : i32
    %dma_wait3A_142 = tpu.memref_slice %arg7[%dma_wait3A_140, %dma_wait3A_141] : memref<125x80xi32, #tpu.memory_space<vmem>> -> memref<1x80xi32, #tpu.memory_space<vmem>>
    %dma_wait3A_143 = tpu.memref_squeeze %dma_wait3A_142 : memref<1x80xi32, #tpu.memory_space<vmem>> -> memref<80xi32, #tpu.memory_space<vmem>>
    %dma_wait3A_144 = arith.constant 0 : i32
    %dma_wait3A_145 = arith.constant 0 : i32
    %dma_wait3A_146 = tpu.memref_slice %arg13[%dma_wait3A_144, %dma_wait3A_145] : memref<10000x64xf32, #tpu.memory_space<vmem_shared>> -> memref<10000x64xf32, #tpu.memory_space<vmem_shared>>
    tpu.wait_indirect_dma semaphore(%arg23 : memref<!tpu.dma_semaphore, #tpu.memory_space<semaphore_mem>>) src(%arg12 : memref<80x64xf32, #tpu.memory_space<vmem>>) dst(%dma_wait3A_146 : memref<10000x64xf32, #tpu.memory_space<vmem_shared>>)
    %barrier3A_147 = arith.constant 0 : index
    tpu.barrier barrier_id(%barrier3A_147)
    %lt3A_148 = arith.constant 10 : i32
    %lt3A_149 = arith.cmpi slt, %arg1, %lt3A_148 : i32
    %convert_element_type3A_150 = arith.extui %lt3A_149 : i1 to i32
    %cond3A_151 = arith.constant 0 : i32
    %cond3A_152 = arith.cmpi ne, %convert_element_type3A_150, %cond3A_151 : i32
    scf.if %cond3A_152 {
      %mul3A_153 = arith.constant 1000 : i32
      %mul3A_154 = arith.muli %arg1, %mul3A_153 : i32
      %mul3A_155 = arith.constant 1000 : i32
      %mul3A_156 = arith.muli %arg1, %mul3A_155 : i32
      "tpu.region"() ({
        %run_scoped3A_157 = tpu.sem_alloc : memref<!tpu.dma_semaphore, #tpu.memory_space<semaphore_mem>>
        %dma_start3A_158 = arith.constant 0 : i32
        %dma_start3A_159 = tpu.memref_slice %arg5[%arg0, %mul3A_156, %dma_start3A_158] : memref<2x10000x64xf32, #tpu.memory_space<hbm>> -> memref<1x1000x64xf32, #tpu.memory_space<hbm>>
        %dma_start3A_160 = tpu.memref_squeeze %dma_start3A_159 : memref<1x1000x64xf32, #tpu.memory_space<hbm>> -> memref<1000x64xf32, #tpu.memory_space<hbm>>
        %dma_start3A_161 = arith.constant 0 : i32
        %dma_start3A_162 = tpu.memref_slice %arg13[%mul3A_154, %dma_start3A_161] : memref<10000x64xf32, #tpu.memory_space<vmem_shared>> -> memref<1000x64xf32, #tpu.memory_space<vmem_shared>>
        tpu.enqueue_dma source(%dma_start3A_162 : memref<1000x64xf32, #tpu.memory_space<vmem_shared>>) target(%dma_start3A_160 : memref<1000x64xf32, #tpu.memory_space<hbm>>) target_semaphore(%run_scoped3A_157 : memref<!tpu.dma_semaphore, #tpu.memory_space<semaphore_mem>>)
        %dma_wait3A_163 = arith.constant 0 : i32
        %dma_wait3A_164 = tpu.memref_slice %arg5[%arg0, %mul3A_156, %dma_wait3A_163] : memref<2x10000x64xf32, #tpu.memory_space<hbm>> -> memref<1x1000x64xf32, #tpu.memory_space<hbm>>
        %dma_wait3A_165 = tpu.memref_squeeze %dma_wait3A_164 : memref<1x1000x64xf32, #tpu.memory_space<hbm>> -> memref<1000x64xf32, #tpu.memory_space<hbm>>
        %dma_wait3A_166 = arith.constant 0 : i32
        %dma_wait3A_167 = tpu.memref_slice %arg13[%mul3A_154, %dma_wait3A_166] : memref<10000x64xf32, #tpu.memory_space<vmem_shared>> -> memref<1000x64xf32, #tpu.memory_space<vmem_shared>>
        tpu.wait_dma2 semaphore(%run_scoped3A_157 : memref<!tpu.dma_semaphore, #tpu.memory_space<semaphore_mem>>) src(%dma_wait3A_167 : memref<1000x64xf32, #tpu.memory_space<vmem_shared>>) dst(%dma_wait3A_165 : memref<1000x64xf32, #tpu.memory_space<hbm>>)
        tpu.yield
      }) : () -> ()
    } else {
    }
    return
  }
}

module attributes {stable_mosaic.version = 14 : i64} {
  func.func @_tc1_body(%arg0: memref<2x10000xf32, #tpu.memory_space<vmem>>, %arg1: memref<10000x128xf32, #tpu.memory_space<vmem>>, %arg2: memref<128x64xf32, #tpu.memory_space<vmem>>, %arg3: memref<10000x64xf32, #tpu.memory_space<vmem>>) attributes {dimension_semantics = [], scalar_prefetch = 0 : i64, scratch_operands = 0 : i64, tpu.core_type = #tpu.core_type<tc>} {
    %get3A = arith.constant 0 : index
    %get3A_0 = arith.constant 0 : index
    %get3A_1 = vector.load %arg0[%get3A, %get3A_0] : memref<2x10000xf32, #tpu.memory_space<vmem>>, vector<2x10000xf32>
    %slice3A = vector.extract_strided_slice %get3A_1 {offsets = [0, 0], sizes = [1, 10000], strides = [1, 1]} : vector<2x10000xf32> to vector<1x10000xf32>
    %squeeze3A = vector.shape_cast %slice3A : vector<1x10000xf32> to vector<10000xf32>
    %slice3A_2 = vector.extract_strided_slice %get3A_1 {offsets = [1, 0], sizes = [1, 10000], strides = [1, 1]} : vector<2x10000xf32> to vector<1x10000xf32>
    %squeeze3A_3 = vector.shape_cast %slice3A_2 : vector<1x10000xf32> to vector<10000xf32>
    %add3A = arith.addf %squeeze3A, %squeeze3A_3 : vector<10000xf32>
    %add3A_4 = arith.constant 1.000000e+00 : f32
    %add3A_5 = vector.broadcast %add3A_4 : f32 to vector<10000xf32>
    %add3A_6 = arith.addf %add3A, %add3A_5 : vector<10000xf32>
    %rsqrt3A = math.rsqrt %add3A_6 : vector<10000xf32>
    %get3A_7 = arith.constant 0 : index
    %get3A_8 = arith.constant 0 : index
    %get3A_9 = vector.load %arg1[%get3A_7, %get3A_8] : memref<10000x128xf32, #tpu.memory_space<vmem>>, vector<10000x128xf32>
    %get3A_10 = arith.constant 0 : index
    %get3A_11 = arith.constant 0 : index
    %get3A_12 = vector.load %arg2[%get3A_10, %get3A_11] : memref<128x64xf32, #tpu.memory_space<vmem>>, vector<128x64xf32>
    %dot_general3A = arith.constant dense<0.000000e+00> : vector<10000x64xf32>
    %dot_general3A_13 = tpu.matmul %get3A_9, %get3A_12, %dot_general3A {dimension_numbers = #tpu.dot_dimension_numbers<[1], [0], [0], [1], [0, 0, 1, 1], [], []>, transpose_lhs_hint = false} : vector<10000x128xf32>, vector<128x64xf32>, vector<10000x64xf32> -> vector<10000x64xf32>
    %reshape3A = vector.shape_cast %rsqrt3A : vector<10000xf32> to vector<10000x1xf32>
    %mul3A = vector.broadcast %reshape3A : vector<10000x1xf32> to vector<10000x64xf32>
    %mul3A_14 = arith.mulf %dot_general3A_13, %mul3A : vector<10000x64xf32>
    %swap3A = arith.constant 0 : index
    %swap3A_15 = arith.constant 0 : index
    %swap3A_16 = vector.load %arg3[%swap3A, %swap3A_15] : memref<10000x64xf32, #tpu.memory_space<vmem>>, vector<10000x64xf32>
    tpu.vector_store %arg3[%swap3A, %swap3A_15], %mul3A_14 {strides = array<i32>} : memref<10000x64xf32, #tpu.memory_space<vmem>>, vector<10000x64xf32>,
    return
  }
}

module attributes {stable_mosaic.version = 14 : i64} {
  func.func @_tc2_body(%arg0: memref<2x5000x32xf32, #tpu.memory_space<vmem>>, %arg1: memref<2x5000x128xf32, #tpu.memory_space<vmem>>, %arg2: memref<5000x128xf32, #tpu.memory_space<vmem>>, %arg3: memref<128x64xf32, #tpu.memory_space<vmem>>, %arg4: memref<1x128xf32, #tpu.memory_space<vmem>>, %arg5: memref<5000x64xf32, #tpu.memory_space<vmem>>) attributes {dimension_semantics = [], scalar_prefetch = 0 : i64, scratch_operands = 0 : i64, tpu.core_type = #tpu.core_type<tc>} {
    %get3A = arith.constant 0 : index
    %get3A_0 = arith.constant 0 : index
    %get3A_1 = arith.constant 0 : index
    %get3A_2 = vector.load %arg0[%get3A, %get3A_0, %get3A_1] : memref<2x5000x32xf32, #tpu.memory_space<vmem>>, vector<2x5000x32xf32>
    %slice3A = vector.extract_strided_slice %get3A_2 {offsets = [0, 0, 0], sizes = [1, 5000, 32], strides = [1, 1, 1]} : vector<2x5000x32xf32> to vector<1x5000x32xf32>
    %squeeze3A = vector.shape_cast %slice3A : vector<1x5000x32xf32> to vector<5000x32xf32>
    %slice3A_3 = vector.extract_strided_slice %get3A_2 {offsets = [1, 0, 0], sizes = [1, 5000, 32], strides = [1, 1, 1]} : vector<2x5000x32xf32> to vector<1x5000x32xf32>
    %squeeze3A_4 = vector.shape_cast %slice3A_3 : vector<1x5000x32xf32> to vector<5000x32xf32>
    %add3A = arith.addf %squeeze3A, %squeeze3A_4 : vector<5000x32xf32>
    %add3A_5 = arith.constant 1.000000e+00 : f32
    %add3A_6 = vector.broadcast %add3A_5 : f32 to vector<5000x32xf32>
    %add3A_7 = arith.addf %add3A, %add3A_6 : vector<5000x32xf32>
    %rsqrt3A = math.rsqrt %add3A_7 : vector<5000x32xf32>
    %slice3A_8 = vector.extract_strided_slice %rsqrt3A {offsets = [0, 0], sizes = [5000, 1], strides = [1, 1]} : vector<5000x32xf32> to vector<5000x1xf32>
    %broadcast_in_dim3A = vector.shape_cast %slice3A_8 : vector<5000x1xf32> to vector<5000x1xf32>
    %broadcast_in_dim3A_9 = vector.broadcast %broadcast_in_dim3A : vector<5000x1xf32> to vector<5000x64xf32>
    %slice3A_10 = vector.extract_strided_slice %rsqrt3A {offsets = [0, 16], sizes = [5000, 1], strides = [1, 1]} : vector<5000x32xf32> to vector<5000x1xf32>
    %broadcast_in_dim3A_11 = vector.shape_cast %slice3A_10 : vector<5000x1xf32> to vector<5000x1xf32>
    %broadcast_in_dim3A_12 = vector.broadcast %broadcast_in_dim3A_11 : vector<5000x1xf32> to vector<5000x64xf32>
    %concatenate3A = tpu.concatenate %broadcast_in_dim3A_9, %broadcast_in_dim3A_12 in 1 : vector<5000x64xf32>, vector<5000x64xf32> -> vector<5000x128xf32>
    %slice3A_13 = vector.extract_strided_slice %rsqrt3A {offsets = [0, 0], sizes = [5000, 1], strides = [1, 1]} : vector<5000x32xf32> to vector<5000x1xf32>
    %broadcast_in_dim3A_14 = vector.shape_cast %slice3A_13 : vector<5000x1xf32> to vector<5000x1xf32>
    %broadcast_in_dim3A_15 = vector.broadcast %broadcast_in_dim3A_14 : vector<5000x1xf32> to vector<5000x32xf32>
    %slice3A_16 = vector.extract_strided_slice %rsqrt3A {offsets = [0, 16], sizes = [5000, 1], strides = [1, 1]} : vector<5000x32xf32> to vector<5000x1xf32>
    %broadcast_in_dim3A_17 = vector.shape_cast %slice3A_16 : vector<5000x1xf32> to vector<5000x1xf32>
    %broadcast_in_dim3A_18 = vector.broadcast %broadcast_in_dim3A_17 : vector<5000x1xf32> to vector<5000x32xf32>
    %concatenate3A_19 = tpu.concatenate %broadcast_in_dim3A_15, %broadcast_in_dim3A_18 in 1 : vector<5000x32xf32>, vector<5000x32xf32> -> vector<5000x64xf32>
    %get3A_20 = arith.constant 0 : index
    %get3A_21 = arith.constant 0 : index
    %get3A_22 = arith.constant 0 : index
    %get3A_23 = vector.load %arg1[%get3A_20, %get3A_21, %get3A_22] : memref<2x5000x128xf32, #tpu.memory_space<vmem>>, vector<2x5000x128xf32>
    %slice3A_24 = vector.extract_strided_slice %get3A_23 {offsets = [0, 0, 0], sizes = [1, 5000, 128], strides = [1, 1, 1]} : vector<2x5000x128xf32> to vector<1x5000x128xf32>
    %squeeze3A_25 = vector.shape_cast %slice3A_24 : vector<1x5000x128xf32> to vector<5000x128xf32>
    %slice3A_26 = vector.extract_strided_slice %get3A_23 {offsets = [1, 0, 0], sizes = [1, 5000, 128], strides = [1, 1, 1]} : vector<2x5000x128xf32> to vector<1x5000x128xf32>
    %squeeze3A_27 = vector.shape_cast %slice3A_26 : vector<1x5000x128xf32> to vector<5000x128xf32>
    %add3A_28 = arith.addf %squeeze3A_25, %squeeze3A_27 : vector<5000x128xf32>
    %get3A_29 = arith.constant 0 : index
    %get3A_30 = arith.constant 0 : index
    %get3A_31 = vector.load %arg2[%get3A_29, %get3A_30] : memref<5000x128xf32, #tpu.memory_space<vmem>>, vector<5000x128xf32>
    %add3A_32 = arith.addf %add3A_28, %get3A_31 : vector<5000x128xf32>
    %mul3A = arith.mulf %add3A_32, %concatenate3A : vector<5000x128xf32>
    %get3A_33 = arith.constant 0 : index
    %get3A_34 = arith.constant 0 : index
    %get3A_35 = vector.load %arg4[%get3A_33, %get3A_34] : memref<1x128xf32, #tpu.memory_space<vmem>>, vector<1x128xf32>
    %add3A_36 = vector.broadcast %get3A_35 : vector<1x128xf32> to vector<5000x128xf32>
    %add3A_37 = arith.addf %mul3A, %add3A_36 : vector<5000x128xf32>
    %max3A = arith.constant 0.000000e+00 : f32
    %max3A_38 = vector.broadcast %max3A : f32 to vector<5000x128xf32>
    %max3A_39 = arith.maximumf %add3A_37, %max3A_38 : vector<5000x128xf32>
    %get3A_40 = arith.constant 0 : index
    %get3A_41 = arith.constant 0 : index
    %get3A_42 = vector.load %arg3[%get3A_40, %get3A_41] : memref<128x64xf32, #tpu.memory_space<vmem>>, vector<128x64xf32>
    %dot_general3A = arith.constant dense<0.000000e+00> : vector<5000x64xf32>
    %dot_general3A_43 = tpu.matmul %max3A_39, %get3A_42, %dot_general3A {dimension_numbers = #tpu.dot_dimension_numbers<[1], [0], [0], [1], [0, 0, 1, 1], [], []>, transpose_lhs_hint = false} : vector<5000x128xf32>, vector<128x64xf32>, vector<5000x64xf32> -> vector<5000x64xf32>
    %mul3A_44 = arith.mulf %dot_general3A_43, %concatenate3A_19 : vector<5000x64xf32>
    %swap3A = arith.constant 0 : index
    %swap3A_45 = arith.constant 0 : index
    %swap3A_46 = vector.load %arg5[%swap3A, %swap3A_45] : memref<5000x64xf32, #tpu.memory_space<vmem>>, vector<5000x64xf32>
    tpu.vector_store %arg5[%swap3A, %swap3A_45], %mul3A_44 {strides = array<i32>} : memref<5000x64xf32, #tpu.memory_space<vmem>>, vector<5000x64xf32>,
    return
  }
}

module attributes {stable_mosaic.version = 14 : i64} {
  func.func @_tc3_body(%arg0: memref<2x2500x64xf32, #tpu.memory_space<vmem>>, %arg1: memref<2x2500x128xf32, #tpu.memory_space<vmem>>, %arg2: memref<2500x128xf32, #tpu.memory_space<vmem>>, %arg3: memref<1x128xf32, #tpu.memory_space<vmem>>, %arg4: memref<2500x128xf32, #tpu.memory_space<vmem>>) attributes {dimension_semantics = [], scalar_prefetch = 0 : i64, scratch_operands = 0 : i64, tpu.core_type = #tpu.core_type<tc>} {
    %get3A = arith.constant 0 : index
    %get3A_0 = arith.constant 0 : index
    %get3A_1 = arith.constant 0 : index
    %get3A_2 = vector.load %arg0[%get3A, %get3A_0, %get3A_1] : memref<2x2500x64xf32, #tpu.memory_space<vmem>>, vector<2x2500x64xf32>
    %slice3A = vector.extract_strided_slice %get3A_2 {offsets = [0, 0, 0], sizes = [1, 2500, 64], strides = [1, 1, 1]} : vector<2x2500x64xf32> to vector<1x2500x64xf32>
    %squeeze3A = vector.shape_cast %slice3A : vector<1x2500x64xf32> to vector<2500x64xf32>
    %slice3A_3 = vector.extract_strided_slice %get3A_2 {offsets = [1, 0, 0], sizes = [1, 2500, 64], strides = [1, 1, 1]} : vector<2x2500x64xf32> to vector<1x2500x64xf32>
    %squeeze3A_4 = vector.shape_cast %slice3A_3 : vector<1x2500x64xf32> to vector<2500x64xf32>
    %add3A = arith.addf %squeeze3A, %squeeze3A_4 : vector<2500x64xf32>
    %add3A_5 = arith.constant 1.000000e+00 : f32
    %add3A_6 = vector.broadcast %add3A_5 : f32 to vector<2500x64xf32>
    %add3A_7 = arith.addf %add3A, %add3A_6 : vector<2500x64xf32>
    %rsqrt3A = math.rsqrt %add3A_7 : vector<2500x64xf32>
    %slice3A_8 = vector.extract_strided_slice %rsqrt3A {offsets = [0, 0], sizes = [2500, 1], strides = [1, 1]} : vector<2500x64xf32> to vector<2500x1xf32>
    %broadcast_in_dim3A = vector.shape_cast %slice3A_8 : vector<2500x1xf32> to vector<2500x1xf32>
    %broadcast_in_dim3A_9 = vector.broadcast %broadcast_in_dim3A : vector<2500x1xf32> to vector<2500x32xf32>
    %slice3A_10 = vector.extract_strided_slice %rsqrt3A {offsets = [0, 16], sizes = [2500, 1], strides = [1, 1]} : vector<2500x64xf32> to vector<2500x1xf32>
    %broadcast_in_dim3A_11 = vector.shape_cast %slice3A_10 : vector<2500x1xf32> to vector<2500x1xf32>
    %broadcast_in_dim3A_12 = vector.broadcast %broadcast_in_dim3A_11 : vector<2500x1xf32> to vector<2500x32xf32>
    %slice3A_13 = vector.extract_strided_slice %rsqrt3A {offsets = [0, 32], sizes = [2500, 1], strides = [1, 1]} : vector<2500x64xf32> to vector<2500x1xf32>
    %broadcast_in_dim3A_14 = vector.shape_cast %slice3A_13 : vector<2500x1xf32> to vector<2500x1xf32>
    %broadcast_in_dim3A_15 = vector.broadcast %broadcast_in_dim3A_14 : vector<2500x1xf32> to vector<2500x32xf32>
    %slice3A_16 = vector.extract_strided_slice %rsqrt3A {offsets = [0, 48], sizes = [2500, 1], strides = [1, 1]} : vector<2500x64xf32> to vector<2500x1xf32>
    %broadcast_in_dim3A_17 = vector.shape_cast %slice3A_16 : vector<2500x1xf32> to vector<2500x1xf32>
    %broadcast_in_dim3A_18 = vector.broadcast %broadcast_in_dim3A_17 : vector<2500x1xf32> to vector<2500x32xf32>
    %concatenate3A = tpu.concatenate %broadcast_in_dim3A_9, %broadcast_in_dim3A_12, %broadcast_in_dim3A_15, %broadcast_in_dim3A_18 in 1 : vector<2500x32xf32>, vector<2500x32xf32>, vector<2500x32xf32>, vector<2500x32xf32> -> vector<2500x128xf32>
    %get3A_19 = arith.constant 0 : index
    %get3A_20 = arith.constant 0 : index
    %get3A_21 = arith.constant 0 : index
    %get3A_22 = vector.load %arg1[%get3A_19, %get3A_20, %get3A_21] : memref<2x2500x128xf32, #tpu.memory_space<vmem>>, vector<2x2500x128xf32>
    %slice3A_23 = vector.extract_strided_slice %get3A_22 {offsets = [0, 0, 0], sizes = [1, 2500, 128], strides = [1, 1, 1]} : vector<2x2500x128xf32> to vector<1x2500x128xf32>
    %squeeze3A_24 = vector.shape_cast %slice3A_23 : vector<1x2500x128xf32> to vector<2500x128xf32>
    %slice3A_25 = vector.extract_strided_slice %get3A_22 {offsets = [1, 0, 0], sizes = [1, 2500, 128], strides = [1, 1, 1]} : vector<2x2500x128xf32> to vector<1x2500x128xf32>
    %squeeze3A_26 = vector.shape_cast %slice3A_25 : vector<1x2500x128xf32> to vector<2500x128xf32>
    %add3A_27 = arith.addf %squeeze3A_24, %squeeze3A_26 : vector<2500x128xf32>
    %get3A_28 = arith.constant 0 : index
    %get3A_29 = arith.constant 0 : index
    %get3A_30 = vector.load %arg2[%get3A_28, %get3A_29] : memref<2500x128xf32, #tpu.memory_space<vmem>>, vector<2500x128xf32>
    %add3A_31 = arith.addf %add3A_27, %get3A_30 : vector<2500x128xf32>
    %mul3A = arith.mulf %add3A_31, %concatenate3A : vector<2500x128xf32>
    %get3A_32 = arith.constant 0 : index
    %get3A_33 = arith.constant 0 : index
    %get3A_34 = vector.load %arg3[%get3A_32, %get3A_33] : memref<1x128xf32, #tpu.memory_space<vmem>>, vector<1x128xf32>
    %add3A_35 = vector.broadcast %get3A_34 : vector<1x128xf32> to vector<2500x128xf32>
    %add3A_36 = arith.addf %mul3A, %add3A_35 : vector<2500x128xf32>
    %swap3A = arith.constant 0 : index
    %swap3A_37 = arith.constant 0 : index
    %swap3A_38 = vector.load %arg4[%swap3A, %swap3A_37] : memref<2500x128xf32, #tpu.memory_space<vmem>>, vector<2500x128xf32>
    tpu.vector_store %arg4[%swap3A, %swap3A_37], %add3A_36 {strides = array<i32>} : memref<2500x128xf32, #tpu.memory_space<vmem>>, vector<2500x128xf32>,
    return
  }
}

</mosaic_0001>

<sc_bundles>
// kernel: kernel.11.cloned.1.call-start
scs
__scs_entry_jumppad:
0x0: {  	(pc) =	sbr.rel $0x88, $3  }
0x1: {  	(tag) =	ssettag $0x0;
	lr =	simm.s32 $0x1  }
0x2: {  	[smem:$0x3F9B] =	sst lr;
	_ =	strace $0xD0000000  }
0x3: {  	_ = 	snop  }
0x4: {  	_ = 	snop  }
0x5: {  	_ = 	snop  }
0x6: {  	_ = 	snop  }
0x7: {  	_ = 	snop  }
__scs_overlays_trampoline_lowered:
0x8: {  	[smem:$0x3FAA] =	sst s0  }
0x9: {  	[smem:$0x3FAB] =	sst s1  }
0xa: {  	[smem:$0x3FAC] =	sst s2  }
0xb: {  	[smem:$0x3FAD] =	sst s3  }
0xc: {  	[smem:$0x3FAE] =	sst s4  }
0xd: {  	[smem:$0x3FAF] =	sst s5  }
0xe: {  	[smem:$0x3FB0] =	sst s6  }
0xf: {  	[smem:$0x3FB1] =	sst s7  }
0x10: {  	[smem:$0x3FB2] =	sst s8  }
0x11: {  	[smem:$0x3FB3] =	sst s9;
	s0 =	simm.s32 @!p0 $0x0  }
0x12: {  	s1 =	sld [smem:$0x3F99];
	s0 =	simm.s32 @p0 $0x1  }
0x13: {  	[smem:$0x3FB4] =	sst s0;
	s0 =	simm.s32 @!p1 $0x0  }
0x14: {  	s2 =	sld [smem:$0x3F98];
	s0 =	simm.s32 @p1 $0x1  }
0x15: {  	[smem:$0x3FB5] =	sst s0;
	s0 =	simm.s32 @!p2 $0x0  }
0x16: {  	s3 =	sld [smem:$0x3FDB];
	s0 =	simm.s32 @p2 $0x1  }
0x17: {  	s4 =	simm.s32 $0x1BF5;
	[smem:$0x3FB7] =	sst s0  }
0x18: {  	s0 =	sld [smem:$0x3F9A];
	_ =	swait.ge [sflag:s4], $0x0  }
0x19: {  	s7 =	sld [smem:$0x3F9B]  }
0x1a: {  	s8 =	sadd.s32 $0xFFFFE003, lr  }
0x1b: {  	s9 =	sadd.s32 $0xFFFFFEF7, lr;
	s5 =	simm.s32 $0xFFFFFFFF;
	p2 =	slt.u32 s8, $0xFFFFF086  }
0x1c: {  	p1 =	slt.u32 s9, $0xF7A;
	s5 =	simm.s32 @!p2 $0x0  }
0x1d: {  	s5 =	simm.s32 @p1 $0x1;
	p0 =	seq.s32 s7, s2  }
0x1e: {  	s7 =	smul.u32 @!p0 $0xF7A, s2;
	p2 =	seq.s32 @!p0 s5, $0x0  }
0x1f: {  	s9 =	smul.u32 $0xF7A, s1;
	s8 =	simm.s32 @!p0 $0x1BF5;
	p2 =	por !p2, p0  }
0x20: {  	[sflag:s8] =	ssyncset.s32 @!p0 $0xFFFFF086;
	s6 =	sadd.s32 @!p0 s3, s7;
	s7 =	simm.s32 @!p0 $0x108  }
0x21: {  	s3 =	sadd.s32 s3, s9;
	s6 =	sadd.s32 @!p0 $0x88, s6;
	s7 =	simm.s32 @p2 $0x1082  }
0x22: {  	[simem:s7], [sflag:s8] =	dma.local @!p0 [hbm:s6], $0xF7A  }
0x23: {  	s9 =	sor.u32 $0xD0000000, s2;
	s6 =	simm.s32 $0x108;
	_ =	swait.ge @!p0 [sflag:s8], $0x0  }
0x24: {  	s3 =	sadd.s32 $0x88, s3;
	s6 =	simm.s32 @!p1 $0x1082;
	[sflag:s4] =	ssyncset.s32 $0xFFFFF086  }
0x25: {  	[simem:s6], [sflag:s4] =	dma.local [hbm:s3], $0xF7A  }
0x26: {  	[smem:$0x3F9B] =	sst s1;
	(tag) =	ssettag s2;
	_ =	strace s9  }
0x27: {  	s1 =	sld [smem:$0x3FAB]  }
0x28: {  	s2 =	sld [smem:$0x3FAC]  }
0x29: {  	s4 =	sld [smem:$0x3FAE]  }
0x2a: {  	p0 =	seq.s32 s5, $0x0;
	s5 =	sld [smem:$0x3FAF]  }
0x2b: {  	s6 =	sld [smem:$0x3FB0]  }
0x2c: {  	s7 =	sld [smem:$0x3FB1]  }
0x2d: {  	s3 =	simm.s32 $0x108;
	s8 =	sld [smem:$0x3FB2]  }
0x2e: {  	s3 =	simm.s32 @!p0 $0x1082;
	s9 =	sld [smem:$0x3FB3]  }
0x2f: {  	lr =	sadd.s32 s0, s3;
	s0 =	sld [smem:$0x3FAA]  }
0x30: {  	s3 =	sld [smem:$0x3FAD]  }
0x31: {  	[smem:$0x3FB6] =	sst s10  }
0x32: {  	s10 =	sld [smem:$0x3FB4];
	_ =	sdelay $0x3  }
0x33: {  	p0 =	seq.s32 s10, $0x1;
	s10 =	sld [smem:$0x3FB6];
	_ =	sdelay $0x3  }
0x34: {  	[smem:$0x3FB6] =	sst s10  }
0x35: {  	s10 =	sld [smem:$0x3FB5];
	_ =	sdelay $0x3  }
0x36: {  	p1 =	seq.s32 s10, $0x1;
	s10 =	sld [smem:$0x3FB6];
	_ =	sdelay $0x3  }
0x37: {  	[smem:$0x3FB6] =	sst s10  }
0x38: {  	s10 =	sld [smem:$0x3FB7]  }
0x39: {  	_ = 	snop;
	(pc) =	sbr.ind lr, $3  }
0x3a: {  	_ = 	snop  }
0x3b: {  	_ = 	snop  }
0x3c: {  	p2 =	seq.s32 s10, $0x1;
	s10 =	sld [smem:$0x3FB6]  }
0x3d: {  	_ =	shalt  }
0x3e: {  	_ =	shalt  }
0x3f: {  	_ =	shalt  }
0x40: {  	_ =	shalt  }
0x41: {  	_ =	shalt  }
0x42: {  	_ =	shalt  }
0x43: {  	_ =	shalt  }
0x44: {  	_ =	shalt  }
0x45: {  	_ =	shalt  }
0x46: {  	_ =	shalt  }
0x47: {  	_ =	shalt  }
0x48: {  	_ =	shalt  }
0x49: {  	_ =	shalt  }
0x4a: {  	_ =	shalt  }
0x4b: {  	_ =	shalt  }
0x4c: {  	_ =	shalt  }
0x4d: {  	_ =	shalt  }
0x4e: {  	_ =	shalt  }
0x4f: {  	_ =	shalt  }
0x50: {  	_ =	shalt  }
0x51: {  	_ =	shalt  }
0x52: {  	_ =	shalt  }
0x53: {  	_ =	shalt  }
0x54: {  	_ =	shalt  }
0x55: {  	_ =	shalt  }
0x56: {  	_ =	shalt  }
0x57: {  	_ =	shalt  }
0x58: {  	_ =	shalt  }
0x59: {  	_ =	shalt  }
0x5a: {  	_ =	shalt  }
0x5b: {  	_ =	shalt  }
0x5c: {  	_ =	shalt  }
0x5d: {  	_ =	shalt  }
0x5e: {  	_ =	shalt  }
0x5f: {  	_ =	shalt  }
0x60: {  	_ =	shalt  }
0x61: {  	_ =	shalt  }
0x62: {  	_ =	shalt  }
0x63: {  	_ =	shalt  }
0x64: {  	_ =	shalt  }
0x65: {  	_ =	shalt  }
0x66: {  	_ =	shalt  }
0x67: {  	_ =	shalt  }
0x68: {  	_ =	shalt  }
0x69: {  	_ =	shalt  }
0x6a: {  	_ =	shalt  }
0x6b: {  	_ =	shalt  }
0x6c: {  	_ =	shalt  }
0x6d: {  	_ =	shalt  }
0x6e: {  	_ =	shalt  }
0x6f: {  	_ =	shalt  }
0x70: {  	_ =	shalt  }
0x71: {  	_ =	shalt  }
0x72: {  	_ =	shalt  }
0x73: {  	_ =	shalt  }
0x74: {  	_ =	shalt  }
0x75: {  	_ =	shalt  }
0x76: {  	_ =	shalt  }
0x77: {  	_ =	shalt  }
0x78: {  	_ =	shalt  }
0x79: {  	_ =	shalt  }
0x7a: {  	_ =	shalt  }
0x7b: {  	_ =	shalt  }
0x7c: {  	_ =	shalt  }
0x7d: {  	_ =	shalt  }
0x7e: {  	_ =	shalt  }
0x7f: {  	_ =	shalt  }
0x80: {  	_ =	shalt  }
0x81: {  	_ =	shalt  }
0x82: {  	_ =	shalt  }
0x83: {  	_ =	shalt  }
0x84: {  	_ =	shalt  }
0x85: {  	_ =	shalt  }
0x86: {  	_ =	shalt  }
0x87: {  	_ =	shalt  }
.Lfunc_end0:
.L_simem_size_0:
called_computation.1_lowered:
.L_overlay_start_0:
0x88: {  	s2 =	sld [smem:$0x3FD9]  }
0x89: {  	s3 =	sld [smem:$0x3FFE];
	_ =	sdelay $0x1  }
0x8a: {  	s1 =	srdreg.scid  }
0x8b: {  	s0 =	sand.u32 $0x1, s1  }
0x8c: {  	s16 =	sshll.u32 s0, $0xA;
	s2 =	sadd.s32 s3, s2  }
0x8d: {  	s2 =	sadd.s32 s2, s16  }
0x8e: {  	[smem:$0x3FC2] =	sst s2  }
0x8f: {  	_ = 	snop  }
0x90: {  	(tm) =	ssettm $0x1  }
0x91: {  	s17 =	sld [smem:$0x3FFB];
	_ =	sdelay $0x3  }
0x92: {  	_ =	strace s17  }
0x93: {  	s2 =	sld [smem:$0x3FFC];
	_ =	sdelay $0x3  }
0x94: {  	_ =	strace s2  }
0x95: {  	s2 =	sld [smem:$0x3FFD];
	_ =	sdelay $0x3  }
0x96: {  	_ =	strace s2  }
0x97: {  	_ =	strace $0x8FFFFFFF  }
0x98: {  	s18 =	sld [smem:$0x3FDB];
	_ =	sdelay $0x1  }
0x99: {  	s19 =	simm.s32 $_scs_section_size  }
0x9a: {  	s4 =	simm.s32 $_size__tile_overlayer_lowered;
	s5 =	simm.s32 $_tile_overlayer_lowered  }
0x9b: {  	s22 =	simm.s32 $0x1BFF;
	s21 =	sshll.u32 s5, $0x1;
	s2 =	sadd.s32 s19, s18  }
0x9c: {  	s6 =	simm.s32 $0x0;
	s20 =	sshll.u32 s4, $0x1;
	s4 =	sadd.s32 s21, s2  }
0x9d: {  	[timem:s6], [sflag:s22] =	dma.local [hbm:s4], s20  }
0x9e: {  	_ =	swait.ge [sflag:s22], s20  }
0x9f: {  	s3 =	ssub.s32 $0x0, s20;
	[sflag:s22] =	ssyncset.done $0x0  }
0xa0: {  	[sflag:s22] =	ssyncadd.s32 s3;
	_ =	sdelay $0x1  }
0xa1: {  	s23 =	simm.s32 $0x1B8B  }
0xa2: {  	_ =	swait.ge [sflag:s23], $0x1  }
0xa3: {  	[sflag:s23] =	ssyncset.done $0x0  }
0xa4: {  	s25 =	simm.s32 $0x1B8E;
	s24 =	sld [smem:$0x3FFE];
	[sflag:s23] =	ssyncadd.s32 $0xFFFFFFFF  }
0xa5: {  	s26 =	simm.s32 $execute0_lowered;
	[smem:$0x3FD2] =	sst s25  }
0xa6: {  	s4 =	sshll.u32 s26, $0x1;
	_ =	strace $0x80000049;
	[dreg:$0x1] =	wrdreg $0xFFFFFFFF  }
0xa7: {  	s28 =	simm.s32 $_size_execute0_lowered;
	s2 =	sadd.s32 s2, s4;
	[dreg:$0x0] =	wrdreg $0x0  }
0xa8: {  	s4 =	sshll.u32 s28, $0x1;
	[dreg:$0x2] =	wrdreg s2  }
0xa9: {  	[dreg:$0x3] =	wrdreg s4  }
0xaa: {  	[dreg:$0x4] =	wrdreg $0xC0  }
0xab: {  	_ =	task [dreg:s6], $0x5FFFF  }
0xac: {  	[dreg:$0x1] =	wrdreg $0xFFFFFFFF  }
0xad: {  	[dreg:$0x0] =	wrdreg $0x60  }
0xae: {  	[dreg:$0x2] =	wrdreg s24  }
0xaf: {  	[dreg:$0x3] =	wrdreg $0xB2200  }
0xb0: {  	[dreg:$0x4] =	wrdreg $0x9  }
0xb1: {  	_ =	task.clear_ibuf [dreg:s6], $0x5FFFF;
	_ =	strace $0x90000049  }
0xb2: {  	s29 =	simm.s32 $0x9;
	_ =	strace $0x8000004B  }
0xb3: {  	_ =	swait.ge [sflag:s29], $0x1  }
0xb4: {  	[sflag:s29] =	ssyncadd.s32 $0xFFFFFFFF  }
0xb5: {  	_ =	strace $0x9000004B  }
0xb6: {  	_ =	sfence  }
0xb7: {  	s30 =	sld [smem:$0x0];
	_ =	sdelay $0x2  }
0xb8: {  	s31 =	sshll.u32 s1, $0xD;
	s1 =	sshrl.u32 s1, $0x2  }
0xb9: {  	s3 =	sand.u32 $0x4000, s31;
	s1 =	sadd.s32 s1, s30  }
0xba: {  	s0 =	sor.u32 s3, s0;
	s1 =	sshll.u32 s1, $0x11  }
0xbb: {  	s0 =	sor.u32 s1, s0  }
0xbc: {  	s0 =	sadd.s32 $0x8F2B, s0  }
0xbd: {  	[sflag:s0] =	ssyncadd.remote.s32 $0x1  }
0xbe: {  	_ =	sfence.sel $0xFFFF  }
0xbf: {  	[dreg:$0x0] =	wrdreg $0xFFFFFFFF;
	(pc) =	sbr.abs _section_cstart, $3  }
0xc0: {  	[dreg:$0x1] =	wrdreg $0xFFFFFFFF  }
0xc1: {  	_ =	task.clear_ibuf [dreg:s6], $0x2FFFF;
	_ =	strace $0x9FFFFFFF  }
0xc2: {  	(tm) =	ssettm $0x7FFFFFFF  }
0xc3: {  	_ =	shalt  }
tec
execute0_lowered:
.L_overlay_start_1:
0x0: {  	(tag) =	ssettag $0x1  }
0x1: {  	s0 =	srdreg.scid;
	s6 =	rddreg [dreg:$0x0]  }
0x2: {  	s12 =	stileid.u32;
	s2 =	rddreg [dreg:$0x1]  }
0x3: {  	s3 =	simm.s32 $0x0;
	s14 =	simm.s32 $0x50;
	s15 =	simm.s32 $0x4E20  }
0x4: {  	s16 =	simm.s32 $0x6220;
	s18 =	simm.s32 $0x7620;
	s20 =	simm.s32 $0x8A20  }
0x5: {  	s22 =	simm.s32 $0x9E20;
	s23 =	simm.s32 $0x1;
	s24 =	simm.s32 $0x2  }
0x6: {  	s28 =	simm.s32 $0x4;
	s29 =	simm.s32 $0x5;
	s30 =	simm.s32 $0x6  }
0x7: {  	s31 =	simm.s32 $0x7;
	s21 =	simm.s32 $0x0;
	s0 =	sand.u32 $0x1, s0  }
0x8: {  	s1 =	sshll.u32 s12, $0x1;
	[smem:$0x7FF] =	sst s3;
	s9 =	smul.u32 $0xFA00, s12  }
0x9: {  	s4 =	sadd.s32 $0x15E00, s6;
	s10 =	smul.u32 $0x3E800, s12;
	s25 =	sadd.s32 $0x29800, s6  }
0xa: {  	p0 =	sgt.u32 s12, $0x9;
	s1 =	sor.u32 s0, s1;
	s5 =	smul.u32 $0x9C400, s0  }
0xb: {  	_ =	strace $0x8000004A;
	s0 =	ssub.s32 $0x2, s0;
	s1 =	smul.u32 $0x2710, s1  }
0xc: {  	[dreg:$0x3] =	wrdreg s25;
	s8 =	sshrl.u32 s0, $0x1;
	s26 =	sshrl.u32 s10, $0x2  }
0xd: {  	s10 =	simm.s32 $0xB;
	s5 =	sadd.s32 s9, s5;
	s1 =	sshrl.u32 s1, $0x3  }
0xe: {  	s0 =	ssub.s32 s0, s8;
	s7 =	sshrl.u32 s5, $0x3;
	s1 =	sadd.s32 s1, s6  }
0xf: {  	s11 =	sadd.s32 s7, s6;
	s6 =	sadd.s32 $0x2400, s1;
	s7 =	sadd.s32 $0xC040, s1  }
0x10: {  	s1 =	sadd.s32 s26, s2;
	s8 =	sadd.s32 $0x2B800, s11;
	s11 =	sadd.s32 s9, s2  }
0x11: {  	s9 =	smax.u32 s0, $0x1;
	s0 =	sshll.u32 @!p0 s12, $0x6;
	s26 =	simm.s32 $0x3  }
0x12: {  	s12 =	sor.u32 @!p0 $0x1C0B, s0;
	s13 =	sshrl.u32 @!p0 s1, $0x3;
	s25 =	sshrl.u32 @!p0 s11, $0x3  }
0x13: {  	s1 =	simm.s32 $0x8;
	s0 =	simm.s32 $0x9;
	s11 =	simm.s32 $0xA  }
.LBB2_1:
0x14: {  	[tilespmem:s3], [sflag:$0xB] =	stream.linear.gather [hbm4b:s6+s3], $0x2710, $0x38;
	[tilespmem:$0x14E60] =	vst v63  }
0x15: {  	_ =	swait.ge [sflag:s10], $0x2710  }
0x16: {  	[sflag:s10] =	ssyncset.done $0x0  }
0x17: {  	s5 =	simm.s32 $0x2710;
	[sflag:s10] =	ssyncadd.s32 $0xFFFFD8F0  }
0x18: {  	[tilespmem:s5], [sflag:$0xB] =	stream.linear.gather [hbm4b:s7+s3], $0x2710, $0x38;
	[tilespmem:$0x14E60] =	vst v63  }
0x19: {  	_ =	swait.ge [sflag:s10], $0x2710  }
0x1a: {  	[sflag:s10] =	ssyncset.done $0x0  }
0x1b: {  	s17 =	simm.s32 @!p0 $0xB;
	s5 =	rddreg [dreg:$0x3];
	[sflag:s10] =	ssyncadd.s32 $0xFFFFD8F0  }
0x1c: {  	[spmem:s13], [sflag:s12] =	dma.local @!p0 [hbm:s5], $0x1F40  }
0x1d: {  	_ =	swait.ge @!p0 [sflag:s17], $0x1F40  }
0x1e: {  	[sflag:s17] =	ssyncset.done @!p0 $0x0  }
0x1f: {  	[sflag:s17] =	ssyncadd.s32 @!p0 $0xFFFFE0C0  }
0x20: {  	[bflag:$0x0] =	sbarrier.arrive $0xFFFF  }
0x21: {  	[tilespmem:s15], [sflag:$0x1] =	stream.indirect.gather [hbm4b:s4+s14], $0x40, s3, s14, $0xb8;
	[tilespmem:$0x14E60] =	vst v63  }
0x22: {  	_ = 	snop  }
0x23: {  	[tilespmem:s16], [sflag:$0x2] =	stream.indirect.gather [hbm4b:s4+s14], $0x40, s14, s14, $0xb8;
	[tilespmem:$0x14E60] =	vst v63  }
0x24: {  	s17 =	simm.s32 $0xA0  }
0x25: {  	[tilespmem:s18], [sflag:$0x3] =	stream.indirect.gather [hbm4b:s4+s14], $0x40, s17, s14, $0xb8;
	[tilespmem:$0x14E60] =	vst v63  }
0x26: {  	s19 =	simm.s32 $0xF0  }
0x27: {  	[tilespmem:s20], [sflag:$0x4] =	stream.indirect.gather [hbm4b:s4+s14], $0x40, s19, s14, $0xb8;
	[tilespmem:$0x14E60] =	vst v63  }
0x28: {  	s17 =	simm.s32 $0x140  }
0x29: {  	[tilespmem:s22], [sflag:$0x5] =	stream.indirect.gather [hbm4b:s4+s14], $0x40, s17, s14, $0xb8;
	[tilespmem:$0x14E60] =	vst v63  }
0x2a: {  	_ =	swait.ge [sflag:s23], $0x1400  }
0x2b: {  	[sflag:s23] =	ssyncset.done $0x0  }
0x2c: {  	s19 =	simm.s32 $0x2710;
	[sflag:s23] =	ssyncadd.s32 $0xFFFFEC00  }
0x2d: {  	[spmem:s2] =	stream.indirect.scatter.add.f32 [tilespmem:s15], [sflag:$0x6], $0x40, s19, s14, $0xb8;
	[tilespmem:$0x14E60] =	vst v63  }
0x2e: {  	_ =	swait.ge [sflag:s24], $0x1400  }
0x2f: {  	[sflag:s24] =	ssyncset.done $0x0  }
0x30: {  	s5 =	simm.s32 $0x2760;
	[sflag:s24] =	ssyncadd.s32 $0xFFFFEC00  }
0x31: {  	[spmem:s2] =	stream.indirect.scatter.add.f32 [tilespmem:s16], [sflag:$0x7], $0x40, s5, s14, $0xb8;
	[tilespmem:$0x14E60] =	vst v63  }
0x32: {  	_ =	swait.ge [sflag:s26], $0x1400  }
0x33: {  	[sflag:s26] =	ssyncset.done $0x0  }
0x34: {  	s19 =	simm.s32 $0x27B0;
	[sflag:s26] =	ssyncadd.s32 $0xFFFFEC00  }
0x35: {  	[spmem:s2] =	stream.indirect.scatter.add.f32 [tilespmem:s18], [sflag:$0x8], $0x40, s19, s14, $0xb8;
	[tilespmem:$0x14E60] =	vst v63  }
0x36: {  	_ =	swait.ge [sflag:s28], $0x1400  }
0x37: {  	[sflag:s28] =	ssyncset.done $0x0  }
0x38: {  	s5 =	simm.s32 $0x2800;
	[sflag:s28] =	ssyncadd.s32 $0xFFFFEC00  }
0x39: {  	[spmem:s2] =	stream.indirect.scatter.add.f32 [tilespmem:s20], [sflag:$0x9], $0x40, s5, s14, $0xb8;
	[tilespmem:$0x14E60] =	vst v63  }
0x3a: {  	_ =	swait.ge [sflag:s29], $0x1400  }
0x3b: {  	[sflag:s29] =	ssyncset.done $0x0  }
0x3c: {  	s19 =	simm.s32 $0x2850;
	[sflag:s29] =	ssyncadd.s32 $0xFFFFEC00  }
0x3d: {  	[spmem:s2] =	stream.indirect.scatter.add.f32 [tilespmem:s22], [sflag:$0xA], $0x40, s19, s14, $0xb8;
	[tilespmem:$0x14E60] =	vst v63  }
0x3e: {  	_ =	swait.ge [sflag:s30], $0x1400  }
0x3f: {  	[sflag:s30] =	ssyncset.done $0x0  }
0x40: {  	s5 =	simm.s32 $0x190;
	[sflag:s30] =	ssyncadd.s32 $0xFFFFEC00  }
0x41: {  	[tilespmem:s15], [sflag:$0x1] =	stream.indirect.gather [hbm4b:s4+s14], $0x40, s5, s14, $0xb8;
	[tilespmem:$0x14E60] =	vst v63  }
0x42: {  	_ =	swait.ge [sflag:s31], $0x1400  }
0x43: {  	[sflag:s31] =	ssyncset.done $0x0  }
0x44: {  	s19 =	simm.s32 $0x1E0;
	[sflag:s31] =	ssyncadd.s32 $0xFFFFEC00  }
0x45: {  	[tilespmem:s16], [sflag:$0x2] =	stream.indirect.gather [hbm4b:s4+s14], $0x40, s19, s14, $0xb8;
	[tilespmem:$0x14E60] =	vst v63  }
0x46: {  	_ =	swait.ge [sflag:s1], $0x1400  }
0x47: {  	[sflag:s1] =	ssyncset.done $0x0  }
0x48: {  	s5 =	simm.s32 $0x230;
	[sflag:s1] =	ssyncadd.s32 $0xFFFFEC00  }
0x49: {  	[tilespmem:s18], [sflag:$0x3] =	stream.indirect.gather [hbm4b:s4+s14], $0x40, s5, s14, $0xb8;
	[tilespmem:$0x14E60] =	vst v63  }
0x4a: {  	_ =	swait.ge [sflag:s0], $0x1400  }
0x4b: {  	[sflag:s0] =	ssyncset.done $0x0  }
0x4c: {  	s19 =	simm.s32 $0x280;
	[sflag:s0] =	ssyncadd.s32 $0xFFFFEC00  }
0x4d: {  	[tilespmem:s20], [sflag:$0x4] =	stream.indirect.gather [hbm4b:s4+s14], $0x40, s19, s14, $0xb8;
	[tilespmem:$0x14E60] =	vst v63  }
0x4e: {  	_ =	swait.ge [sflag:s11], $0x1400  }
0x4f: {  	[sflag:s11] =	ssyncset.done $0x0  }
0x50: {  	s17 =	simm.s32 $0x640;
	s19 =	simm.s32 $0x2D0;
	[sflag:s11] =	ssyncadd.s32 $0xFFFFEC00  }
.LBB2_2:
0x51: {  	[tilespmem:s22], [sflag:$0x5] =	stream.indirect.gather [hbm4b:s4+s14], $0x40, s19, s14, $0xb8;
	[tilespmem:$0x14E60] =	vst v63  }
0x52: {  	s19 =	smov.u32 s17  }
0x53: {  	p1 =	sne.s32 s17, $0x8FC0;
	s17 =	sadd.s32 $0x640, s17;
	_ =	swait.ge [sflag:s23], $0x1400  }
0x54: {  	s19 =	sshra.s32 s19, $0x2;
	[sflag:s23] =	ssyncset.done $0x0  }
0x55: {  	s5 =	sadd.s32 $0x2710, s19;
	[sflag:s23] =	ssyncadd.s32 $0xFFFFEC00  }
0x56: {  	[spmem:s2] =	stream.indirect.scatter.add.f32 [tilespmem:s15], [sflag:$0x6], $0x40, s5, s14, $0xb8;
	[tilespmem:$0x14E60] =	vst v63  }
0x57: {  	_ =	swait.ge [sflag:s24], $0x1400  }
0x58: {  	[sflag:s24] =	ssyncset.done $0x0  }
0x59: {  	s5 =	sadd.s32 $0x2760, s19;
	[sflag:s24] =	ssyncadd.s32 $0xFFFFEC00  }
0x5a: {  	[spmem:s2] =	stream.indirect.scatter.add.f32 [tilespmem:s16], [sflag:$0x7], $0x40, s5, s14, $0xb8;
	[tilespmem:$0x14E60] =	vst v63  }
0x5b: {  	_ =	swait.ge [sflag:s26], $0x1400  }
0x5c: {  	[sflag:s26] =	ssyncset.done $0x0  }
0x5d: {  	s5 =	sadd.s32 $0x27B0, s19;
	[sflag:s26] =	ssyncadd.s32 $0xFFFFEC00  }
0x5e: {  	[spmem:s2] =	stream.indirect.scatter.add.f32 [tilespmem:s18], [sflag:$0x8], $0x40, s5, s14, $0xb8;
	[tilespmem:$0x14E60] =	vst v63  }
0x5f: {  	_ =	swait.ge [sflag:s28], $0x1400  }
0x60: {  	[sflag:s28] =	ssyncset.done $0x0  }
0x61: {  	s5 =	sadd.s32 $0x2800, s19;
	[sflag:s28] =	ssyncadd.s32 $0xFFFFEC00  }
0x62: {  	[spmem:s2] =	stream.indirect.scatter.add.f32 [tilespmem:s20], [sflag:$0x9], $0x40, s5, s14, $0xb8;
	[tilespmem:$0x14E60] =	vst v63  }
0x63: {  	_ =	swait.ge [sflag:s29], $0x1400  }
0x64: {  	[sflag:s29] =	ssyncset.done $0x0  }
0x65: {  	s5 =	sadd.s32 $0x2850, s19;
	[sflag:s29] =	ssyncadd.s32 $0xFFFFEC00  }
0x66: {  	[spmem:s2] =	stream.indirect.scatter.add.f32 [tilespmem:s22], [sflag:$0xA], $0x40, s5, s14, $0xb8;
	[tilespmem:$0x14E60] =	vst v63  }
0x67: {  	_ =	swait.ge [sflag:s30], $0x1400  }
0x68: {  	[sflag:s30] =	ssyncset.done $0x0  }
0x69: {  	s5 =	sadd.s32 $0x190, s19;
	[sflag:s30] =	ssyncadd.s32 $0xFFFFEC00  }
0x6a: {  	[tilespmem:s15], [sflag:$0x1] =	stream.indirect.gather [hbm4b:s4+s14], $0x40, s5, s14, $0xb8;
	[tilespmem:$0x14E60] =	vst v63  }
0x6b: {  	_ =	swait.ge [sflag:s31], $0x1400  }
0x6c: {  	[sflag:s31] =	ssyncset.done $0x0  }
0x6d: {  	s5 =	sadd.s32 $0x1E0, s19;
	[sflag:s31] =	ssyncadd.s32 $0xFFFFEC00  }
0x6e: {  	[tilespmem:s16], [sflag:$0x2] =	stream.indirect.gather [hbm4b:s4+s14], $0x40, s5, s14, $0xb8;
	[tilespmem:$0x14E60] =	vst v63  }
0x6f: {  	_ =	swait.ge [sflag:s1], $0x1400  }
0x70: {  	[sflag:s1] =	ssyncset.done $0x0  }
0x71: {  	s5 =	sadd.s32 $0x230, s19;
	[sflag:s1] =	ssyncadd.s32 $0xFFFFEC00  }
0x72: {  	[tilespmem:s18], [sflag:$0x3] =	stream.indirect.gather [hbm4b:s4+s14], $0x40, s5, s14, $0xb8;
	[tilespmem:$0x14E60] =	vst v63  }
0x73: {  	_ =	swait.ge [sflag:s0], $0x1400  }
0x74: {  	[sflag:s0] =	ssyncset.done $0x0  }
.Ltmp0:
0x75: {  	s5 =	sadd.s32 $0x280, s19;
	[sflag:s0] =	ssyncadd.s32 $0xFFFFEC00;
	(pc) =	sbr.rel @p1 .LBB2_2-.Ltmp0, $4  }
0x76: {  	[tilespmem:s20], [sflag:$0x4] =	stream.indirect.gather [hbm4b:s4+s14], $0x40, s5, s14, $0xb8;
	[tilespmem:$0x14E60] =	vst v63  }
0x77: {  	_ =	swait.ge [sflag:s11], $0x1400  }
0x78: {  	[sflag:s11] =	ssyncset.done $0x0  }
0x79: {  	s19 =	sadd.s32 $0x2D0, s19;
	[sflag:s11] =	ssyncadd.s32 $0xFFFFEC00  }
0x7a: {  	[tilespmem:s22], [sflag:$0x5] =	stream.indirect.gather [hbm4b:s4+s14], $0x40, s19, s14, $0xb8;
	[tilespmem:$0x14E60] =	vst v63  }
0x7b: {  	_ =	swait.ge [sflag:s23], $0x1400  }
0x7c: {  	[sflag:s23] =	ssyncset.done $0x0  }
0x7d: {  	s5 =	simm.s32 $0x4C90;
	[sflag:s23] =	ssyncadd.s32 $0xFFFFEC00  }
0x7e: {  	[spmem:s2] =	stream.indirect.scatter.add.f32 [tilespmem:s15], [sflag:$0x6], $0x40, s5, s14, $0xb8;
	[tilespmem:$0x14E60] =	vst v63  }
0x7f: {  	_ =	swait.ge [sflag:s24], $0x1400  }
0x80: {  	[sflag:s24] =	ssyncset.done $0x0  }
0x81: {  	s17 =	simm.s32 $0x4CE0;
	[sflag:s24] =	ssyncadd.s32 $0xFFFFEC00  }
0x82: {  	[spmem:s2] =	stream.indirect.scatter.add.f32 [tilespmem:s16], [sflag:$0x7], $0x40, s17, s14, $0xb8;
	[tilespmem:$0x14E60] =	vst v63  }
0x83: {  	_ =	swait.ge [sflag:s26], $0x1400  }
0x84: {  	[sflag:s26] =	ssyncset.done $0x0  }
0x85: {  	s19 =	simm.s32 $0x4D30;
	[sflag:s26] =	ssyncadd.s32 $0xFFFFEC00  }
0x86: {  	[spmem:s2] =	stream.indirect.scatter.add.f32 [tilespmem:s18], [sflag:$0x8], $0x40, s19, s14, $0xb8;
	[tilespmem:$0x14E60] =	vst v63  }
0x87: {  	_ =	swait.ge [sflag:s28], $0x1400  }
0x88: {  	[sflag:s28] =	ssyncset.done $0x0  }
0x89: {  	s17 =	simm.s32 $0x4D80;
	[sflag:s28] =	ssyncadd.s32 $0xFFFFEC00  }
0x8a: {  	[spmem:s2] =	stream.indirect.scatter.add.f32 [tilespmem:s20], [sflag:$0x9], $0x40, s17, s14, $0xb8;
	[tilespmem:$0x14E60] =	vst v63  }
0x8b: {  	_ =	swait.ge [sflag:s29], $0x1400  }
0x8c: {  	[sflag:s29] =	ssyncset.done $0x0  }
0x8d: {  	s19 =	simm.s32 $0x4DD0;
	[sflag:s29] =	ssyncadd.s32 $0xFFFFEC00  }
0x8e: {  	[spmem:s2] =	stream.indirect.scatter.add.f32 [tilespmem:s22], [sflag:$0xA], $0x40, s19, s14, $0xb8;
	[tilespmem:$0x14E60] =	vst v63  }
0x8f: {  	_ =	swait.ge [sflag:s30], $0x1400  }
0x90: {  	[sflag:s30] =	ssyncset.done $0x0  }
0x91: {  	[sflag:s30] =	ssyncadd.s32 $0xFFFFEC00  }
0x92: {  	_ =	swait.ge [sflag:s31], $0x1400  }
0x93: {  	[sflag:s31] =	ssyncset.done $0x0  }
0x94: {  	[sflag:s31] =	ssyncadd.s32 $0xFFFFEC00  }
0x95: {  	_ =	swait.ge [sflag:s1], $0x1400  }
0x96: {  	[sflag:s1] =	ssyncset.done $0x0  }
0x97: {  	[sflag:s1] =	ssyncadd.s32 $0xFFFFEC00  }
0x98: {  	_ =	swait.ge [sflag:s0], $0x1400  }
0x99: {  	[sflag:s0] =	ssyncset.done $0x0  }
0x9a: {  	[sflag:s0] =	ssyncadd.s32 $0xFFFFEC00  }
0x9b: {  	_ =	swait.ge [sflag:s11], $0x1400  }
0x9c: {  	s21 =	sadd.s32 $0x1, s21;
	[sflag:s11] =	ssyncset.done $0x0  }
0x9d: {  	p1 =	sne.s32 s21, s9;
	[sflag:s11] =	ssyncadd.s32 $0xFFFFEC00  }
.Ltmp1:
0x9e: {  	s5 =	simm.s32 @!p0 $0xB;
	[bflag:$0x0] =	sbarrier.arrive $0xFFFF;
	(pc) =	sbr.rel @p1 .LBB2_1-.Ltmp1, $4  }
0x9f: {  	[hbm:s8], [sflag:s12] =	dma.local @!p0 [spmem:s25], $0x1F40  }
0xa0: {  	_ =	swait.ge @!p0 [sflag:s5], $0x1F40  }
0xa1: {  	[sflag:s5] =	ssyncset.done @!p0 $0x0  }
0xa2: {  	[sflag:s5] =	ssyncadd.s32 @!p0 $0xFFFFE0C0  }
0xa3: {  	_ =	sfence.sel $0x180000  }
0xa4: {  	[bflag:$0x0] =	sbarrier.arrive $0xFFFF  }
0xa5: {  	_ =	strace $0x9000004A  }
0xa6: {  	s0 =	stileid.u32;
	[bflag:$0x2] =	sbarrier.arrive $0xFFFF  }
0xa7: {  	p0 =	sne.s32 s0, $0x0;
	s0 =	rddreg [dreg:$0x2]  }
0xa8: {  	s0 =	sadd.s32 @!p0 $0x100000, s0  }
0xa9: {  	[sflag:s0] =	ssyncadd.tile.s32 @!p0 $0x1;
	_ =	shalt  }
.Lfunc_end2:
_tile_overlayer_lowered:
.L_overlay_start_2:
0xaa: {  	(tag) =	ssettag $0x2  }
0xab: {  	s0 =	rddreg [dreg:$0x0];
	s2 =	stileid.u32  }
0xac: {  	s1 =	rddreg [dreg:$0x1];
	p0 =	sne.s32 s2, $0x0  }
0xad: {  	s3 =	rddreg [dreg:$0x2];
	[bflag:$0x3] =	sbarrier.arrive $0xFFFF;
	s2 =	simm.s32 @!p0 $0x1C0B  }
0xae: {  	[timem:s3], [sflag:s2] =	dma.local @!p0 [hbm:s0], s1  }
0xaf: {  	s0 =	simm.s32 @!p0 $0xB  }
0xb0: {  	_ =	swait.ge @!p0 [sflag:s0], s1  }
0xb1: {  	s1 =	ssub.s32 @!p0 $0x0, s1;
	[sflag:s0] =	ssyncset.done @!p0 $0x0  }
0xb2: {  	[sflag:s0] =	ssyncadd.s32 @!p0 s1  }
0xb3: {  	[bflag:$0x3] =	sbarrier.arrive $0xFFFF  }
0xb4: {  	_ =	shalt  }

// kernel: kernel.14.cloned.1.call-start
scs
__scs_entry_jumppad:
0x0: {  	(pc) =	sbr.rel $0x88, $3  }
0x1: {  	(tag) =	ssettag $0x0;
	lr =	simm.s32 $0x1  }
0x2: {  	[smem:$0x3F9B] =	sst lr;
	_ =	strace $0xD0000000  }
0x3: {  	_ = 	snop  }
0x4: {  	_ = 	snop  }
0x5: {  	_ = 	snop  }
0x6: {  	_ = 	snop  }
0x7: {  	_ = 	snop  }
__scs_overlays_trampoline_lowered:
0x8: {  	[smem:$0x3FAA] =	sst s0  }
0x9: {  	[smem:$0x3FAB] =	sst s1  }
0xa: {  	[smem:$0x3FAC] =	sst s2  }
0xb: {  	[smem:$0x3FAD] =	sst s3  }
0xc: {  	[smem:$0x3FAE] =	sst s4  }
0xd: {  	[smem:$0x3FAF] =	sst s5  }
0xe: {  	[smem:$0x3FB0] =	sst s6  }
0xf: {  	[smem:$0x3FB1] =	sst s7  }
0x10: {  	[smem:$0x3FB2] =	sst s8  }
0x11: {  	[smem:$0x3FB3] =	sst s9;
	s0 =	simm.s32 @!p0 $0x0  }
0x12: {  	s1 =	sld [smem:$0x3F99];
	s0 =	simm.s32 @p0 $0x1  }
0x13: {  	[smem:$0x3FB4] =	sst s0;
	s0 =	simm.s32 @!p1 $0x0  }
0x14: {  	s2 =	sld [smem:$0x3F98];
	s0 =	simm.s32 @p1 $0x1  }
0x15: {  	[smem:$0x3FB5] =	sst s0;
	s0 =	simm.s32 @!p2 $0x0  }
0x16: {  	s3 =	sld [smem:$0x3FDB];
	s0 =	simm.s32 @p2 $0x1  }
0x17: {  	s4 =	simm.s32 $0x1BF5;
	[smem:$0x3FB7] =	sst s0  }
0x18: {  	s0 =	sld [smem:$0x3F9A];
	_ =	swait.ge [sflag:s4], $0x0  }
0x19: {  	s7 =	sld [smem:$0x3F9B]  }
0x1a: {  	s8 =	sadd.s32 $0xFFFFE003, lr  }
0x1b: {  	s9 =	sadd.s32 $0xFFFFFEF7, lr;
	s5 =	simm.s32 $0xFFFFFFFF;
	p2 =	slt.u32 s8, $0xFFFFF086  }
0x1c: {  	p1 =	slt.u32 s9, $0xF7A;
	s5 =	simm.s32 @!p2 $0x0  }
0x1d: {  	s5 =	simm.s32 @p1 $0x1;
	p0 =	seq.s32 s7, s2  }
0x1e: {  	s7 =	smul.u32 @!p0 $0xF7A, s2;
	p2 =	seq.s32 @!p0 s5, $0x0  }
0x1f: {  	s9 =	smul.u32 $0xF7A, s1;
	s8 =	simm.s32 @!p0 $0x1BF5;
	p2 =	por !p2, p0  }
0x20: {  	[sflag:s8] =	ssyncset.s32 @!p0 $0xFFFFF086;
	s6 =	sadd.s32 @!p0 s3, s7;
	s7 =	simm.s32 @!p0 $0x108  }
0x21: {  	s3 =	sadd.s32 s3, s9;
	s6 =	sadd.s32 @!p0 $0x88, s6;
	s7 =	simm.s32 @p2 $0x1082  }
0x22: {  	[simem:s7], [sflag:s8] =	dma.local @!p0 [hbm:s6], $0xF7A  }
0x23: {  	s9 =	sor.u32 $0xD0000000, s2;
	s6 =	simm.s32 $0x108;
	_ =	swait.ge @!p0 [sflag:s8], $0x0  }
0x24: {  	s3 =	sadd.s32 $0x88, s3;
	s6 =	simm.s32 @!p1 $0x1082;
	[sflag:s4] =	ssyncset.s32 $0xFFFFF086  }
0x25: {  	[simem:s6], [sflag:s4] =	dma.local [hbm:s3], $0xF7A  }
0x26: {  	[smem:$0x3F9B] =	sst s1;
	(tag) =	ssettag s2;
	_ =	strace s9  }
0x27: {  	s1 =	sld [smem:$0x3FAB]  }
0x28: {  	s2 =	sld [smem:$0x3FAC]  }
0x29: {  	s4 =	sld [smem:$0x3FAE]  }
0x2a: {  	p0 =	seq.s32 s5, $0x0;
	s5 =	sld [smem:$0x3FAF]  }
0x2b: {  	s6 =	sld [smem:$0x3FB0]  }
0x2c: {  	s7 =	sld [smem:$0x3FB1]  }
0x2d: {  	s3 =	simm.s32 $0x108;
	s8 =	sld [smem:$0x3FB2]  }
0x2e: {  	s3 =	simm.s32 @!p0 $0x1082;
	s9 =	sld [smem:$0x3FB3]  }
0x2f: {  	lr =	sadd.s32 s0, s3;
	s0 =	sld [smem:$0x3FAA]  }
0x30: {  	s3 =	sld [smem:$0x3FAD]  }
0x31: {  	[smem:$0x3FB6] =	sst s10  }
0x32: {  	s10 =	sld [smem:$0x3FB4];
	_ =	sdelay $0x3  }
0x33: {  	p0 =	seq.s32 s10, $0x1;
	s10 =	sld [smem:$0x3FB6];
	_ =	sdelay $0x3  }
0x34: {  	[smem:$0x3FB6] =	sst s10  }
0x35: {  	s10 =	sld [smem:$0x3FB5];
	_ =	sdelay $0x3  }
0x36: {  	p1 =	seq.s32 s10, $0x1;
	s10 =	sld [smem:$0x3FB6];
	_ =	sdelay $0x3  }
0x37: {  	[smem:$0x3FB6] =	sst s10  }
0x38: {  	s10 =	sld [smem:$0x3FB7]  }
0x39: {  	_ = 	snop;
	(pc) =	sbr.ind lr, $3  }
0x3a: {  	_ = 	snop  }
0x3b: {  	_ = 	snop  }
0x3c: {  	p2 =	seq.s32 s10, $0x1;
	s10 =	sld [smem:$0x3FB6]  }
0x3d: {  	_ =	shalt  }
0x3e: {  	_ =	shalt  }
0x3f: {  	_ =	shalt  }
0x40: {  	_ =	shalt  }
0x41: {  	_ =	shalt  }
0x42: {  	_ =	shalt  }
0x43: {  	_ =	shalt  }
0x44: {  	_ =	shalt  }
0x45: {  	_ =	shalt  }
0x46: {  	_ =	shalt  }
0x47: {  	_ =	shalt  }
0x48: {  	_ =	shalt  }
0x49: {  	_ =	shalt  }
0x4a: {  	_ =	shalt  }
0x4b: {  	_ =	shalt  }
0x4c: {  	_ =	shalt  }
0x4d: {  	_ =	shalt  }
0x4e: {  	_ =	shalt  }
0x4f: {  	_ =	shalt  }
0x50: {  	_ =	shalt  }
0x51: {  	_ =	shalt  }
0x52: {  	_ =	shalt  }
0x53: {  	_ =	shalt  }
0x54: {  	_ =	shalt  }
0x55: {  	_ =	shalt  }
0x56: {  	_ =	shalt  }
0x57: {  	_ =	shalt  }
0x58: {  	_ =	shalt  }
0x59: {  	_ =	shalt  }
0x5a: {  	_ =	shalt  }
0x5b: {  	_ =	shalt  }
0x5c: {  	_ =	shalt  }
0x5d: {  	_ =	shalt  }
0x5e: {  	_ =	shalt  }
0x5f: {  	_ =	shalt  }
0x60: {  	_ =	shalt  }
0x61: {  	_ =	shalt  }
0x62: {  	_ =	shalt  }
0x63: {  	_ =	shalt  }
0x64: {  	_ =	shalt  }
0x65: {  	_ =	shalt  }
0x66: {  	_ =	shalt  }
0x67: {  	_ =	shalt  }
0x68: {  	_ =	shalt  }
0x69: {  	_ =	shalt  }
0x6a: {  	_ =	shalt  }
0x6b: {  	_ =	shalt  }
0x6c: {  	_ =	shalt  }
0x6d: {  	_ =	shalt  }
0x6e: {  	_ =	shalt  }
0x6f: {  	_ =	shalt  }
0x70: {  	_ =	shalt  }
0x71: {  	_ =	shalt  }
0x72: {  	_ =	shalt  }
0x73: {  	_ =	shalt  }
0x74: {  	_ =	shalt  }
0x75: {  	_ =	shalt  }
0x76: {  	_ =	shalt  }
0x77: {  	_ =	shalt  }
0x78: {  	_ =	shalt  }
0x79: {  	_ =	shalt  }
0x7a: {  	_ =	shalt  }
0x7b: {  	_ =	shalt  }
0x7c: {  	_ =	shalt  }
0x7d: {  	_ =	shalt  }
0x7e: {  	_ =	shalt  }
0x7f: {  	_ =	shalt  }
0x80: {  	_ =	shalt  }
0x81: {  	_ =	shalt  }
0x82: {  	_ =	shalt  }
0x83: {  	_ =	shalt  }
0x84: {  	_ =	shalt  }
0x85: {  	_ =	shalt  }
0x86: {  	_ =	shalt  }
0x87: {  	_ =	shalt  }
.Lfunc_end0:
.L_simem_size_0:
called_computation.2_lowered:
.L_overlay_start_0:
0x88: {  	s2 =	sld [smem:$0x3FD9]  }
0x89: {  	s3 =	sld [smem:$0x3FFE];
	_ =	sdelay $0x1  }
0x8a: {  	s1 =	srdreg.scid  }
0x8b: {  	s0 =	sand.u32 $0x1, s1  }
0x8c: {  	s17 =	sshll.u32 s0, $0xA;
	s2 =	sadd.s32 s3, s2  }
0x8d: {  	s2 =	sadd.s32 s2, s17  }
0x8e: {  	[smem:$0x3FC2] =	sst s2  }
0x8f: {  	_ = 	snop  }
0x90: {  	s2 =	sld [smem:$0x3FD0];
	(tm) =	ssettm $0x1  }
0x91: {  	s18 =	sld [smem:$0x3FFB];
	_ =	sdelay $0x3  }
0x92: {  	_ =	strace s18  }
0x93: {  	s3 =	sld [smem:$0x3FFC];
	_ =	sdelay $0x3  }
0x94: {  	_ =	strace s3  }
0x95: {  	s3 =	sld [smem:$0x3FFD];
	_ =	sdelay $0x3  }
0x96: {  	_ =	strace s3  }
0x97: {  	_ =	strace $0x8FFFFFFF  }
0x98: {  	s19 =	sld [smem:$0x3FDB];
	_ =	sdelay $0x1  }
0x99: {  	s4 =	simm.s32 $_scs_section_size  }
0x9a: {  	s5 =	simm.s32 $_size__tile_overlayer_lowered;
	s6 =	simm.s32 $_tile_overlayer_lowered  }
0x9b: {  	s22 =	simm.s32 $0x1BFF;
	s21 =	sshll.u32 s6, $0x1;
	s3 =	sadd.s32 s4, s19  }
0x9c: {  	s7 =	simm.s32 $0x0;
	s20 =	sshll.u32 s5, $0x1;
	s5 =	sadd.s32 s21, s3  }
0x9d: {  	[timem:s7], [sflag:s22] =	dma.local [hbm:s5], s20  }
0x9e: {  	_ =	swait.ge [sflag:s22], s20  }
0x9f: {  	s4 =	ssub.s32 $0x0, s20;
	[sflag:s22] =	ssyncset.done $0x0  }
0xa0: {  	[sflag:s22] =	ssyncadd.s32 s4;
	_ =	sdelay $0x1  }
0xa1: {  	s23 =	simm.s32 $0x1B8B  }
0xa2: {  	_ =	swait.ge [sflag:s23], $0x1  }
0xa3: {  	[sflag:s23] =	ssyncset.done $0x0  }
0xa4: {  	s25 =	simm.s32 $0x1B8E;
	s24 =	sld [smem:$0x3FFE];
	[sflag:s23] =	ssyncadd.s32 $0xFFFFFFFF  }
0xa5: {  	s26 =	simm.s32 $execute0_lowered;
	[smem:$0x3FD2] =	sst s25  }
0xa6: {  	s5 =	sshll.u32 s26, $0x1;
	_ =	strace $0x8000004C;
	[dreg:$0x1] =	wrdreg $0xFFFFFFFF  }
0xa7: {  	s28 =	simm.s32 $_size_execute0_lowered;
	s3 =	sadd.s32 s3, s5;
	[dreg:$0x0] =	wrdreg $0x0  }
0xa8: {  	s5 =	sshll.u32 s28, $0x1;
	[dreg:$0x2] =	wrdreg s3  }
0xa9: {  	[dreg:$0x3] =	wrdreg s5  }
0xaa: {  	[dreg:$0x4] =	wrdreg $0xC0  }
0xab: {  	_ =	task [dreg:s7], $0x5FFFF  }
0xac: {  	[dreg:$0x1] =	wrdreg $0xFFFFFFFF  }
0xad: {  	[dreg:$0x0] =	wrdreg $0x60  }
0xae: {  	[dreg:$0x2] =	wrdreg s2  }
0xaf: {  	[dreg:$0x3] =	wrdreg s24  }
0xb0: {  	[dreg:$0x4] =	wrdreg $0x80200  }
0xb1: {  	[dreg:$0x5] =	wrdreg $0x9  }
0xb2: {  	_ =	task.clear_ibuf [dreg:s7], $0x6FFFF;
	_ =	strace $0x9000004C  }
0xb3: {  	s29 =	simm.s32 $0x9;
	_ =	strace $0x8000004E  }
0xb4: {  	_ =	swait.ge [sflag:s29], $0x1  }
0xb5: {  	[sflag:s29] =	ssyncadd.s32 $0xFFFFFFFF  }
0xb6: {  	_ =	strace $0x9000004E  }
0xb7: {  	_ =	sfence  }
0xb8: {  	s30 =	sld [smem:$0x0];
	_ =	sdelay $0x2  }
0xb9: {  	s31 =	sshll.u32 s1, $0xD;
	s1 =	sshrl.u32 s1, $0x2  }
0xba: {  	s3 =	sand.u32 $0x4000, s31;
	s1 =	sadd.s32 s1, s30  }
0xbb: {  	s0 =	sor.u32 s3, s0;
	s1 =	sshll.u32 s1, $0x11  }
0xbc: {  	s0 =	sor.u32 s1, s0  }
0xbd: {  	s0 =	sadd.s32 $0x8F2B, s0  }
0xbe: {  	[sflag:s0] =	ssyncadd.remote.s32 $0x1  }
0xbf: {  	_ =	sfence.sel $0xFFFF  }
0xc0: {  	[dreg:$0x0] =	wrdreg $0xFFFFFFFF;
	(pc) =	sbr.abs _section_cstart, $3  }
0xc1: {  	[dreg:$0x1] =	wrdreg $0xFFFFFFFF  }
0xc2: {  	_ =	task.clear_ibuf [dreg:s7], $0x2FFFF;
	_ =	strace $0x9FFFFFFF  }
0xc3: {  	(tm) =	ssettm $0x7FFFFFFF  }
tec
execute0_lowered:
.L_overlay_start_1:
0x0: {  	(tag) =	ssettag $0x1  }
0x1: {  	s0 =	srdreg.scid;
	s1 =	rddreg [dreg:$0x0]  }
0x2: {  	s12 =	stileid.u32;
	s6 =	rddreg [dreg:$0x1]  }
0x3: {  	s3 =	rddreg [dreg:$0x2];
	s4 =	simm.s32 $0x0;
	s14 =	simm.s32 $0x50  }
0x4: {  	s15 =	simm.s32 $0x4E20;
	s16 =	simm.s32 $0x5820;
	s18 =	simm.s32 $0x6220  }
0x5: {  	s20 =	simm.s32 $0x6C20;
	s22 =	simm.s32 $0x7620;
	s23 =	simm.s32 $0x1  }
0x6: {  	s24 =	simm.s32 $0x2;
	s28 =	simm.s32 $0x4;
	s29 =	simm.s32 $0x5  }
0x7: {  	s30 =	simm.s32 $0x6;
	s31 =	simm.s32 $0x7;
	s21 =	simm.s32 $0x0  }
0x8: {  	s0 =	sand.u32 $0x1, s0;
	s2 =	sshll.u32 s12, $0x1;
	s9 =	smul.u32 $0x7D00, s12  }
0x9: {  	[smem:$0x7FF] =	sst s4;
	s10 =	smul.u32 $0x1F400, s12;
	s25 =	sadd.s32 $0x15E00, s6  }
0xa: {  	p0 =	sgt.u32 s12, $0x9;
	s2 =	sor.u32 s0, s2;
	s5 =	smul.u32 $0x4E200, s0  }
0xb: {  	_ =	strace $0x8000004D;
	s0 =	ssub.s32 $0x2, s0;
	s2 =	smul.u32 $0x2710, s2  }
0xc: {  	[dreg:$0x4] =	wrdreg s25;
	s8 =	sshrl.u32 s0, $0x1;
	s26 =	sshrl.u32 s10, $0x2  }
0xd: {  	s10 =	simm.s32 $0xB;
	s5 =	sadd.s32 s9, s5;
	s2 =	sshrl.u32 s2, $0x3  }
0xe: {  	s0 =	ssub.s32 s0, s8;
	s7 =	sshrl.u32 s5, $0x3;
	s2 =	sadd.s32 s2, s6  }
0xf: {  	s11 =	sadd.s32 s7, s6;
	s6 =	sadd.s32 $0x2400, s2;
	s7 =	sadd.s32 $0xC040, s2  }
0x10: {  	s2 =	sadd.s32 s26, s3;
	s8 =	sadd.s32 $0x16E00, s11;
	s11 =	sadd.s32 s9, s3  }
0x11: {  	s9 =	smax.u32 s0, $0x1;
	s0 =	sshll.u32 @!p0 s12, $0x6;
	s26 =	simm.s32 $0x3  }
0x12: {  	s12 =	sor.u32 @!p0 $0x1C0B, s0;
	s13 =	sshrl.u32 @!p0 s2, $0x3;
	s25 =	sshrl.u32 @!p0 s11, $0x3  }
0x13: {  	s2 =	simm.s32 $0x8;
	s0 =	simm.s32 $0x9;
	s11 =	simm.s32 $0xA  }
.LBB2_1:
0x14: {  	[tilespmem:s4], [sflag:$0xB] =	stream.linear.gather [hbm4b:s6+s4], $0x2710, $0x38;
	[tilespmem:$0xCE40] =	vst v63  }
0x15: {  	_ =	swait.ge [sflag:s10], $0x2710  }
0x16: {  	[sflag:s10] =	ssyncset.done $0x0  }
0x17: {  	s5 =	simm.s32 $0x2710;
	[sflag:s10] =	ssyncadd.s32 $0xFFFFD8F0  }
0x18: {  	[tilespmem:s5], [sflag:$0xB] =	stream.linear.gather [hbm4b:s7+s4], $0x2710, $0x38;
	[tilespmem:$0xCE40] =	vst v63  }
0x19: {  	_ =	swait.ge [sflag:s10], $0x2710  }
0x1a: {  	[sflag:s10] =	ssyncset.done $0x0  }
0x1b: {  	s17 =	simm.s32 @!p0 $0xB;
	s5 =	rddreg [dreg:$0x4];
	[sflag:s10] =	ssyncadd.s32 $0xFFFFD8F0  }
0x1c: {  	[spmem:s13], [sflag:s12] =	dma.local @!p0 [hbm:s5], $0xFA0  }
0x1d: {  	_ =	swait.ge @!p0 [sflag:s17], $0xFA0  }
0x1e: {  	[sflag:s17] =	ssyncset.done @!p0 $0x0  }
0x1f: {  	[sflag:s17] =	ssyncadd.s32 @!p0 $0xFFFFF060  }
0x20: {  	[bflag:$0x0] =	sbarrier.arrive $0xFFFF  }
0x21: {  	[tilespmem:s15], [sflag:$0x1] =	stream.indirect.gather [hbm4b:s1+s14], $0x20, s4, s14, $0xb8;
	[tilespmem:$0xCE40] =	vst v63  }
0x22: {  	_ = 	snop  }
0x23: {  	[tilespmem:s16], [sflag:$0x2] =	stream.indirect.gather [hbm4b:s1+s14], $0x20, s14, s14, $0xb8;
	[tilespmem:$0xCE40] =	vst v63  }
0x24: {  	s17 =	simm.s32 $0xA0  }
0x25: {  	[tilespmem:s18], [sflag:$0x3] =	stream.indirect.gather [hbm4b:s1+s14], $0x20, s17, s14, $0xb8;
	[tilespmem:$0xCE40] =	vst v63  }
0x26: {  	s19 =	simm.s32 $0xF0  }
0x27: {  	[tilespmem:s20], [sflag:$0x4] =	stream.indirect.gather [hbm4b:s1+s14], $0x20, s19, s14, $0xb8;
	[tilespmem:$0xCE40] =	vst v63  }
0x28: {  	s17 =	simm.s32 $0x140  }
0x29: {  	[tilespmem:s22], [sflag:$0x5] =	stream.indirect.gather [hbm4b:s1+s14], $0x20, s17, s14, $0xb8;
	[tilespmem:$0xCE40] =	vst v63  }
0x2a: {  	_ =	swait.ge [sflag:s23], $0xA00  }
0x2b: {  	[sflag:s23] =	ssyncset.done $0x0  }
0x2c: {  	s19 =	simm.s32 $0x2710;
	[sflag:s23] =	ssyncadd.s32 $0xFFFFF600  }
0x2d: {  	[spmem:s3] =	stream.indirect.scatter.add.f32 [tilespmem:s15], [sflag:$0x6], $0x20, s19, s14, $0xb8;
	[tilespmem:$0xCE40] =	vst v63  }
0x2e: {  	_ =	swait.ge [sflag:s24], $0xA00  }
0x2f: {  	[sflag:s24] =	ssyncset.done $0x0  }
0x30: {  	s5 =	simm.s32 $0x2760;
	[sflag:s24] =	ssyncadd.s32 $0xFFFFF600  }
0x31: {  	[spmem:s3] =	stream.indirect.scatter.add.f32 [tilespmem:s16], [sflag:$0x7], $0x20, s5, s14, $0xb8;
	[tilespmem:$0xCE40] =	vst v63  }
0x32: {  	_ =	swait.ge [sflag:s26], $0xA00  }
0x33: {  	[sflag:s26] =	ssyncset.done $0x0  }
0x34: {  	s19 =	simm.s32 $0x27B0;
	[sflag:s26] =	ssyncadd.s32 $0xFFFFF600  }
0x35: {  	[spmem:s3] =	stream.indirect.scatter.add.f32 [tilespmem:s18], [sflag:$0x8], $0x20, s19, s14, $0xb8;
	[tilespmem:$0xCE40] =	vst v63  }
0x36: {  	_ =	swait.ge [sflag:s28], $0xA00  }
0x37: {  	[sflag:s28] =	ssyncset.done $0x0  }
0x38: {  	s5 =	simm.s32 $0x2800;
	[sflag:s28] =	ssyncadd.s32 $0xFFFFF600  }
0x39: {  	[spmem:s3] =	stream.indirect.scatter.add.f32 [tilespmem:s20], [sflag:$0x9], $0x20, s5, s14, $0xb8;
	[tilespmem:$0xCE40] =	vst v63  }
0x3a: {  	_ =	swait.ge [sflag:s29], $0xA00  }
0x3b: {  	[sflag:s29] =	ssyncset.done $0x0  }
0x3c: {  	s19 =	simm.s32 $0x2850;
	[sflag:s29] =	ssyncadd.s32 $0xFFFFF600  }
0x3d: {  	[spmem:s3] =	stream.indirect.scatter.add.f32 [tilespmem:s22], [sflag:$0xA], $0x20, s19, s14, $0xb8;
	[tilespmem:$0xCE40] =	vst v63  }
0x3e: {  	_ =	swait.ge [sflag:s30], $0xA00  }
0x3f: {  	[sflag:s30] =	ssyncset.done $0x0  }
0x40: {  	s5 =	simm.s32 $0x190;
	[sflag:s30] =	ssyncadd.s32 $0xFFFFF600  }
0x41: {  	[tilespmem:s15], [sflag:$0x1] =	stream.indirect.gather [hbm4b:s1+s14], $0x20, s5, s14, $0xb8;
	[tilespmem:$0xCE40] =	vst v63  }
0x42: {  	_ =	swait.ge [sflag:s31], $0xA00  }
0x43: {  	[sflag:s31] =	ssyncset.done $0x0  }
0x44: {  	s19 =	simm.s32 $0x1E0;
	[sflag:s31] =	ssyncadd.s32 $0xFFFFF600  }
0x45: {  	[tilespmem:s16], [sflag:$0x2] =	stream.indirect.gather [hbm4b:s1+s14], $0x20, s19, s14, $0xb8;
	[tilespmem:$0xCE40] =	vst v63  }
0x46: {  	_ =	swait.ge [sflag:s2], $0xA00  }
0x47: {  	[sflag:s2] =	ssyncset.done $0x0  }
0x48: {  	s5 =	simm.s32 $0x230;
	[sflag:s2] =	ssyncadd.s32 $0xFFFFF600  }
0x49: {  	[tilespmem:s18], [sflag:$0x3] =	stream.indirect.gather [hbm4b:s1+s14], $0x20, s5, s14, $0xb8;
	[tilespmem:$0xCE40] =	vst v63  }
0x4a: {  	_ =	swait.ge [sflag:s0], $0xA00  }
0x4b: {  	[sflag:s0] =	ssyncset.done $0x0  }
0x4c: {  	s19 =	simm.s32 $0x280;
	[sflag:s0] =	ssyncadd.s32 $0xFFFFF600  }
0x4d: {  	[tilespmem:s20], [sflag:$0x4] =	stream.indirect.gather [hbm4b:s1+s14], $0x20, s19, s14, $0xb8;
	[tilespmem:$0xCE40] =	vst v63  }
0x4e: {  	_ =	swait.ge [sflag:s11], $0xA00  }
0x4f: {  	[sflag:s11] =	ssyncset.done $0x0  }
0x50: {  	s17 =	simm.s32 $0x640;
	s19 =	simm.s32 $0x2D0;
	[sflag:s11] =	ssyncadd.s32 $0xFFFFF600  }
.LBB2_2:
0x51: {  	[tilespmem:s22], [sflag:$0x5] =	stream.indirect.gather [hbm4b:s1+s14], $0x20, s19, s14, $0xb8;
	[tilespmem:$0xCE40] =	vst v63  }
0x52: {  	s19 =	smov.u32 s17  }
0x53: {  	p1 =	sne.s32 s17, $0x8FC0;
	s17 =	sadd.s32 $0x640, s17;
	_ =	swait.ge [sflag:s23], $0xA00  }
0x54: {  	s19 =	sshra.s32 s19, $0x2;
	[sflag:s23] =	ssyncset.done $0x0  }
0x55: {  	s5 =	sadd.s32 $0x2710, s19;
	[sflag:s23] =	ssyncadd.s32 $0xFFFFF600  }
0x56: {  	[spmem:s3] =	stream.indirect.scatter.add.f32 [tilespmem:s15], [sflag:$0x6], $0x20, s5, s14, $0xb8;
	[tilespmem:$0xCE40] =	vst v63  }
0x57: {  	_ =	swait.ge [sflag:s24], $0xA00  }
0x58: {  	[sflag:s24] =	ssyncset.done $0x0  }
0x59: {  	s5 =	sadd.s32 $0x2760, s19;
	[sflag:s24] =	ssyncadd.s32 $0xFFFFF600  }
0x5a: {  	[spmem:s3] =	stream.indirect.scatter.add.f32 [tilespmem:s16], [sflag:$0x7], $0x20, s5, s14, $0xb8;
	[tilespmem:$0xCE40] =	vst v63  }
0x5b: {  	_ =	swait.ge [sflag:s26], $0xA00  }
0x5c: {  	[sflag:s26] =	ssyncset.done $0x0  }
0x5d: {  	s5 =	sadd.s32 $0x27B0, s19;
	[sflag:s26] =	ssyncadd.s32 $0xFFFFF600  }
0x5e: {  	[spmem:s3] =	stream.indirect.scatter.add.f32 [tilespmem:s18], [sflag:$0x8], $0x20, s5, s14, $0xb8;
	[tilespmem:$0xCE40] =	vst v63  }
0x5f: {  	_ =	swait.ge [sflag:s28], $0xA00  }
0x60: {  	[sflag:s28] =	ssyncset.done $0x0  }
0x61: {  	s5 =	sadd.s32 $0x2800, s19;
	[sflag:s28] =	ssyncadd.s32 $0xFFFFF600  }
0x62: {  	[spmem:s3] =	stream.indirect.scatter.add.f32 [tilespmem:s20], [sflag:$0x9], $0x20, s5, s14, $0xb8;
	[tilespmem:$0xCE40] =	vst v63  }
0x63: {  	_ =	swait.ge [sflag:s29], $0xA00  }
0x64: {  	[sflag:s29] =	ssyncset.done $0x0  }
0x65: {  	s5 =	sadd.s32 $0x2850, s19;
	[sflag:s29] =	ssyncadd.s32 $0xFFFFF600  }
0x66: {  	[spmem:s3] =	stream.indirect.scatter.add.f32 [tilespmem:s22], [sflag:$0xA], $0x20, s5, s14, $0xb8;
	[tilespmem:$0xCE40] =	vst v63  }
0x67: {  	_ =	swait.ge [sflag:s30], $0xA00  }
0x68: {  	[sflag:s30] =	ssyncset.done $0x0  }
0x69: {  	s5 =	sadd.s32 $0x190, s19;
	[sflag:s30] =	ssyncadd.s32 $0xFFFFF600  }
0x6a: {  	[tilespmem:s15], [sflag:$0x1] =	stream.indirect.gather [hbm4b:s1+s14], $0x20, s5, s14, $0xb8;
	[tilespmem:$0xCE40] =	vst v63  }
0x6b: {  	_ =	swait.ge [sflag:s31], $0xA00  }
0x6c: {  	[sflag:s31] =	ssyncset.done $0x0  }
0x6d: {  	s5 =	sadd.s32 $0x1E0, s19;
	[sflag:s31] =	ssyncadd.s32 $0xFFFFF600  }
0x6e: {  	[tilespmem:s16], [sflag:$0x2] =	stream.indirect.gather [hbm4b:s1+s14], $0x20, s5, s14, $0xb8;
	[tilespmem:$0xCE40] =	vst v63  }
0x6f: {  	_ =	swait.ge [sflag:s2], $0xA00  }
0x70: {  	[sflag:s2] =	ssyncset.done $0x0  }
0x71: {  	s5 =	sadd.s32 $0x230, s19;
	[sflag:s2] =	ssyncadd.s32 $0xFFFFF600  }
0x72: {  	[tilespmem:s18], [sflag:$0x3] =	stream.indirect.gather [hbm4b:s1+s14], $0x20, s5, s14, $0xb8;
	[tilespmem:$0xCE40] =	vst v63  }
0x73: {  	_ =	swait.ge [sflag:s0], $0xA00  }
0x74: {  	[sflag:s0] =	ssyncset.done $0x0  }
.Ltmp0:
0x75: {  	s5 =	sadd.s32 $0x280, s19;
	[sflag:s0] =	ssyncadd.s32 $0xFFFFF600;
	(pc) =	sbr.rel @p1 .LBB2_2-.Ltmp0, $4  }
0x76: {  	[tilespmem:s20], [sflag:$0x4] =	stream.indirect.gather [hbm4b:s1+s14], $0x20, s5, s14, $0xb8;
	[tilespmem:$0xCE40] =	vst v63  }
0x77: {  	_ =	swait.ge [sflag:s11], $0xA00  }
0x78: {  	[sflag:s11] =	ssyncset.done $0x0  }
0x79: {  	s19 =	sadd.s32 $0x2D0, s19;
	[sflag:s11] =	ssyncadd.s32 $0xFFFFF600  }
0x7a: {  	[tilespmem:s22], [sflag:$0x5] =	stream.indirect.gather [hbm4b:s1+s14], $0x20, s19, s14, $0xb8;
	[tilespmem:$0xCE40] =	vst v63  }
0x7b: {  	_ =	swait.ge [sflag:s23], $0xA00  }
0x7c: {  	[sflag:s23] =	ssyncset.done $0x0  }
0x7d: {  	s5 =	simm.s32 $0x4C90;
	[sflag:s23] =	ssyncadd.s32 $0xFFFFF600  }
0x7e: {  	[spmem:s3] =	stream.indirect.scatter.add.f32 [tilespmem:s15], [sflag:$0x6], $0x20, s5, s14, $0xb8;
	[tilespmem:$0xCE40] =	vst v63  }
0x7f: {  	_ =	swait.ge [sflag:s24], $0xA00  }
0x80: {  	[sflag:s24] =	ssyncset.done $0x0  }
0x81: {  	s17 =	simm.s32 $0x4CE0;
	[sflag:s24] =	ssyncadd.s32 $0xFFFFF600  }
0x82: {  	[spmem:s3] =	stream.indirect.scatter.add.f32 [tilespmem:s16], [sflag:$0x7], $0x20, s17, s14, $0xb8;
	[tilespmem:$0xCE40] =	vst v63  }
0x83: {  	_ =	swait.ge [sflag:s26], $0xA00  }
0x84: {  	[sflag:s26] =	ssyncset.done $0x0  }
0x85: {  	s19 =	simm.s32 $0x4D30;
	[sflag:s26] =	ssyncadd.s32 $0xFFFFF600  }
0x86: {  	[spmem:s3] =	stream.indirect.scatter.add.f32 [tilespmem:s18], [sflag:$0x8], $0x20, s19, s14, $0xb8;
	[tilespmem:$0xCE40] =	vst v63  }
0x87: {  	_ =	swait.ge [sflag:s28], $0xA00  }
0x88: {  	[sflag:s28] =	ssyncset.done $0x0  }
0x89: {  	s17 =	simm.s32 $0x4D80;
	[sflag:s28] =	ssyncadd.s32 $0xFFFFF600  }
0x8a: {  	[spmem:s3] =	stream.indirect.scatter.add.f32 [tilespmem:s20], [sflag:$0x9], $0x20, s17, s14, $0xb8;
	[tilespmem:$0xCE40] =	vst v63  }
0x8b: {  	_ =	swait.ge [sflag:s29], $0xA00  }
0x8c: {  	[sflag:s29] =	ssyncset.done $0x0  }
0x8d: {  	s19 =	simm.s32 $0x4DD0;
	[sflag:s29] =	ssyncadd.s32 $0xFFFFF600  }
0x8e: {  	[spmem:s3] =	stream.indirect.scatter.add.f32 [tilespmem:s22], [sflag:$0xA], $0x20, s19, s14, $0xb8;
	[tilespmem:$0xCE40] =	vst v63  }
0x8f: {  	_ =	swait.ge [sflag:s30], $0xA00  }
0x90: {  	[sflag:s30] =	ssyncset.done $0x0  }
0x91: {  	[sflag:s30] =	ssyncadd.s32 $0xFFFFF600  }
0x92: {  	_ =	swait.ge [sflag:s31], $0xA00  }
0x93: {  	[sflag:s31] =	ssyncset.done $0x0  }
0x94: {  	[sflag:s31] =	ssyncadd.s32 $0xFFFFF600  }
0x95: {  	_ =	swait.ge [sflag:s2], $0xA00  }
0x96: {  	[sflag:s2] =	ssyncset.done $0x0  }
0x97: {  	[sflag:s2] =	ssyncadd.s32 $0xFFFFF600  }
0x98: {  	_ =	swait.ge [sflag:s0], $0xA00  }
0x99: {  	[sflag:s0] =	ssyncset.done $0x0  }
0x9a: {  	[sflag:s0] =	ssyncadd.s32 $0xFFFFF600  }
0x9b: {  	_ =	swait.ge [sflag:s11], $0xA00  }
0x9c: {  	s21 =	sadd.s32 $0x1, s21;
	[sflag:s11] =	ssyncset.done $0x0  }
0x9d: {  	p1 =	sne.s32 s21, s9;
	[sflag:s11] =	ssyncadd.s32 $0xFFFFF600  }
.Ltmp1:
0x9e: {  	s5 =	simm.s32 @!p0 $0xB;
	[bflag:$0x0] =	sbarrier.arrive $0xFFFF;
	(pc) =	sbr.rel @p1 .LBB2_1-.Ltmp1, $4  }
0x9f: {  	[hbm:s8], [sflag:s12] =	dma.local @!p0 [spmem:s25], $0xFA0  }
0xa0: {  	_ =	swait.ge @!p0 [sflag:s5], $0xFA0  }
0xa1: {  	[sflag:s5] =	ssyncset.done @!p0 $0x0  }
0xa2: {  	[sflag:s5] =	ssyncadd.s32 @!p0 $0xFFFFF060  }
0xa3: {  	_ =	sfence.sel $0x180000  }
0xa4: {  	[bflag:$0x0] =	sbarrier.arrive $0xFFFF  }
0xa5: {  	_ =	strace $0x9000004D  }
0xa6: {  	s0 =	stileid.u32;
	[bflag:$0x2] =	sbarrier.arrive $0xFFFF  }
0xa7: {  	p0 =	sne.s32 s0, $0x0;
	s0 =	rddreg [dreg:$0x3]  }
0xa8: {  	s0 =	sadd.s32 @!p0 $0x100000, s0  }
0xa9: {  	[sflag:s0] =	ssyncadd.tile.s32 @!p0 $0x1;
	_ =	shalt  }
.Lfunc_end2:
_tile_overlayer_lowered:
.L_overlay_start_2:
0xaa: {  	(tag) =	ssettag $0x2  }
0xab: {  	s0 =	rddreg [dreg:$0x0];
	s2 =	stileid.u32  }
0xac: {  	s1 =	rddreg [dreg:$0x1];
	p0 =	sne.s32 s2, $0x0  }
0xad: {  	s3 =	rddreg [dreg:$0x2];
	[bflag:$0x3] =	sbarrier.arrive $0xFFFF;
	s2 =	simm.s32 @!p0 $0x1C0B  }
0xae: {  	[timem:s3], [sflag:s2] =	dma.local @!p0 [hbm:s0], s1  }
0xaf: {  	s0 =	simm.s32 @!p0 $0xB  }
0xb0: {  	_ =	swait.ge @!p0 [sflag:s0], s1  }
0xb1: {  	s1 =	ssub.s32 @!p0 $0x0, s1;
	[sflag:s0] =	ssyncset.done @!p0 $0x0  }
0xb2: {  	[sflag:s0] =	ssyncadd.s32 @!p0 s1  }
0xb3: {  	[bflag:$0x3] =	sbarrier.arrive $0xFFFF  }
0xb4: {  	_ =	shalt  }

// kernel: kernel.8.cloned.1.call-start
scs
__scs_entry_jumppad:
0x0: {  	(pc) =	sbr.rel $0x88, $3  }
0x1: {  	(tag) =	ssettag $0x0;
	lr =	simm.s32 $0x1  }
0x2: {  	[smem:$0x3F9B] =	sst lr;
	_ =	strace $0xD0000000  }
0x3: {  	_ = 	snop  }
0x4: {  	_ = 	snop  }
0x5: {  	_ = 	snop  }
0x6: {  	_ = 	snop  }
0x7: {  	_ = 	snop  }
__scs_overlays_trampoline_lowered:
0x8: {  	[smem:$0x3FAA] =	sst s0  }
0x9: {  	[smem:$0x3FAB] =	sst s1  }
0xa: {  	[smem:$0x3FAC] =	sst s2  }
0xb: {  	[smem:$0x3FAD] =	sst s3  }
0xc: {  	[smem:$0x3FAE] =	sst s4  }
0xd: {  	[smem:$0x3FAF] =	sst s5  }
0xe: {  	[smem:$0x3FB0] =	sst s6  }
0xf: {  	[smem:$0x3FB1] =	sst s7  }
0x10: {  	[smem:$0x3FB2] =	sst s8  }
0x11: {  	[smem:$0x3FB3] =	sst s9;
	s0 =	simm.s32 @!p0 $0x0  }
0x12: {  	s1 =	sld [smem:$0x3F99];
	s0 =	simm.s32 @p0 $0x1  }
0x13: {  	[smem:$0x3FB4] =	sst s0;
	s0 =	simm.s32 @!p1 $0x0  }
0x14: {  	s2 =	sld [smem:$0x3F98];
	s0 =	simm.s32 @p1 $0x1  }
0x15: {  	[smem:$0x3FB5] =	sst s0;
	s0 =	simm.s32 @!p2 $0x0  }
0x16: {  	s3 =	sld [smem:$0x3FDB];
	s0 =	simm.s32 @p2 $0x1  }
0x17: {  	s4 =	simm.s32 $0x1BF5;
	[smem:$0x3FB7] =	sst s0  }
0x18: {  	s0 =	sld [smem:$0x3F9A];
	_ =	swait.ge [sflag:s4], $0x0  }
0x19: {  	s7 =	sld [smem:$0x3F9B]  }
0x1a: {  	s8 =	sadd.s32 $0xFFFFE003, lr  }
0x1b: {  	s9 =	sadd.s32 $0xFFFFFEF7, lr;
	s5 =	simm.s32 $0xFFFFFFFF;
	p2 =	slt.u32 s8, $0xFFFFF086  }
0x1c: {  	p1 =	slt.u32 s9, $0xF7A;
	s5 =	simm.s32 @!p2 $0x0  }
0x1d: {  	s5 =	simm.s32 @p1 $0x1;
	p0 =	seq.s32 s7, s2  }
0x1e: {  	s7 =	smul.u32 @!p0 $0xF7A, s2;
	p2 =	seq.s32 @!p0 s5, $0x0  }
0x1f: {  	s9 =	smul.u32 $0xF7A, s1;
	s8 =	simm.s32 @!p0 $0x1BF5;
	p2 =	por !p2, p0  }
0x20: {  	[sflag:s8] =	ssyncset.s32 @!p0 $0xFFFFF086;
	s6 =	sadd.s32 @!p0 s3, s7;
	s7 =	simm.s32 @!p0 $0x108  }
0x21: {  	s3 =	sadd.s32 s3, s9;
	s6 =	sadd.s32 @!p0 $0x88, s6;
	s7 =	simm.s32 @p2 $0x1082  }
0x22: {  	[simem:s7], [sflag:s8] =	dma.local @!p0 [hbm:s6], $0xF7A  }
0x23: {  	s9 =	sor.u32 $0xD0000000, s2;
	s6 =	simm.s32 $0x108;
	_ =	swait.ge @!p0 [sflag:s8], $0x0  }
0x24: {  	s3 =	sadd.s32 $0x88, s3;
	s6 =	simm.s32 @!p1 $0x1082;
	[sflag:s4] =	ssyncset.s32 $0xFFFFF086  }
0x25: {  	[simem:s6], [sflag:s4] =	dma.local [hbm:s3], $0xF7A  }
0x26: {  	[smem:$0x3F9B] =	sst s1;
	(tag) =	ssettag s2;
	_ =	strace s9  }
0x27: {  	s1 =	sld [smem:$0x3FAB]  }
0x28: {  	s2 =	sld [smem:$0x3FAC]  }
0x29: {  	s4 =	sld [smem:$0x3FAE]  }
0x2a: {  	p0 =	seq.s32 s5, $0x0;
	s5 =	sld [smem:$0x3FAF]  }
0x2b: {  	s6 =	sld [smem:$0x3FB0]  }
0x2c: {  	s7 =	sld [smem:$0x3FB1]  }
0x2d: {  	s3 =	simm.s32 $0x108;
	s8 =	sld [smem:$0x3FB2]  }
0x2e: {  	s3 =	simm.s32 @!p0 $0x1082;
	s9 =	sld [smem:$0x3FB3]  }
0x2f: {  	lr =	sadd.s32 s0, s3;
	s0 =	sld [smem:$0x3FAA]  }
0x30: {  	s3 =	sld [smem:$0x3FAD]  }
0x31: {  	[smem:$0x3FB6] =	sst s10  }
0x32: {  	s10 =	sld [smem:$0x3FB4];
	_ =	sdelay $0x3  }
0x33: {  	p0 =	seq.s32 s10, $0x1;
	s10 =	sld [smem:$0x3FB6];
	_ =	sdelay $0x3  }
0x34: {  	[smem:$0x3FB6] =	sst s10  }
0x35: {  	s10 =	sld [smem:$0x3FB5];
	_ =	sdelay $0x3  }
0x36: {  	p1 =	seq.s32 s10, $0x1;
	s10 =	sld [smem:$0x3FB6];
	_ =	sdelay $0x3  }
0x37: {  	[smem:$0x3FB6] =	sst s10  }
0x38: {  	s10 =	sld [smem:$0x3FB7]  }
0x39: {  	_ = 	snop;
	(pc) =	sbr.ind lr, $3  }
0x3a: {  	_ = 	snop  }
0x3b: {  	_ = 	snop  }
0x3c: {  	p2 =	seq.s32 s10, $0x1;
	s10 =	sld [smem:$0x3FB6]  }
0x3d: {  	_ =	shalt  }
0x3e: {  	_ =	shalt  }
0x3f: {  	_ =	shalt  }
0x40: {  	_ =	shalt  }
0x41: {  	_ =	shalt  }
0x42: {  	_ =	shalt  }
0x43: {  	_ =	shalt  }
0x44: {  	_ =	shalt  }
0x45: {  	_ =	shalt  }
0x46: {  	_ =	shalt  }
0x47: {  	_ =	shalt  }
0x48: {  	_ =	shalt  }
0x49: {  	_ =	shalt  }
0x4a: {  	_ =	shalt  }
0x4b: {  	_ =	shalt  }
0x4c: {  	_ =	shalt  }
0x4d: {  	_ =	shalt  }
0x4e: {  	_ =	shalt  }
0x4f: {  	_ =	shalt  }
0x50: {  	_ =	shalt  }
0x51: {  	_ =	shalt  }
0x52: {  	_ =	shalt  }
0x53: {  	_ =	shalt  }
0x54: {  	_ =	shalt  }
0x55: {  	_ =	shalt  }
0x56: {  	_ =	shalt  }
0x57: {  	_ =	shalt  }
0x58: {  	_ =	shalt  }
0x59: {  	_ =	shalt  }
0x5a: {  	_ =	shalt  }
0x5b: {  	_ =	shalt  }
0x5c: {  	_ =	shalt  }
0x5d: {  	_ =	shalt  }
0x5e: {  	_ =	shalt  }
0x5f: {  	_ =	shalt  }
0x60: {  	_ =	shalt  }
0x61: {  	_ =	shalt  }
0x62: {  	_ =	shalt  }
0x63: {  	_ =	shalt  }
0x64: {  	_ =	shalt  }
0x65: {  	_ =	shalt  }
0x66: {  	_ =	shalt  }
0x67: {  	_ =	shalt  }
0x68: {  	_ =	shalt  }
0x69: {  	_ =	shalt  }
0x6a: {  	_ =	shalt  }
0x6b: {  	_ =	shalt  }
0x6c: {  	_ =	shalt  }
0x6d: {  	_ =	shalt  }
0x6e: {  	_ =	shalt  }
0x6f: {  	_ =	shalt  }
0x70: {  	_ =	shalt  }
0x71: {  	_ =	shalt  }
0x72: {  	_ =	shalt  }
0x73: {  	_ =	shalt  }
0x74: {  	_ =	shalt  }
0x75: {  	_ =	shalt  }
0x76: {  	_ =	shalt  }
0x77: {  	_ =	shalt  }
0x78: {  	_ =	shalt  }
0x79: {  	_ =	shalt  }
0x7a: {  	_ =	shalt  }
0x7b: {  	_ =	shalt  }
0x7c: {  	_ =	shalt  }
0x7d: {  	_ =	shalt  }
0x7e: {  	_ =	shalt  }
0x7f: {  	_ =	shalt  }
0x80: {  	_ =	shalt  }
0x81: {  	_ =	shalt  }
0x82: {  	_ =	shalt  }
0x83: {  	_ =	shalt  }
0x84: {  	_ =	shalt  }
0x85: {  	_ =	shalt  }
0x86: {  	_ =	shalt  }
0x87: {  	_ =	shalt  }
.Lfunc_end0:
.L_simem_size_0:
called_computation_lowered:
.L_overlay_start_0:
0x88: {  	s2 =	sld [smem:$0x3FD9]  }
0x89: {  	s3 =	sld [smem:$0x3FFE];
	_ =	sdelay $0x1  }
0x8a: {  	s1 =	srdreg.scid  }
0x8b: {  	s0 =	sand.u32 $0x1, s1  }
0x8c: {  	s17 =	sshll.u32 s0, $0xA;
	s2 =	sadd.s32 s3, s2  }
0x8d: {  	s2 =	sadd.s32 s2, s17  }
0x8e: {  	[smem:$0x3FC2] =	sst s2  }
0x8f: {  	_ = 	snop  }
0x90: {  	s2 =	sld [smem:$0x3FD0];
	(tm) =	ssettm $0x1  }
0x91: {  	s18 =	sld [smem:$0x3FFB];
	_ =	sdelay $0x3  }
0x92: {  	_ =	strace s18  }
0x93: {  	s3 =	sld [smem:$0x3FFC];
	_ =	sdelay $0x3  }
0x94: {  	_ =	strace s3  }
0x95: {  	s3 =	sld [smem:$0x3FFD];
	_ =	sdelay $0x3  }
0x96: {  	_ =	strace s3  }
0x97: {  	_ =	strace $0x8FFFFFFF  }
0x98: {  	s19 =	sld [smem:$0x3FDB];
	_ =	sdelay $0x1  }
0x99: {  	s4 =	simm.s32 $_scs_section_size  }
0x9a: {  	s5 =	simm.s32 $_size__tile_overlayer_lowered;
	s6 =	simm.s32 $_tile_overlayer_lowered  }
0x9b: {  	s22 =	simm.s32 $0x1BFF;
	s21 =	sshll.u32 s6, $0x1;
	s3 =	sadd.s32 s4, s19  }
0x9c: {  	s7 =	simm.s32 $0x0;
	s20 =	sshll.u32 s5, $0x1;
	s5 =	sadd.s32 s21, s3  }
0x9d: {  	[timem:s7], [sflag:s22] =	dma.local [hbm:s5], s20  }
0x9e: {  	_ =	swait.ge [sflag:s22], s20  }
0x9f: {  	s4 =	ssub.s32 $0x0, s20;
	[sflag:s22] =	ssyncset.done $0x0  }
0xa0: {  	[sflag:s22] =	ssyncadd.s32 s4;
	_ =	sdelay $0x1  }
0xa1: {  	s23 =	simm.s32 $0x1B8B  }
0xa2: {  	_ =	swait.ge [sflag:s23], $0x1  }
0xa3: {  	[sflag:s23] =	ssyncset.done $0x0  }
0xa4: {  	s25 =	simm.s32 $0x1B8E;
	s24 =	sld [smem:$0x3FFE];
	[sflag:s23] =	ssyncadd.s32 $0xFFFFFFFF  }
0xa5: {  	s26 =	simm.s32 $execute0_lowered;
	[smem:$0x3FD2] =	sst s25  }
0xa6: {  	s5 =	sshll.u32 s26, $0x1;
	_ =	strace $0x80000046;
	[dreg:$0x1] =	wrdreg $0xFFFFFFFF  }
0xa7: {  	s28 =	simm.s32 $_size_execute0_lowered;
	s3 =	sadd.s32 s3, s5;
	[dreg:$0x0] =	wrdreg $0x0  }
0xa8: {  	s5 =	sshll.u32 s28, $0x1;
	[dreg:$0x2] =	wrdreg s3  }
0xa9: {  	[dreg:$0x3] =	wrdreg s5  }
0xaa: {  	[dreg:$0x4] =	wrdreg $0xC0  }
0xab: {  	_ =	task [dreg:s7], $0x5FFFF  }
0xac: {  	[dreg:$0x1] =	wrdreg $0xFFFFFFFF  }
0xad: {  	[dreg:$0x0] =	wrdreg $0x60  }
0xae: {  	[dreg:$0x2] =	wrdreg s24  }
0xaf: {  	[dreg:$0x3] =	wrdreg s2  }
0xb0: {  	[dreg:$0x4] =	wrdreg $0x6F000  }
0xb1: {  	[dreg:$0x5] =	wrdreg $0x9  }
0xb2: {  	_ =	task.clear_ibuf [dreg:s7], $0x6FFFF;
	_ =	strace $0x90000046  }
0xb3: {  	s29 =	simm.s32 $0x9;
	_ =	strace $0x80000048  }
0xb4: {  	_ =	swait.ge [sflag:s29], $0x1  }
0xb5: {  	[sflag:s29] =	ssyncadd.s32 $0xFFFFFFFF  }
0xb6: {  	_ =	strace $0x90000048  }
0xb7: {  	_ =	sfence  }
0xb8: {  	s30 =	sld [smem:$0x0];
	_ =	sdelay $0x2  }
0xb9: {  	s31 =	sshll.u32 s1, $0xD;
	s1 =	sshrl.u32 s1, $0x2  }
0xba: {  	s3 =	sand.u32 $0x4000, s31;
	s1 =	sadd.s32 s1, s30  }
0xbb: {  	s0 =	sor.u32 s3, s0;
	s1 =	sshll.u32 s1, $0x11  }
0xbc: {  	s0 =	sor.u32 s1, s0  }
0xbd: {  	s0 =	sadd.s32 $0x8F2B, s0  }
0xbe: {  	[sflag:s0] =	ssyncadd.remote.s32 $0x1  }
0xbf: {  	_ =	sfence.sel $0xFFFF  }
0xc0: {  	[dreg:$0x0] =	wrdreg $0xFFFFFFFF;
	(pc) =	sbr.abs _section_cstart, $3  }
0xc1: {  	[dreg:$0x1] =	wrdreg $0xFFFFFFFF  }
0xc2: {  	_ =	task.clear_ibuf [dreg:s7], $0x2FFFF;
	_ =	strace $0x9FFFFFFF  }
0xc3: {  	(tm) =	ssettm $0x7FFFFFFF  }
tec
execute0_lowered:
.L_overlay_start_1:
0x0: {  	(tag) =	ssettag $0x1  }
0x1: {  	s6 =	rddreg [dreg:$0x0]  }
0x2: {  	s7 =	rddreg [dreg:$0x1]  }
0x3: {  	s2 =	rddreg [dreg:$0x2]  }
0x4: {  	s0 =	rddreg [dreg:$0x3]  }
0x5: {  	s3 =	simm.s32 $0x0;
	s4 =	srdreg.scid;
	s1 =	stileid.u32  }
0x6: {  	s16 =	simm.s32 $0x1;
	s19 =	simm.s32 $0x2C10;
	s20 =	simm.s32 $0x6B10  }
0x7: {  	s21 =	simm.s32 $0x0;
	s8 =	sand.u32 $0x1, s4;
	s9 =	smul.u32 $0x3E8, s1  }
0x8: {  	s29 =	sshll.u32 s1, $0x1;
	[smem:$0x7FF] =	sst s3;
	s12 =	smul.u32 $0xFA00, s1  }
0x9: {  	s5 =	sadd.s32 $0x15E00, s6;
	s14 =	smul.u32 $0x3E80, s1;
	p0 =	sgt.u32 s1, $0x9  }
0xa: {  	s17 =	sshll.u32 s1, $0x6;
	s10 =	smul.u32 $0x2710, s8;
	s4 =	sor.u32 s8, s29  }
0xb: {  	_ =	strace $0x80000047;
	s30 =	ssub.s32 $0x2, s8;
	s8 =	smul.u32 $0x27100, s8  }
0xc: {  	s17 =	sor.u32 $0x1C02, s17;
	s11 =	smul.u32 $0x2710, s4;
	s4 =	sadd.s32 $0x16600, s6  }
0xd: {  	s13 =	sshrl.u32 s30, $0x1;
	s31 =	sshrl.u32 s12, $0x2;
	s12 =	simm.s32 $0x2710  }
0xe: {  	s9 =	sadd.s32 s9, s10;
	s10 =	ssub.s32 s30, s13;
	s8 =	sadd.s32 s14, s8  }
0xf: {  	s15 =	sadd.s32 s31, s2;
	s13 =	sshll.u32 @!p0 s1, $0x6;
	s9 =	sshrl.u32 s9, $0x3  }
.Ltmp0:
0x10: {  	s11 =	sshrl.u32 s11, $0x3;
	s8 =	sshrl.u32 s8, $0x3;
	(pc) =	sbr.rel .LBB2_1-.Ltmp0, $4  }
0x11: {  	s10 =	smax.u32 s10, $0x1;
	s13 =	sor.u32 @!p0 $0x1C02, s13;
	s9 =	sadd.s32 s9, s6  }
0x12: {  	s6 =	sadd.s32 s6, s11;
	s7 =	sadd.s32 s7, s8;
	s8 =	sadd.s32 s14, s2  }
0x13: {  	v0 =	vlaneseq.u32;
	s11 =	simm.s32 $0x2;
	s14 =	sshrl.u32 @!p0 s15, $0x3;
	s15 =	simm.s32 $0x50  }
0x14: {  	v0 =	vmul.u32 $0x10, v0;
	s6 =	sadd.s32 $0xC040, s6;
	s9 =	sadd.s32 $0x16800, s9;
	s18 =	sshrl.u32 s8, $0x3  }
.LBB2_8:
0x15: {  	v2 =	vshll.u32 v2, $0x4  }
0x16: {  	v2 =	vor.u32 v0, v2;
	_ =	sdelay $0x2  }
0x17: {  	s22 =	sadd.s32 $0x10, s22  }
0x18: {  	[tilespmem:s22+$0x0] =	vst v1  }
0x19: {  	v1 =	vld.idx.msk [tilespmem:v2+s19+$0x0], $0xffff;
	_ =	sdelay $0x3  }
0x1a: {  	s22 =	sadd.s32 $0x10, s22  }
0x1b: {  	[tilespmem:s22+$0x0] =	vst v1  }
0x1c: {  	[hbm4b:s9+s3] =	stream.linear.scatter [tilespmem:s20], [sflag:$0x2], $0x3E8, $0x38;
	[tilespmem:$0x9610] =	vst v63  }
0x1d: {  	_ =	swait.ge [sflag:s11], $0x3E8  }
0x1e: {  	[sflag:s11] =	ssyncset.done $0x0  }
0x1f: {  	[sflag:s11] =	ssyncadd.s32 $0xFFFFFC18  }
.LBB2_9:
0x20: {  	s21 =	sadd.s32 $0x1, s21  }
0x21: {  	p1 =	sne.s32 s21, s10  }
.Ltmp1:
0x22: {  	_ = 	snop;
	(pc) =	sbr.rel @!p1 .LBB2_10-.Ltmp1, $1  }
0x23: {  	_ =	sdelay $0x3  }
.LBB2_1:
0x24: {  	[tilespmem:s3], [sflag:$0x2] =	stream.linear.gather [hbm4b:s6+s3], $0x2710, $0x38;
	[tilespmem:$0x9610] =	vst v63  }
0x25: {  	_ =	swait.ge [sflag:s11], $0x2710  }
0x26: {  	[sflag:s11] =	ssyncset.done $0x0  }
0x27: {  	[sflag:s11] =	ssyncadd.s32 $0xFFFFD8F0  }
0x28: {  	[tilespmem:s12], [sflag:$0x2] =	stream.linear.gather [hbm4b:s4+s3], $0x500, $0x38;
	[tilespmem:$0x9610] =	vst v63  }
0x29: {  	_ =	swait.ge [sflag:s11], $0x500  }
0x2a: {  	[sflag:s11] =	ssyncset.done $0x0  }
0x2b: {  	s22 =	simm.s32 @!p0 $0x2;
	[sflag:s11] =	ssyncadd.s32 $0xFFFFFB00  }
0x2c: {  	[spmem:s14], [sflag:s13] =	dma.local @!p0 [hbm:s5], $0x7D0  }
0x2d: {  	_ =	swait.ge @!p0 [sflag:s22], $0x7D0  }
0x2e: {  	[sflag:s22] =	ssyncset.done @!p0 $0x0  }
0x2f: {  	[sflag:s22] =	ssyncadd.s32 @!p0 $0xFFFFF830  }
0x30: {  	s22 =	simm.s32 $0x0;
	[bflag:$0x0] =	sbarrier.arrive $0xFFFF  }
.LBB2_2:
0x31: {  	p1 =	sne.s32 s22, $0x9B00  }
.Ltmp2:
0x32: {  	_ = 	snop;
	(pc) =	sbr.rel @p1 .LBB2_2-.Ltmp2, $3  }
0x33: {  	_ =	sdelay $0x1  }
0x34: {  	s23 =	sshra.s32 s22, $0x2;
	s22 =	sadd.s32 $0x140, s22  }
0x35: {  	[spmem:s2] =	stream.indirect.scatter.add.f32 [tilespmem:s12], [sflag:$0x1], $0x10, s23, s15, $0xb8;
	[tilespmem:$0x9610] =	vst v63  }
0x36: {  	_ =	swait.ge [sflag:s16], $0x500  }
0x37: {  	s22 =	simm.s32 $0x7C;
	[sflag:s16] =	ssyncset.done $0x0  }
.LBB2_4:
0x38: {  	p1 =	sne.s32 s22, $0x1;
	s22 =	sadd.s32 $0xFFFFFFFF, s22;
	[sflag:s16] =	ssyncadd.s32 $0xFFFFFB00  }
.Ltmp3:
0x39: {  	(pc) =	sbr.rel @p1 .LBB2_4-.Ltmp3, $3  }
0x3a: {  	_ =	sdelay $0x1  }
0x3b: {  	_ =	swait.ge [sflag:s16], $0x500  }
0x3c: {  	[sflag:s16] =	ssyncset.done $0x0  }
.Ltmp4:
0x3d: {  	(pc) =	sbr.rel @p0 .LBB2_9-.Ltmp4, $3  }
0x3e: {  	_ = 	snop  }
0x3f: {  	[sflag:s16] =	ssyncadd.s32 $0xFFFFFB00  }
0x40: {  	[bflag:$0x0] =	sbarrier.arrive $0xFFFF;
	_ =	sdelay $0x1  }
0x41: {  	[hbm:s7], [sflag:s17] =	dma.local [spmem:s18], $0x7D0  }
0x42: {  	s22 =	simm.s32 $0x0  }
0x43: {  	_ =	swait.ge [sflag:s11], $0x7D0;
	v1 =	vmov s22  }
0x44: {  	[sflag:s11] =	ssyncset.done $0x0;
	v1 =	vshll.u32 v1, $0x4  }
0x45: {  	[sflag:s11] =	ssyncadd.s32 $0xFFFFF830;
	v1 =	vor.u32 v0, v1  }
0x46: {  	[tilespmem:s19], [sflag:$0x2] =	stream.linear.gather [spmem:s8], $0x3E80, $0x38;
	[tilespmem:$0x9610] =	vst v63  }
0x47: {  	_ =	swait.ge [sflag:s11], $0x3E80  }
0x48: {  	s31 =	simm.s32 $0x10;
	[sflag:s11] =	ssyncset.done $0x0  }
0x49: {  	v2 =	vmov s31;
	[sflag:s11] =	ssyncadd.s32 $0xFFFFC180  }
0x4a: {  	v2 =	vshll.u32 v2, $0x4;
	v1 =	vld.idx.msk [tilespmem:v1+s19+$0x0], $0xffff  }
0x4b: {  	v3 =	vor.u32 v0, v2;
	_ =	sdelay $0x2  }
0x4c: {  	s22 =	simm.s32 $0x6B10  }
0x4d: {  	s23 =	simm.s32 $0x20;
	[tilespmem:s22+$0x0] =	vst v1  }
0x4e: {  	v2 =	vmov s23;
	s23 =	simm.s32 $0x30;
	v1 =	vld.idx.msk [tilespmem:v3+s19+$0x0], $0xffff  }
.LBB2_7:
0x4f: {  	p1 =	sne.s32 s23, $0x3E0;
	v2 =	vshll.u32 v2, $0x4  }
0x50: {  	v3 =	vor.u32 v0, v2  }
.Ltmp5:
0x51: {  	(pc) =	sbr.rel @p1 .LBB2_7-.Ltmp5, $4  }
0x52: {  	_ = 	snop  }
0x53: {  	s22 =	sadd.s32 $0x10, s22  }
0x54: {  	[tilespmem:s22+$0x0] =	vst v1  }
0x55: {  	v2 =	vmov s23;
	s23 =	sadd.s32 $0x10, s23;
	v1 =	vld.idx.msk [tilespmem:v3+s19+$0x0], $0xffff  }
.Ltmp6:
0x56: {  	_ = 	snop;
	(pc) =	sbr.rel .LBB2_8-.Ltmp6, $1  }
0x57: {  	_ =	sdelay $0x3  }
.LBB2_10:
0x58: {  	_ =	sfence.sel $0x180000  }
0x59: {  	[bflag:$0x0] =	sbarrier.arrive $0xFFFF  }
0x5a: {  	p0 =	sne.s32 s1, $0x0;
	_ =	strace $0x90000047  }
0x5b: {  	s0 =	sadd.s32 @!p0 $0x100000, s0;
	[bflag:$0x2] =	sbarrier.arrive $0xFFFF  }
0x5c: {  	[sflag:s0] =	ssyncadd.tile.s32 @!p0 $0x1;
	_ =	shalt  }
.Lfunc_end2:
_tile_overlayer_lowered:
.L_overlay_start_2:
0x5d: {  	(tag) =	ssettag $0x2  }
0x5e: {  	s0 =	rddreg [dreg:$0x0];
	s2 =	stileid.u32  }
0x5f: {  	s1 =	rddreg [dreg:$0x1];
	p0 =	sne.s32 s2, $0x0  }
0x60: {  	s3 =	rddreg [dreg:$0x2];
	[bflag:$0x3] =	sbarrier.arrive $0xFFFF;
	s2 =	simm.s32 @!p0 $0x1C02  }
0x61: {  	[timem:s3], [sflag:s2] =	dma.local @!p0 [hbm:s0], s1  }
0x62: {  	s0 =	simm.s32 @!p0 $0x2  }
0x63: {  	_ =	swait.ge @!p0 [sflag:s0], s1  }
0x64: {  	s1 =	ssub.s32 @!p0 $0x0, s1;
	[sflag:s0] =	ssyncset.done @!p0 $0x0  }
0x65: {  	[sflag:s0] =	ssyncadd.s32 @!p0 s1  }
0x66: {  	[bflag:$0x3] =	sbarrier.arrive $0xFFFF  }
0x67: {  	_ =	shalt  }

</sc_bundles>
